<compile_context>
chip_gen: v7x
topology: tpu7x:2x2x1
jax: 0.10.2.dev20260603
libtpu: 0.0.44.dev20260713+nightly
codegen_flags: <defaults>
</compile_context>

<pallas_src>
import jax
import jax.numpy as jnp
from jax import lax
from jax.experimental import pallas as pl
from jax.experimental.pallas import tpu as pltpu
from jax.experimental.pallas import tpu_sc as plsc

N = 10000
D = 128
E = 320000

NC = 2
NS = 16
CHUNK = 128
NPAD = 10240
EPAD = 327680
ITERS = EPAD // (NC * NS * CHUNK)
KB = 16
NB = ITERS // KB
ROWS_PER_TILE = NPAD // NS
E_PER_SC = EPAD // NC
E_PER_TILE = EPAD // (NC * NS)

_HIGH = lax.Precision.HIGHEST


def _sc_agg_body(h_hbm, row_hbm, col_hbm, out_hbm,
                 cv0, cv1, rv0, rv1, gb0, gb1, acc,
                 sic0, sic1, sir0, sir1, sg0, sg1):
    c = lax.axis_index("core")
    s = lax.axis_index("subcore")

    colv = (cv0, cv1)
    rowv = (rv0, rv1)
    gbufs = (gb0, gb1)
    sic = (sic0, sic1)
    sir = (sir0, sir1)
    sgs = (sg0, sg1)

    base = c * E_PER_SC + s * E_PER_TILE

    def ic_start(off, j, b):
        pltpu.async_copy(col_hbm.at[pl.ds(off + j * CHUNK, CHUNK)], colv[b], sic[b])

    def ic_wait(off, j, b):
        pltpu.make_async_copy(col_hbm.at[pl.ds(off + j * CHUNK, CHUNK)], colv[b], sic[b]).wait()

    def ir_start(off, j, b):
        pltpu.async_copy(row_hbm.at[pl.ds(off + j * CHUNK, CHUNK)], rowv[b], sir[b])

    def ir_wait(off, j, b):
        pltpu.make_async_copy(row_hbm.at[pl.ds(off + j * CHUNK, CHUNK)], rowv[b], sir[b]).wait()

    def g_start(b):
        pltpu.async_copy(h_hbm.at[colv[b]], gbufs[b], sgs[b])

    def g_wait(b):
        pltpu.make_async_copy(h_hbm.at[colv[b]], gbufs[b], sgs[b]).wait()

    @pl.loop(0, CHUNK)
    def _(r):
        @pl.loop(0, D, step=16)
        def _(j):
            gb0[r, pl.ds(j, 16)] = jnp.zeros((16,), jnp.float32)

    @pl.loop(0, ROWS_PER_TILE, step=CHUNK)
    def _(k):
        pltpu.sync_copy(gb0, acc.at[pl.ds(s * ROWS_PER_TILE + k, CHUNK)])

    plsc.subcore_barrier()

    @pl.loop(0, ITERS, step=KB)
    def _(g):
        off = base + g * CHUNK
        for b in range(2):
            ic_start(off, b, b)
            ir_start(off, b, b)
        for b in range(2):
            ic_wait(off, b, b)
            g_start(b)
        for j in range(KB):
            b = j % 2
            g_wait(b)
            if j + 2 < KB:
                ic_start(off, j + 2, b)
            ir_wait(off, j, b)
            pltpu.sync_copy(gbufs[b], acc.at[rowv[b]], add=True)
            if j + 2 < KB:
                ir_start(off, j + 2, b)
                ic_wait(off, j + 2, b)
                g_start(b)

    plsc.subcore_barrier()

    pltpu.sync_copy(acc.at[pl.ds(s * ROWS_PER_TILE, ROWS_PER_TILE)],
                    out_hbm.at[c, pl.ds(s * ROWS_PER_TILE, ROWS_PER_TILE)])


def _sc_aggregate(h, rowp, colp):
    mesh = plsc.VectorSubcoreMesh(core_axis_name="core", subcore_axis_name="subcore")
    k = pl.kernel(
        _sc_agg_body,
        out_type=jax.ShapeDtypeStruct((NC, NPAD, D), jnp.float32),
        mesh=mesh,
        scratch_types=(
            [pltpu.VMEM((CHUNK,), jnp.int32)] * 4
            + [pltpu.VMEM((CHUNK, D), jnp.float32)] * 2
            + [pltpu.VMEM_SHARED((NPAD, D), jnp.float32)]
            + [pltpu.SemaphoreType.DMA] * 6
        ),
    )
    return k(h, rowp, colp)


BLK = 1000
GRID = N // BLK


def _stage_a_body(x_ref, wt_ref, bt_ref, w1_ref, xt_ref, h1_ref):
    xt = jnp.dot(x_ref[...], wt_ref[...], precision=_HIGH,
                 preferred_element_type=jnp.float32) + bt_ref[...]
    xt_ref[...] = xt
    h1_ref[...] = jnp.dot(xt, w1_ref[...], precision=_HIGH,
                          preferred_element_type=jnp.float32)


def _stage_mid_body(xp_ref, p_ref, b_ref, w_ref, xn_ref, hn_ref):
    agg = p_ref[0] + p_ref[1] + b_ref[...]
    xn = xp_ref[...] + jnp.maximum(agg, 0.0)
    xn_ref[...] = xn
    hn_ref[...] = jnp.dot(xn, w_ref[...], precision=_HIGH,
                          preferred_element_type=jnp.float32)


def _stage_out_body(xp_ref, p_ref, b_ref, o_ref):
    agg = p_ref[0] + p_ref[1] + b_ref[...]
    o_ref[...] = xp_ref[...] + jnp.maximum(agg, 0.0)


_row_spec = pl.BlockSpec((BLK, D), lambda i: (i, 0))
_mat_spec = pl.BlockSpec((D, D), lambda i: (0, 0))
_vec_spec = pl.BlockSpec((1, D), lambda i: (0, 0))
_par_spec = pl.BlockSpec((NC, BLK, D), lambda i: (0, i, 0))
_rowD = jax.ShapeDtypeStruct((N, D), jnp.float32)


def _stage_a(x, wt, bt, w1):
    return pl.pallas_call(
        _stage_a_body,
        grid=(GRID,),
        in_specs=[_row_spec, _mat_spec, _vec_spec, _mat_spec],
        out_specs=[_row_spec, _row_spec],
        out_shape=[_rowD, _rowD],
    )(x, wt, bt, w1)


def _stage_mid(xp, p, b, w):
    return pl.pallas_call(
        _stage_mid_body,
        grid=(GRID,),
        in_specs=[_row_spec, _par_spec, _vec_spec, _mat_spec],
        out_specs=[_row_spec, _row_spec],
        out_shape=[_rowD, _rowD],
    )(xp, p, b, w)


def _stage_out(xp, p, b):
    return pl.pallas_call(
        _stage_out_body,
        grid=(GRID,),
        in_specs=[_row_spec, _par_spec, _vec_spec],
        out_specs=_row_spec,
        out_shape=_rowD,
    )(xp, p, b)


@jax.jit
def kernel(x, edge_index, Wt, bt, W1, b1, W2, b2):
    row = edge_index[0]
    col = edge_index[1]
    npad = EPAD - E
    rowp = jnp.concatenate([row, jnp.full((npad,), N, jnp.int32)])
    colp = jnp.concatenate([col, jnp.zeros((npad,), jnp.int32)])
    bt2 = bt.reshape(1, D)
    b12 = b1.reshape(1, D)
    b22 = b2.reshape(1, D)

    xt, h1 = _stage_a(x, Wt, bt2, W1)
    p1 = _sc_aggregate(h1, rowp, colp)
    x1, h2 = _stage_mid(xt, p1, b12, W2)
    p2 = _sc_aggregate(h2, rowp, colp)
    out = _stage_out(x1, p2, b22)
    return (out, jnp.float32(0.0))

# --- scband reference (transcript-rebuilt; emitter-appended) ---
"""Pipeline reference for scband-res-gcn-59957743452557 (READ-ONLY COPY).

The authoritative reference and input builder live on the scoring server;
editing this copy changes nothing except your own understanding.
"""

import jax, jax.numpy as jnp
import numpy as np

N_NODES = 10000
N_EDGES = 320000
D = 128


def setup_inputs(seed: int = 0) -> dict:
    key = jax.random.key(seed)
    ks = jax.random.split(key, 10)
    x = jax.random.normal(ks[0], (N_NODES, D), dtype=jnp.float32)
    edge_index = jax.random.randint(ks[1], (2, N_EDGES), 0, N_NODES, dtype=jnp.int64 if jax.config.jax_enable_x64 else jnp.int32).astype(jnp.int32)
    # transform: nn.Linear(in_features=128, hidden_dims[0]=128)
    lim = 1.0 / np.sqrt(D)
    Wt = jax.random.uniform(ks[2], (D, D), minval=-lim, maxval=lim, dtype=jnp.float32)
    bt = jax.random.uniform(ks[3], (D,), minval=-lim, maxval=lim, dtype=jnp.float32)
    # two Graph_Convolution layers, xavier_uniform weights, zero bias
    gl = np.sqrt(6.0 / (D + D))
    W1 = jax.random.uniform(ks[4], (D, D), minval=-gl, maxval=gl, dtype=jnp.float32)
    b1 = jnp.zeros((D,), dtype=jnp.float32)
    W2 = jax.random.uniform(ks[5], (D, D), minval=-gl, maxval=gl, dtype=jnp.float32)
    b2 = jnp.zeros((D,), dtype=jnp.float32)
    return {"x": x, "edge_index": edge_index, "Wt": Wt, "bt": bt, "W1": W1, "b1": b1, "W2": W2, "b2": b2}


def _gcn_layer(x, edge_index, W, b):
    h = jnp.matmul(x, W)
    row = edge_index[0]
    col = edge_index[1]
    out = jnp.zeros((x.shape[0], W.shape[1]), dtype=x.dtype).at[row].add(h[col])
    out = out + b
    return jax.nn.relu(out)


def reference(x, edge_index, Wt, bt, W1, b1, W2, b2):
    # transform linear
    x = jnp.matmul(x, Wt) + bt
    # layer 1 with residual
    x = x + _gcn_layer(x, edge_index, W1, b1)
    # dropout p=0.0 in eval -> identity
    # layer 2 with residual
    x = x + _gcn_layer(x, edge_index, W2, b2)
    # memory_alloc side-channel from torch.cuda -> constant 0.0
    return (x, jnp.float32(0.0))

if __name__ == "__main__":
    import jax
    _d = setup_inputs()
    print(jax.jit(kernel)(*tuple(_d.values())))

</pallas_src>

<mosaic_0001>
#map = affine_map<(d0, d1) -> (0, 0)>
#map1 = affine_map<(d0, d1) -> (0)>
#map2 = affine_map<(d0, d1) -> (0, 0, 0)>
module attributes {stable_mosaic.version = 14 : i64} {
  func.func @_sc_agg_body(%arg0: i32, %arg1: i32, %arg2: memref<10000x128xf32, #tpu.memory_space<hbm>>, %arg3: memref<327680xi32, #tpu.memory_space<hbm>>, %arg4: memref<327680xi32, #tpu.memory_space<hbm>>, %arg5: memref<2x10240x128xf32, #tpu.memory_space<hbm>>, %arg6: memref<128xi32, #tpu.memory_space<vmem>>, %arg7: memref<128xi32, #tpu.memory_space<vmem>>, %arg8: memref<128xi32, #tpu.memory_space<vmem>>, %arg9: memref<128xi32, #tpu.memory_space<vmem>>, %arg10: memref<128x128xf32, #tpu.memory_space<vmem>>, %arg11: memref<128x128xf32, #tpu.memory_space<vmem>>, %arg12: memref<10240x128xf32, #tpu.memory_space<vmem_shared>>, %arg13: memref<!tpu.dma_semaphore, #tpu.memory_space<semaphore_mem>>, %arg14: memref<!tpu.dma_semaphore, #tpu.memory_space<semaphore_mem>>, %arg15: memref<!tpu.dma_semaphore, #tpu.memory_space<semaphore_mem>>, %arg16: memref<!tpu.dma_semaphore, #tpu.memory_space<semaphore_mem>>, %arg17: memref<!tpu.dma_semaphore, #tpu.memory_space<semaphore_mem>>, %arg18: memref<!tpu.dma_semaphore, #tpu.memory_space<semaphore_mem>>) attributes {dimension_semantics = [#tpu.dimension_semantics<core_parallel>, #tpu.dimension_semantics<subcore_parallel>], iteration_bounds = array<i64: 2, 16>, scalar_prefetch = 0 : i64, scratch_operands = 13 : i64, tpu.core_type = #tpu.core_type<sc_vector_subcore>, window_params = [{transform_indices = #map}, {transform_indices = #map1}, {transform_indices = #map1}, {transform_indices = #map2}]} {
    %mul3A = arith.constant 163840 : i32
    %mul3A_0 = arith.muli %arg0, %mul3A : i32
    %mul3A_1 = arith.constant 10240 : i32
    %mul3A_2 = arith.muli %arg1, %mul3A_1 : i32
    %add3A = arith.addi %mul3A_0, %mul3A_2 : i32
    %scan3A = arith.constant 0 : i32
    %scan3A_3 = arith.constant 128 : i32
    %scan3A_4 = arith.addi %scan3A, %scan3A_3 : i32
    %scan3A_5 = arith.constant 1 : i32
    scf.for %scan3A_22 = %scan3A to %scan3A_4 step %scan3A_5  : i32 {
      %mul3A_23 = arith.constant 1 : i32
      %mul3A_24 = arith.muli %scan3A_22, %mul3A_23 : i32
      %add3A_25 = arith.constant 0 : i32
      %add3A_26 = arith.addi %add3A_25, %mul3A_24 : i32
      %scan3A_27 = arith.constant 0 : i32
      %scan3A_28 = arith.constant 8 : i32
      %scan3A_29 = arith.addi %scan3A_27, %scan3A_28 : i32
      %scan3A_30 = arith.constant 1 : i32
      scf.for %scan3A_32 = %scan3A_27 to %scan3A_29 step %scan3A_30  : i32 {
        %mul3A_33 = arith.constant 16 : i32
        %mul3A_34 = arith.muli %scan3A_32, %mul3A_33 : i32
        %add3A_35 = arith.constant 0 : i32
        %add3A_36 = arith.addi %add3A_35, %mul3A_34 : i32
        %broadcast_in_dim3A = arith.constant 0.000000e+00 : f32
        %broadcast_in_dim3A_37 = vector.broadcast %broadcast_in_dim3A : f32 to vector<16xf32>
        %swap3A = arith.index_cast %add3A_26 : i32 to index
        %swap3A_38 = arith.index_cast %add3A_36 : i32 to index
        %swap3A_39 = tpu.vector_load %arg10[%swap3A, %swap3A_38] {strides = array<i32>} : memref<128x128xf32, #tpu.memory_space<vmem>>, vector<1x16xf32>,
        %swap3A_40 = vector.shape_cast %swap3A_39 : vector<1x16xf32> to vector<16xf32>
        %swap3A_41 = vector.shape_cast %broadcast_in_dim3A_37 : vector<16xf32> to vector<1x16xf32>
        tpu.vector_store %arg10[%swap3A, %swap3A_38], %swap3A_41 {strides = array<i32>} : memref<128x128xf32, #tpu.memory_space<vmem>>, vector<1x16xf32>,
      }
      %scan3A_31 = arith.constant 8 : i32
    }
    %scan3A_6 = arith.constant 128 : i32
    %scan3A_7 = arith.constant 0 : i32
    %scan3A_8 = arith.constant 5 : i32
    %scan3A_9 = arith.addi %scan3A_7, %scan3A_8 : i32
    %scan3A_10 = arith.constant 1 : i32
    scf.for %scan3A_22 = %scan3A_7 to %scan3A_9 step %scan3A_10  : i32 {
      %mul3A_23 = arith.constant 128 : i32
      %mul3A_24 = arith.muli %scan3A_22, %mul3A_23 : i32
      %add3A_25 = arith.constant 0 : i32
      %add3A_26 = arith.addi %add3A_25, %mul3A_24 : i32
      %mul3A_27 = arith.constant 640 : i32
      %mul3A_28 = arith.muli %arg1, %mul3A_27 : i32
      %add3A_29 = arith.addi %mul3A_28, %add3A_26 : i32
      "tpu.region"() ({
        %run_scoped3A = tpu.sem_alloc : memref<!tpu.dma_semaphore, #tpu.memory_space<semaphore_mem>>
        %dma_start3A = arith.constant 0 : i32
        %dma_start3A_30 = tpu.memref_slice %arg12[%add3A_29, %dma_start3A] : memref<10240x128xf32, #tpu.memory_space<vmem_shared>> -> memref<128x128xf32, #tpu.memory_space<vmem_shared>>
        %dma_start3A_31 = arith.constant 0 : i32
        %dma_start3A_32 = tpu.memref_slice %arg12[%add3A_29, %dma_start3A_31] : memref<10240x128xf32, #tpu.memory_space<vmem_shared>> -> memref<128x128xf32, #tpu.memory_space<vmem_shared>>
        tpu.enqueue_dma source(%arg10 : memref<128x128xf32, #tpu.memory_space<vmem>>) target(%dma_start3A_32 : memref<128x128xf32, #tpu.memory_space<vmem_shared>>) target_semaphore(%run_scoped3A : memref<!tpu.dma_semaphore, #tpu.memory_space<semaphore_mem>>)
        %dma_wait3A = arith.constant 0 : i32
        %dma_wait3A_33 = tpu.memref_slice %arg12[%add3A_29, %dma_wait3A] : memref<10240x128xf32, #tpu.memory_space<vmem_shared>> -> memref<128x128xf32, #tpu.memory_space<vmem_shared>>
        %dma_wait3A_34 = arith.constant 0 : i32
        %dma_wait3A_35 = tpu.memref_slice %arg12[%add3A_29, %dma_wait3A_34] : memref<10240x128xf32, #tpu.memory_space<vmem_shared>> -> memref<128x128xf32, #tpu.memory_space<vmem_shared>>
        tpu.wait_dma2 semaphore(%run_scoped3A : memref<!tpu.dma_semaphore, #tpu.memory_space<semaphore_mem>>) src(%arg10 : memref<128x128xf32, #tpu.memory_space<vmem>>) dst(%dma_wait3A_35 : memref<128x128xf32, #tpu.memory_space<vmem_shared>>)
        tpu.yield
      }) : () -> ()
    }
    %scan3A_11 = arith.constant 5 : i32
    %barrier3A = arith.constant 0 : index
    tpu.barrier barrier_id(%barrier3A)
    %scan3A_12 = arith.constant 0 : i32
    %scan3A_13 = arith.constant 5 : i32
    %scan3A_14 = arith.addi %scan3A_12, %scan3A_13 : i32
    %scan3A_15 = arith.constant 1 : i32
    scf.for %scan3A_22 = %scan3A_12 to %scan3A_14 step %scan3A_15  : i32 {
      %mul3A_23 = arith.constant 16 : i32
      %mul3A_24 = arith.muli %scan3A_22, %mul3A_23 : i32
      %add3A_25 = arith.constant 0 : i32
      %add3A_26 = arith.addi %add3A_25, %mul3A_24 : i32
      %mul3A_27 = arith.constant 128 : i32
      %mul3A_28 = arith.muli %add3A_26, %mul3A_27 : i32
      %add3A_29 = arith.addi %add3A, %mul3A_28 : i32
      %add3A_30 = arith.constant 0 : i32
      %add3A_31 = arith.addi %add3A_29, %add3A_30 : i32
      %dma_start3A = tpu.memref_slice %arg4[%add3A_31] : memref<327680xi32, #tpu.memory_space<hbm>> -> memref<128xi32, #tpu.memory_space<hbm>>
      %dma_start3A_32 = tpu.memref_slice %arg4[%add3A_31] : memref<327680xi32, #tpu.memory_space<hbm>> -> memref<128xi32, #tpu.memory_space<hbm>>
      tpu.enqueue_dma source(%dma_start3A_32 : memref<128xi32, #tpu.memory_space<hbm>>) target(%arg6 : memref<128xi32, #tpu.memory_space<vmem>>) target_semaphore(%arg13 : memref<!tpu.dma_semaphore, #tpu.memory_space<semaphore_mem>>)
      %add3A_33 = arith.constant 0 : i32
      %add3A_34 = arith.addi %add3A_29, %add3A_33 : i32
      %dma_start3A_35 = tpu.memref_slice %arg3[%add3A_34] : memref<327680xi32, #tpu.memory_space<hbm>> -> memref<128xi32, #tpu.memory_space<hbm>>
      %dma_start3A_36 = tpu.memref_slice %arg3[%add3A_34] : memref<327680xi32, #tpu.memory_space<hbm>> -> memref<128xi32, #tpu.memory_space<hbm>>
      tpu.enqueue_dma source(%dma_start3A_36 : memref<128xi32, #tpu.memory_space<hbm>>) target(%arg8 : memref<128xi32, #tpu.memory_space<vmem>>) target_semaphore(%arg15 : memref<!tpu.dma_semaphore, #tpu.memory_space<semaphore_mem>>)
      %add3A_37 = arith.constant 128 : i32
      %add3A_38 = arith.addi %add3A_29, %add3A_37 : i32
      %dma_start3A_39 = tpu.memref_slice %arg4[%add3A_38] : memref<327680xi32, #tpu.memory_space<hbm>> -> memref<128xi32, #tpu.memory_space<hbm>>
      %dma_start3A_40 = tpu.memref_slice %arg4[%add3A_38] : memref<327680xi32, #tpu.memory_space<hbm>> -> memref<128xi32, #tpu.memory_space<hbm>>
      tpu.enqueue_dma source(%dma_start3A_40 : memref<128xi32, #tpu.memory_space<hbm>>) target(%arg7 : memref<128xi32, #tpu.memory_space<vmem>>) target_semaphore(%arg14 : memref<!tpu.dma_semaphore, #tpu.memory_space<semaphore_mem>>)
      %add3A_41 = arith.constant 128 : i32
      %add3A_42 = arith.addi %add3A_29, %add3A_41 : i32
      %dma_start3A_43 = tpu.memref_slice %arg3[%add3A_42] : memref<327680xi32, #tpu.memory_space<hbm>> -> memref<128xi32, #tpu.memory_space<hbm>>
      %dma_start3A_44 = tpu.memref_slice %arg3[%add3A_42] : memref<327680xi32, #tpu.memory_space<hbm>> -> memref<128xi32, #tpu.memory_space<hbm>>
      tpu.enqueue_dma source(%dma_start3A_44 : memref<128xi32, #tpu.memory_space<hbm>>) target(%arg9 : memref<128xi32, #tpu.memory_space<vmem>>) target_semaphore(%arg16 : memref<!tpu.dma_semaphore, #tpu.memory_space<semaphore_mem>>)
      %add3A_45 = arith.constant 0 : i32
      %add3A_46 = arith.addi %add3A_29, %add3A_45 : i32
      %dma_wait3A = tpu.memref_slice %arg4[%add3A_46] : memref<327680xi32, #tpu.memory_space<hbm>> -> memref<128xi32, #tpu.memory_space<hbm>>
      %dma_wait3A_47 = tpu.memref_slice %arg4[%add3A_46] : memref<327680xi32, #tpu.memory_space<hbm>> -> memref<128xi32, #tpu.memory_space<hbm>>
      tpu.wait_dma2 semaphore(%arg13 : memref<!tpu.dma_semaphore, #tpu.memory_space<semaphore_mem>>) src(%dma_wait3A_47 : memref<128xi32, #tpu.memory_space<hbm>>) dst(%arg6 : memref<128xi32, #tpu.memory_space<vmem>>)
      %dma_start3A_48 = arith.constant 0 : i32
      %dma_start3A_49 = arith.constant 0 : i32
      %dma_start3A_50 = tpu.memref_slice %arg2[%dma_start3A_48, %dma_start3A_49] : memref<10000x128xf32, #tpu.memory_space<hbm>> -> memref<10000x128xf32, #tpu.memory_space<hbm>>
      tpu.enqueue_indirect_dma source(%dma_start3A_50 : memref<10000x128xf32, #tpu.memory_space<hbm>>) target(%arg10 : memref<128x128xf32, #tpu.memory_space<vmem>>) offsets(%arg6 : memref<128xi32, #tpu.memory_space<vmem>>) semaphore(%arg17 : memref<!tpu.dma_semaphore, #tpu.memory_space<semaphore_mem>>)
      %add3A_51 = arith.constant 128 : i32
      %add3A_52 = arith.addi %add3A_29, %add3A_51 : i32
      %dma_wait3A_53 = tpu.memref_slice %arg4[%add3A_52] : memref<327680xi32, #tpu.memory_space<hbm>> -> memref<128xi32, #tpu.memory_space<hbm>>
      %dma_wait3A_54 = tpu.memref_slice %arg4[%add3A_52] : memref<327680xi32, #tpu.memory_space<hbm>> -> memref<128xi32, #tpu.memory_space<hbm>>
      tpu.wait_dma2 semaphore(%arg14 : memref<!tpu.dma_semaphore, #tpu.memory_space<semaphore_mem>>) src(%dma_wait3A_54 : memref<128xi32, #tpu.memory_space<hbm>>) dst(%arg7 : memref<128xi32, #tpu.memory_space<vmem>>)
      %dma_start3A_55 = arith.constant 0 : i32
      %dma_start3A_56 = arith.constant 0 : i32
      %dma_start3A_57 = tpu.memref_slice %arg2[%dma_start3A_55, %dma_start3A_56] : memref<10000x128xf32, #tpu.memory_space<hbm>> -> memref<10000x128xf32, #tpu.memory_space<hbm>>
      tpu.enqueue_indirect_dma source(%dma_start3A_57 : memref<10000x128xf32, #tpu.memory_space<hbm>>) target(%arg11 : memref<128x128xf32, #tpu.memory_space<vmem>>) offsets(%arg7 : memref<128xi32, #tpu.memory_space<vmem>>) semaphore(%arg18 : memref<!tpu.dma_semaphore, #tpu.memory_space<semaphore_mem>>)
      %dma_wait3A_58 = arith.constant 0 : i32
      %dma_wait3A_59 = arith.constant 0 : i32
      %dma_wait3A_60 = tpu.memref_slice %arg2[%dma_wait3A_58, %dma_wait3A_59] : memref<10000x128xf32, #tpu.memory_space<hbm>> -> memref<10000x128xf32, #tpu.memory_space<hbm>>
      tpu.wait_indirect_dma semaphore(%arg17 : memref<!tpu.dma_semaphore, #tpu.memory_space<semaphore_mem>>) src(%dma_wait3A_60 : memref<10000x128xf32, #tpu.memory_space<hbm>>) dst(%arg10 : memref<128x128xf32, #tpu.memory_space<vmem>>)
      %add3A_61 = arith.constant 256 : i32
      %add3A_62 = arith.addi %add3A_29, %add3A_61 : i32
      %dma_start3A_63 = tpu.memref_slice %arg4[%add3A_62] : memref<327680xi32, #tpu.memory_space<hbm>> -> memref<128xi32, #tpu.memory_space<hbm>>
      %dma_start3A_64 = tpu.memref_slice %arg4[%add3A_62] : memref<327680xi32, #tpu.memory_space<hbm>> -> memref<128xi32, #tpu.memory_space<hbm>>
      tpu.enqueue_dma source(%dma_start3A_64 : memref<128xi32, #tpu.memory_space<hbm>>) target(%arg6 : memref<128xi32, #tpu.memory_space<vmem>>) target_semaphore(%arg13 : memref<!tpu.dma_semaphore, #tpu.memory_space<semaphore_mem>>)
      %add3A_65 = arith.constant 0 : i32
      %add3A_66 = arith.addi %add3A_29, %add3A_65 : i32
      %dma_wait3A_67 = tpu.memref_slice %arg3[%add3A_66] : memref<327680xi32, #tpu.memory_space<hbm>> -> memref<128xi32, #tpu.memory_space<hbm>>
      %dma_wait3A_68 = tpu.memref_slice %arg3[%add3A_66] : memref<327680xi32, #tpu.memory_space<hbm>> -> memref<128xi32, #tpu.memory_space<hbm>>
      tpu.wait_dma2 semaphore(%arg15 : memref<!tpu.dma_semaphore, #tpu.memory_space<semaphore_mem>>) src(%dma_wait3A_68 : memref<128xi32, #tpu.memory_space<hbm>>) dst(%arg8 : memref<128xi32, #tpu.memory_space<vmem>>)
      "tpu.region"() ({
        %run_scoped3A = tpu.sem_alloc : memref<!tpu.dma_semaphore, #tpu.memory_space<semaphore_mem>>
        %dma_start3A_380 = arith.constant 0 : i32
        %dma_start3A_381 = arith.constant 0 : i32
        %dma_start3A_382 = tpu.memref_slice %arg12[%dma_start3A_380, %dma_start3A_381] : memref<10240x128xf32, #tpu.memory_space<vmem_shared>> -> memref<10240x128xf32, #tpu.memory_space<vmem_shared>>
        tpu.enqueue_indirect_dma source(%arg10 : memref<128x128xf32, #tpu.memory_space<vmem>>) target(%dma_start3A_382 : memref<10240x128xf32, #tpu.memory_space<vmem_shared>>) offsets(%arg8 : memref<128xi32, #tpu.memory_space<vmem>>) semaphore(%run_scoped3A : memref<!tpu.dma_semaphore, #tpu.memory_space<semaphore_mem>>) {add = true}
        %dma_wait3A_383 = arith.constant 0 : i32
        %dma_wait3A_384 = arith.constant 0 : i32
        %dma_wait3A_385 = tpu.memref_slice %arg12[%dma_wait3A_383, %dma_wait3A_384] : memref<10240x128xf32, #tpu.memory_space<vmem_shared>> -> memref<10240x128xf32, #tpu.memory_space<vmem_shared>>
        tpu.wait_indirect_dma semaphore(%run_scoped3A : memref<!tpu.dma_semaphore, #tpu.memory_space<semaphore_mem>>) src(%arg10 : memref<128x128xf32, #tpu.memory_space<vmem>>) dst(%dma_wait3A_385 : memref<10240x128xf32, #tpu.memory_space<vmem_shared>>)
        tpu.yield
      }) : () -> ()
      %add3A_69 = arith.constant 256 : i32
      %add3A_70 = arith.addi %add3A_29, %add3A_69 : i32
      %dma_start3A_71 = tpu.memref_slice %arg3[%add3A_70] : memref<327680xi32, #tpu.memory_space<hbm>> -> memref<128xi32, #tpu.memory_space<hbm>>
      %dma_start3A_72 = tpu.memref_slice %arg3[%add3A_70] : memref<327680xi32, #tpu.memory_space<hbm>> -> memref<128xi32, #tpu.memory_space<hbm>>
      tpu.enqueue_dma source(%dma_start3A_72 : memref<128xi32, #tpu.memory_space<hbm>>) target(%arg8 : memref<128xi32, #tpu.memory_space<vmem>>) target_semaphore(%arg15 : memref<!tpu.dma_semaphore, #tpu.memory_space<semaphore_mem>>)
      %add3A_73 = arith.constant 256 : i32
      %add3A_74 = arith.addi %add3A_29, %add3A_73 : i32
      %dma_wait3A_75 = tpu.memref_slice %arg4[%add3A_74] : memref<327680xi32, #tpu.memory_space<hbm>> -> memref<128xi32, #tpu.memory_space<hbm>>
      %dma_wait3A_76 = tpu.memref_slice %arg4[%add3A_74] : memref<327680xi32, #tpu.memory_space<hbm>> -> memref<128xi32, #tpu.memory_space<hbm>>
      tpu.wait_dma2 semaphore(%arg13 : memref<!tpu.dma_semaphore, #tpu.memory_space<semaphore_mem>>) src(%dma_wait3A_76 : memref<128xi32, #tpu.memory_space<hbm>>) dst(%arg6 : memref<128xi32, #tpu.memory_space<vmem>>)
      %dma_start3A_77 = arith.constant 0 : i32
      %dma_start3A_78 = arith.constant 0 : i32
      %dma_start3A_79 = tpu.memref_slice %arg2[%dma_start3A_77, %dma_start3A_78] : memref<10000x128xf32, #tpu.memory_space<hbm>> -> memref<10000x128xf32, #tpu.memory_space<hbm>>
      tpu.enqueue_indirect_dma source(%dma_start3A_79 : memref<10000x128xf32, #tpu.memory_space<hbm>>) target(%arg10 : memref<128x128xf32, #tpu.memory_space<vmem>>) offsets(%arg6 : memref<128xi32, #tpu.memory_space<vmem>>) semaphore(%arg17 : memref<!tpu.dma_semaphore, #tpu.memory_space<semaphore_mem>>)
      %dma_wait3A_80 = arith.constant 0 : i32
      %dma_wait3A_81 = arith.constant 0 : i32
      %dma_wait3A_82 = tpu.memref_slice %arg2[%dma_wait3A_80, %dma_wait3A_81] : memref<10000x128xf32, #tpu.memory_space<hbm>> -> memref<10000x128xf32, #tpu.memory_space<hbm>>
      tpu.wait_indirect_dma semaphore(%arg18 : memref<!tpu.dma_semaphore, #tpu.memory_space<semaphore_mem>>) src(%dma_wait3A_82 : memref<10000x128xf32, #tpu.memory_space<hbm>>) dst(%arg11 : memref<128x128xf32, #tpu.memory_space<vmem>>)
      %add3A_83 = arith.constant 384 : i32
      %add3A_84 = arith.addi %add3A_29, %add3A_83 : i32
      %dma_start3A_85 = tpu.memref_slice %arg4[%add3A_84] : memref<327680xi32, #tpu.memory_space<hbm>> -> memref<128xi32, #tpu.memory_space<hbm>>
      %dma_start3A_86 = tpu.memref_slice %arg4[%add3A_84] : memref<327680xi32, #tpu.memory_space<hbm>> -> memref<128xi32, #tpu.memory_space<hbm>>
      tpu.enqueue_dma source(%dma_start3A_86 : memref<128xi32, #tpu.memory_space<hbm>>) target(%arg7 : memref<128xi32, #tpu.memory_space<vmem>>) target_semaphore(%arg14 : memref<!tpu.dma_semaphore, #tpu.memory_space<semaphore_mem>>)
      %add3A_87 = arith.constant 128 : i32
      %add3A_88 = arith.addi %add3A_29, %add3A_87 : i32
      %dma_wait3A_89 = tpu.memref_slice %arg3[%add3A_88] : memref<327680xi32, #tpu.memory_space<hbm>> -> memref<128xi32, #tpu.memory_space<hbm>>
      %dma_wait3A_90 = tpu.memref_slice %arg3[%add3A_88] : memref<327680xi32, #tpu.memory_space<hbm>> -> memref<128xi32, #tpu.memory_space<hbm>>
      tpu.wait_dma2 semaphore(%arg16 : memref<!tpu.dma_semaphore, #tpu.memory_space<semaphore_mem>>) src(%dma_wait3A_90 : memref<128xi32, #tpu.memory_space<hbm>>) dst(%arg9 : memref<128xi32, #tpu.memory_space<vmem>>)
      "tpu.region"() ({
        %run_scoped3A = tpu.sem_alloc : memref<!tpu.dma_semaphore, #tpu.memory_space<semaphore_mem>>
        %dma_start3A_380 = arith.constant 0 : i32
        %dma_start3A_381 = arith.constant 0 : i32
        %dma_start3A_382 = tpu.memref_slice %arg12[%dma_start3A_380, %dma_start3A_381] : memref<10240x128xf32, #tpu.memory_space<vmem_shared>> -> memref<10240x128xf32, #tpu.memory_space<vmem_shared>>
        tpu.enqueue_indirect_dma source(%arg11 : memref<128x128xf32, #tpu.memory_space<vmem>>) target(%dma_start3A_382 : memref<10240x128xf32, #tpu.memory_space<vmem_shared>>) offsets(%arg9 : memref<128xi32, #tpu.memory_space<vmem>>) semaphore(%run_scoped3A : memref<!tpu.dma_semaphore, #tpu.memory_space<semaphore_mem>>) {add = true}
        %dma_wait3A_383 = arith.constant 0 : i32
        %dma_wait3A_384 = arith.constant 0 : i32
        %dma_wait3A_385 = tpu.memref_slice %arg12[%dma_wait3A_383, %dma_wait3A_384] : memref<10240x128xf32, #tpu.memory_space<vmem_shared>> -> memref<10240x128xf32, #tpu.memory_space<vmem_shared>>
        tpu.wait_indirect_dma semaphore(%run_scoped3A : memref<!tpu.dma_semaphore, #tpu.memory_space<semaphore_mem>>) src(%arg11 : memref<128x128xf32, #tpu.memory_space<vmem>>) dst(%dma_wait3A_385 : memref<10240x128xf32, #tpu.memory_space<vmem_shared>>)
        tpu.yield
      }) : () -> ()
      %add3A_91 = arith.constant 384 : i32
      %add3A_92 = arith.addi %add3A_29, %add3A_91 : i32
      %dma_start3A_93 = tpu.memref_slice %arg3[%add3A_92] : memref<327680xi32, #tpu.memory_space<hbm>> -> memref<128xi32, #tpu.memory_space<hbm>>
      %dma_start3A_94 = tpu.memref_slice %arg3[%add3A_92] : memref<327680xi32, #tpu.memory_space<hbm>> -> memref<128xi32, #tpu.memory_space<hbm>>
      tpu.enqueue_dma source(%dma_start3A_94 : memref<128xi32, #tpu.memory_space<hbm>>) target(%arg9 : memref<128xi32, #tpu.memory_space<vmem>>) target_semaphore(%arg16 : memref<!tpu.dma_semaphore, #tpu.memory_space<semaphore_mem>>)
      %add3A_95 = arith.constant 384 : i32
      %add3A_96 = arith.addi %add3A_29, %add3A_95 : i32
      %dma_wait3A_97 = tpu.memref_slice %arg4[%add3A_96] : memref<327680xi32, #tpu.memory_space<hbm>> -> memref<128xi32, #tpu.memory_space<hbm>>
      %dma_wait3A_98 = tpu.memref_slice %arg4[%add3A_96] : memref<327680xi32, #tpu.memory_space<hbm>> -> memref<128xi32, #tpu.memory_space<hbm>>
      tpu.wait_dma2 semaphore(%arg14 : memref<!tpu.dma_semaphore, #tpu.memory_space<semaphore_mem>>) src(%dma_wait3A_98 : memref<128xi32, #tpu.memory_space<hbm>>) dst(%arg7 : memref<128xi32, #tpu.memory_space<vmem>>)
      %dma_start3A_99 = arith.constant 0 : i32
      %dma_start3A_100 = arith.constant 0 : i32
      %dma_start3A_101 = tpu.memref_slice %arg2[%dma_start3A_99, %dma_start3A_100] : memref<10000x128xf32, #tpu.memory_space<hbm>> -> memref<10000x128xf32, #tpu.memory_space<hbm>>
      tpu.enqueue_indirect_dma source(%dma_start3A_101 : memref<10000x128xf32, #tpu.memory_space<hbm>>) target(%arg11 : memref<128x128xf32, #tpu.memory_space<vmem>>) offsets(%arg7 : memref<128xi32, #tpu.memory_space<vmem>>) semaphore(%arg18 : memref<!tpu.dma_semaphore, #tpu.memory_space<semaphore_mem>>)
      %dma_wait3A_102 = arith.constant 0 : i32
      %dma_wait3A_103 = arith.constant 0 : i32
      %dma_wait3A_104 = tpu.memref_slice %arg2[%dma_wait3A_102, %dma_wait3A_103] : memref<10000x128xf32, #tpu.memory_space<hbm>> -> memref<10000x128xf32, #tpu.memory_space<hbm>>
      tpu.wait_indirect_dma semaphore(%arg17 : memref<!tpu.dma_semaphore, #tpu.memory_space<semaphore_mem>>) src(%dma_wait3A_104 : memref<10000x128xf32, #tpu.memory_space<hbm>>) dst(%arg10 : memref<128x128xf32, #tpu.memory_space<vmem>>)
      %add3A_105 = arith.constant 512 : i32
      %add3A_106 = arith.addi %add3A_29, %add3A_105 : i32
      %dma_start3A_107 = tpu.memref_slice %arg4[%add3A_106] : memref<327680xi32, #tpu.memory_space<hbm>> -> memref<128xi32, #tpu.memory_space<hbm>>
      %dma_start3A_108 = tpu.memref_slice %arg4[%add3A_106] : memref<327680xi32, #tpu.memory_space<hbm>> -> memref<128xi32, #tpu.memory_space<hbm>>
      tpu.enqueue_dma source(%dma_start3A_108 : memref<128xi32, #tpu.memory_space<hbm>>) target(%arg6 : memref<128xi32, #tpu.memory_space<vmem>>) target_semaphore(%arg13 : memref<!tpu.dma_semaphore, #tpu.memory_space<semaphore_mem>>)
      %add3A_109 = arith.constant 256 : i32
      %add3A_110 = arith.addi %add3A_29, %add3A_109 : i32
      %dma_wait3A_111 = tpu.memref_slice %arg3[%add3A_110] : memref<327680xi32, #tpu.memory_space<hbm>> -> memref<128xi32, #tpu.memory_space<hbm>>
      %dma_wait3A_112 = tpu.memref_slice %arg3[%add3A_110] : memref<327680xi32, #tpu.memory_space<hbm>> -> memref<128xi32, #tpu.memory_space<hbm>>
      tpu.wait_dma2 semaphore(%arg15 : memref<!tpu.dma_semaphore, #tpu.memory_space<semaphore_mem>>) src(%dma_wait3A_112 : memref<128xi32, #tpu.memory_space<hbm>>) dst(%arg8 : memref<128xi32, #tpu.memory_space<vmem>>)
      "tpu.region"() ({
        %run_scoped3A = tpu.sem_alloc : memref<!tpu.dma_semaphore, #tpu.memory_space<semaphore_mem>>
        %dma_start3A_380 = arith.constant 0 : i32
        %dma_start3A_381 = arith.constant 0 : i32
        %dma_start3A_382 = tpu.memref_slice %arg12[%dma_start3A_380, %dma_start3A_381] : memref<10240x128xf32, #tpu.memory_space<vmem_shared>> -> memref<10240x128xf32, #tpu.memory_space<vmem_shared>>
        tpu.enqueue_indirect_dma source(%arg10 : memref<128x128xf32, #tpu.memory_space<vmem>>) target(%dma_start3A_382 : memref<10240x128xf32, #tpu.memory_space<vmem_shared>>) offsets(%arg8 : memref<128xi32, #tpu.memory_space<vmem>>) semaphore(%run_scoped3A : memref<!tpu.dma_semaphore, #tpu.memory_space<semaphore_mem>>) {add = true}
        %dma_wait3A_383 = arith.constant 0 : i32
        %dma_wait3A_384 = arith.constant 0 : i32
        %dma_wait3A_385 = tpu.memref_slice %arg12[%dma_wait3A_383, %dma_wait3A_384] : memref<10240x128xf32, #tpu.memory_space<vmem_shared>> -> memref<10240x128xf32, #tpu.memory_space<vmem_shared>>
        tpu.wait_indirect_dma semaphore(%run_scoped3A : memref<!tpu.dma_semaphore, #tpu.memory_space<semaphore_mem>>) src(%arg10 : memref<128x128xf32, #tpu.memory_space<vmem>>) dst(%dma_wait3A_385 : memref<10240x128xf32, #tpu.memory_space<vmem_shared>>)
        tpu.yield
      }) : () -> ()
      %add3A_113 = arith.constant 512 : i32
      %add3A_114 = arith.addi %add3A_29, %add3A_113 : i32
      %dma_start3A_115 = tpu.memref_slice %arg3[%add3A_114] : memref<327680xi32, #tpu.memory_space<hbm>> -> memref<128xi32, #tpu.memory_space<hbm>>
      %dma_start3A_116 = tpu.memref_slice %arg3[%add3A_114] : memref<327680xi32, #tpu.memory_space<hbm>> -> memref<128xi32, #tpu.memory_space<hbm>>
      tpu.enqueue_dma source(%dma_start3A_116 : memref<128xi32, #tpu.memory_space<hbm>>) target(%arg8 : memref<128xi32, #tpu.memory_space<vmem>>) target_semaphore(%arg15 : memref<!tpu.dma_semaphore, #tpu.memory_space<semaphore_mem>>)
      %add3A_117 = arith.constant 512 : i32
      %add3A_118 = arith.addi %add3A_29, %add3A_117 : i32
      %dma_wait3A_119 = tpu.memref_slice %arg4[%add3A_118] : memref<327680xi32, #tpu.memory_space<hbm>> -> memref<128xi32, #tpu.memory_space<hbm>>
      %dma_wait3A_120 = tpu.memref_slice %arg4[%add3A_118] : memref<327680xi32, #tpu.memory_space<hbm>> -> memref<128xi32, #tpu.memory_space<hbm>>
      tpu.wait_dma2 semaphore(%arg13 : memref<!tpu.dma_semaphore, #tpu.memory_space<semaphore_mem>>) src(%dma_wait3A_120 : memref<128xi32, #tpu.memory_space<hbm>>) dst(%arg6 : memref<128xi32, #tpu.memory_space<vmem>>)
      %dma_start3A_121 = arith.constant 0 : i32
      %dma_start3A_122 = arith.constant 0 : i32
      %dma_start3A_123 = tpu.memref_slice %arg2[%dma_start3A_121, %dma_start3A_122] : memref<10000x128xf32, #tpu.memory_space<hbm>> -> memref<10000x128xf32, #tpu.memory_space<hbm>>
      tpu.enqueue_indirect_dma source(%dma_start3A_123 : memref<10000x128xf32, #tpu.memory_space<hbm>>) target(%arg10 : memref<128x128xf32, #tpu.memory_space<vmem>>) offsets(%arg6 : memref<128xi32, #tpu.memory_space<vmem>>) semaphore(%arg17 : memref<!tpu.dma_semaphore, #tpu.memory_space<semaphore_mem>>)
      %dma_wait3A_124 = arith.constant 0 : i32
      %dma_wait3A_125 = arith.constant 0 : i32
      %dma_wait3A_126 = tpu.memref_slice %arg2[%dma_wait3A_124, %dma_wait3A_125] : memref<10000x128xf32, #tpu.memory_space<hbm>> -> memref<10000x128xf32, #tpu.memory_space<hbm>>
      tpu.wait_indirect_dma semaphore(%arg18 : memref<!tpu.dma_semaphore, #tpu.memory_space<semaphore_mem>>) src(%dma_wait3A_126 : memref<10000x128xf32, #tpu.memory_space<hbm>>) dst(%arg11 : memref<128x128xf32, #tpu.memory_space<vmem>>)
      %add3A_127 = arith.constant 640 : i32
      %add3A_128 = arith.addi %add3A_29, %add3A_127 : i32
      %dma_start3A_129 = tpu.memref_slice %arg4[%add3A_128] : memref<327680xi32, #tpu.memory_space<hbm>> -> memref<128xi32, #tpu.memory_space<hbm>>
      %dma_start3A_130 = tpu.memref_slice %arg4[%add3A_128] : memref<327680xi32, #tpu.memory_space<hbm>> -> memref<128xi32, #tpu.memory_space<hbm>>
      tpu.enqueue_dma source(%dma_start3A_130 : memref<128xi32, #tpu.memory_space<hbm>>) target(%arg7 : memref<128xi32, #tpu.memory_space<vmem>>) target_semaphore(%arg14 : memref<!tpu.dma_semaphore, #tpu.memory_space<semaphore_mem>>)
      %add3A_131 = arith.constant 384 : i32
      %add3A_132 = arith.addi %add3A_29, %add3A_131 : i32
      %dma_wait3A_133 = tpu.memref_slice %arg3[%add3A_132] : memref<327680xi32, #tpu.memory_space<hbm>> -> memref<128xi32, #tpu.memory_space<hbm>>
      %dma_wait3A_134 = tpu.memref_slice %arg3[%add3A_132] : memref<327680xi32, #tpu.memory_space<hbm>> -> memref<128xi32, #tpu.memory_space<hbm>>
      tpu.wait_dma2 semaphore(%arg16 : memref<!tpu.dma_semaphore, #tpu.memory_space<semaphore_mem>>) src(%dma_wait3A_134 : memref<128xi32, #tpu.memory_space<hbm>>) dst(%arg9 : memref<128xi32, #tpu.memory_space<vmem>>)
      "tpu.region"() ({
        %run_scoped3A = tpu.sem_alloc : memref<!tpu.dma_semaphore, #tpu.memory_space<semaphore_mem>>
        %dma_start3A_380 = arith.constant 0 : i32
        %dma_start3A_381 = arith.constant 0 : i32
        %dma_start3A_382 = tpu.memref_slice %arg12[%dma_start3A_380, %dma_start3A_381] : memref<10240x128xf32, #tpu.memory_space<vmem_shared>> -> memref<10240x128xf32, #tpu.memory_space<vmem_shared>>
        tpu.enqueue_indirect_dma source(%arg11 : memref<128x128xf32, #tpu.memory_space<vmem>>) target(%dma_start3A_382 : memref<10240x128xf32, #tpu.memory_space<vmem_shared>>) offsets(%arg9 : memref<128xi32, #tpu.memory_space<vmem>>) semaphore(%run_scoped3A : memref<!tpu.dma_semaphore, #tpu.memory_space<semaphore_mem>>) {add = true}
        %dma_wait3A_383 = arith.constant 0 : i32
        %dma_wait3A_384 = arith.constant 0 : i32
        %dma_wait3A_385 = tpu.memref_slice %arg12[%dma_wait3A_383, %dma_wait3A_384] : memref<10240x128xf32, #tpu.memory_space<vmem_shared>> -> memref<10240x128xf32, #tpu.memory_space<vmem_shared>>
        tpu.wait_indirect_dma semaphore(%run_scoped3A : memref<!tpu.dma_semaphore, #tpu.memory_space<semaphore_mem>>) src(%arg11 : memref<128x128xf32, #tpu.memory_space<vmem>>) dst(%dma_wait3A_385 : memref<10240x128xf32, #tpu.memory_space<vmem_shared>>)
        tpu.yield
      }) : () -> ()
      %add3A_135 = arith.constant 640 : i32
      %add3A_136 = arith.addi %add3A_29, %add3A_135 : i32
      %dma_start3A_137 = tpu.memref_slice %arg3[%add3A_136] : memref<327680xi32, #tpu.memory_space<hbm>> -> memref<128xi32, #tpu.memory_space<hbm>>
      %dma_start3A_138 = tpu.memref_slice %arg3[%add3A_136] : memref<327680xi32, #tpu.memory_space<hbm>> -> memref<128xi32, #tpu.memory_space<hbm>>
      tpu.enqueue_dma source(%dma_start3A_138 : memref<128xi32, #tpu.memory_space<hbm>>) target(%arg9 : memref<128xi32, #tpu.memory_space<vmem>>) target_semaphore(%arg16 : memref<!tpu.dma_semaphore, #tpu.memory_space<semaphore_mem>>)
      %add3A_139 = arith.constant 640 : i32
      %add3A_140 = arith.addi %add3A_29, %add3A_139 : i32
      %dma_wait3A_141 = tpu.memref_slice %arg4[%add3A_140] : memref<327680xi32, #tpu.memory_space<hbm>> -> memref<128xi32, #tpu.memory_space<hbm>>
      %dma_wait3A_142 = tpu.memref_slice %arg4[%add3A_140] : memref<327680xi32, #tpu.memory_space<hbm>> -> memref<128xi32, #tpu.memory_space<hbm>>
      tpu.wait_dma2 semaphore(%arg14 : memref<!tpu.dma_semaphore, #tpu.memory_space<semaphore_mem>>) src(%dma_wait3A_142 : memref<128xi32, #tpu.memory_space<hbm>>) dst(%arg7 : memref<128xi32, #tpu.memory_space<vmem>>)
      %dma_start3A_143 = arith.constant 0 : i32
      %dma_start3A_144 = arith.constant 0 : i32
      %dma_start3A_145 = tpu.memref_slice %arg2[%dma_start3A_143, %dma_start3A_144] : memref<10000x128xf32, #tpu.memory_space<hbm>> -> memref<10000x128xf32, #tpu.memory_space<hbm>>
      tpu.enqueue_indirect_dma source(%dma_start3A_145 : memref<10000x128xf32, #tpu.memory_space<hbm>>) target(%arg11 : memref<128x128xf32, #tpu.memory_space<vmem>>) offsets(%arg7 : memref<128xi32, #tpu.memory_space<vmem>>) semaphore(%arg18 : memref<!tpu.dma_semaphore, #tpu.memory_space<semaphore_mem>>)
      %dma_wait3A_146 = arith.constant 0 : i32
      %dma_wait3A_147 = arith.constant 0 : i32
      %dma_wait3A_148 = tpu.memref_slice %arg2[%dma_wait3A_146, %dma_wait3A_147] : memref<10000x128xf32, #tpu.memory_space<hbm>> -> memref<10000x128xf32, #tpu.memory_space<hbm>>
      tpu.wait_indirect_dma semaphore(%arg17 : memref<!tpu.dma_semaphore, #tpu.memory_space<semaphore_mem>>) src(%dma_wait3A_148 : memref<10000x128xf32, #tpu.memory_space<hbm>>) dst(%arg10 : memref<128x128xf32, #tpu.memory_space<vmem>>)
      %add3A_149 = arith.constant 768 : i32
      %add3A_150 = arith.addi %add3A_29, %add3A_149 : i32
      %dma_start3A_151 = tpu.memref_slice %arg4[%add3A_150] : memref<327680xi32, #tpu.memory_space<hbm>> -> memref<128xi32, #tpu.memory_space<hbm>>
      %dma_start3A_152 = tpu.memref_slice %arg4[%add3A_150] : memref<327680xi32, #tpu.memory_space<hbm>> -> memref<128xi32, #tpu.memory_space<hbm>>
      tpu.enqueue_dma source(%dma_start3A_152 : memref<128xi32, #tpu.memory_space<hbm>>) target(%arg6 : memref<128xi32, #tpu.memory_space<vmem>>) target_semaphore(%arg13 : memref<!tpu.dma_semaphore, #tpu.memory_space<semaphore_mem>>)
      %add3A_153 = arith.constant 512 : i32
      %add3A_154 = arith.addi %add3A_29, %add3A_153 : i32
      %dma_wait3A_155 = tpu.memref_slice %arg3[%add3A_154] : memref<327680xi32, #tpu.memory_space<hbm>> -> memref<128xi32, #tpu.memory_space<hbm>>
      %dma_wait3A_156 = tpu.memref_slice %arg3[%add3A_154] : memref<327680xi32, #tpu.memory_space<hbm>> -> memref<128xi32, #tpu.memory_space<hbm>>
      tpu.wait_dma2 semaphore(%arg15 : memref<!tpu.dma_semaphore, #tpu.memory_space<semaphore_mem>>) src(%dma_wait3A_156 : memref<128xi32, #tpu.memory_space<hbm>>) dst(%arg8 : memref<128xi32, #tpu.memory_space<vmem>>)
      "tpu.region"() ({
        %run_scoped3A = tpu.sem_alloc : memref<!tpu.dma_semaphore, #tpu.memory_space<semaphore_mem>>
        %dma_start3A_380 = arith.constant 0 : i32
        %dma_start3A_381 = arith.constant 0 : i32
        %dma_start3A_382 = tpu.memref_slice %arg12[%dma_start3A_380, %dma_start3A_381] : memref<10240x128xf32, #tpu.memory_space<vmem_shared>> -> memref<10240x128xf32, #tpu.memory_space<vmem_shared>>
        tpu.enqueue_indirect_dma source(%arg10 : memref<128x128xf32, #tpu.memory_space<vmem>>) target(%dma_start3A_382 : memref<10240x128xf32, #tpu.memory_space<vmem_shared>>) offsets(%arg8 : memref<128xi32, #tpu.memory_space<vmem>>) semaphore(%run_scoped3A : memref<!tpu.dma_semaphore, #tpu.memory_space<semaphore_mem>>) {add = true}
        %dma_wait3A_383 = arith.constant 0 : i32
        %dma_wait3A_384 = arith.constant 0 : i32
        %dma_wait3A_385 = tpu.memref_slice %arg12[%dma_wait3A_383, %dma_wait3A_384] : memref<10240x128xf32, #tpu.memory_space<vmem_shared>> -> memref<10240x128xf32, #tpu.memory_space<vmem_shared>>
        tpu.wait_indirect_dma semaphore(%run_scoped3A : memref<!tpu.dma_semaphore, #tpu.memory_space<semaphore_mem>>) src(%arg10 : memref<128x128xf32, #tpu.memory_space<vmem>>) dst(%dma_wait3A_385 : memref<10240x128xf32, #tpu.memory_space<vmem_shared>>)
        tpu.yield
      }) : () -> ()
      %add3A_157 = arith.constant 768 : i32
      %add3A_158 = arith.addi %add3A_29, %add3A_157 : i32
      %dma_start3A_159 = tpu.memref_slice %arg3[%add3A_158] : memref<327680xi32, #tpu.memory_space<hbm>> -> memref<128xi32, #tpu.memory_space<hbm>>
      %dma_start3A_160 = tpu.memref_slice %arg3[%add3A_158] : memref<327680xi32, #tpu.memory_space<hbm>> -> memref<128xi32, #tpu.memory_space<hbm>>
      tpu.enqueue_dma source(%dma_start3A_160 : memref<128xi32, #tpu.memory_space<hbm>>) target(%arg8 : memref<128xi32, #tpu.memory_space<vmem>>) target_semaphore(%arg15 : memref<!tpu.dma_semaphore, #tpu.memory_space<semaphore_mem>>)
      %add3A_161 = arith.constant 768 : i32
      %add3A_162 = arith.addi %add3A_29, %add3A_161 : i32
      %dma_wait3A_163 = tpu.memref_slice %arg4[%add3A_162] : memref<327680xi32, #tpu.memory_space<hbm>> -> memref<128xi32, #tpu.memory_space<hbm>>
      %dma_wait3A_164 = tpu.memref_slice %arg4[%add3A_162] : memref<327680xi32, #tpu.memory_space<hbm>> -> memref<128xi32, #tpu.memory_space<hbm>>
      tpu.wait_dma2 semaphore(%arg13 : memref<!tpu.dma_semaphore, #tpu.memory_space<semaphore_mem>>) src(%dma_wait3A_164 : memref<128xi32, #tpu.memory_space<hbm>>) dst(%arg6 : memref<128xi32, #tpu.memory_space<vmem>>)
      %dma_start3A_165 = arith.constant 0 : i32
      %dma_start3A_166 = arith.constant 0 : i32
      %dma_start3A_167 = tpu.memref_slice %arg2[%dma_start3A_165, %dma_start3A_166] : memref<10000x128xf32, #tpu.memory_space<hbm>> -> memref<10000x128xf32, #tpu.memory_space<hbm>>
      tpu.enqueue_indirect_dma source(%dma_start3A_167 : memref<10000x128xf32, #tpu.memory_space<hbm>>) target(%arg10 : memref<128x128xf32, #tpu.memory_space<vmem>>) offsets(%arg6 : memref<128xi32, #tpu.memory_space<vmem>>) semaphore(%arg17 : memref<!tpu.dma_semaphore, #tpu.memory_space<semaphore_mem>>)
      %dma_wait3A_168 = arith.constant 0 : i32
      %dma_wait3A_169 = arith.constant 0 : i32
      %dma_wait3A_170 = tpu.memref_slice %arg2[%dma_wait3A_168, %dma_wait3A_169] : memref<10000x128xf32, #tpu.memory_space<hbm>> -> memref<10000x128xf32, #tpu.memory_space<hbm>>
      tpu.wait_indirect_dma semaphore(%arg18 : memref<!tpu.dma_semaphore, #tpu.memory_space<semaphore_mem>>) src(%dma_wait3A_170 : memref<10000x128xf32, #tpu.memory_space<hbm>>) dst(%arg11 : memref<128x128xf32, #tpu.memory_space<vmem>>)
      %add3A_171 = arith.constant 896 : i32
      %add3A_172 = arith.addi %add3A_29, %add3A_171 : i32
      %dma_start3A_173 = tpu.memref_slice %arg4[%add3A_172] : memref<327680xi32, #tpu.memory_space<hbm>> -> memref<128xi32, #tpu.memory_space<hbm>>
      %dma_start3A_174 = tpu.memref_slice %arg4[%add3A_172] : memref<327680xi32, #tpu.memory_space<hbm>> -> memref<128xi32, #tpu.memory_space<hbm>>
      tpu.enqueue_dma source(%dma_start3A_174 : memref<128xi32, #tpu.memory_space<hbm>>) target(%arg7 : memref<128xi32, #tpu.memory_space<vmem>>) target_semaphore(%arg14 : memref<!tpu.dma_semaphore, #tpu.memory_space<semaphore_mem>>)
      %add3A_175 = arith.constant 640 : i32
      %add3A_176 = arith.addi %add3A_29, %add3A_175 : i32
      %dma_wait3A_177 = tpu.memref_slice %arg3[%add3A_176] : memref<327680xi32, #tpu.memory_space<hbm>> -> memref<128xi32, #tpu.memory_space<hbm>>
      %dma_wait3A_178 = tpu.memref_slice %arg3[%add3A_176] : memref<327680xi32, #tpu.memory_space<hbm>> -> memref<128xi32, #tpu.memory_space<hbm>>
      tpu.wait_dma2 semaphore(%arg16 : memref<!tpu.dma_semaphore, #tpu.memory_space<semaphore_mem>>) src(%dma_wait3A_178 : memref<128xi32, #tpu.memory_space<hbm>>) dst(%arg9 : memref<128xi32, #tpu.memory_space<vmem>>)
      "tpu.region"() ({
        %run_scoped3A = tpu.sem_alloc : memref<!tpu.dma_semaphore, #tpu.memory_space<semaphore_mem>>
        %dma_start3A_380 = arith.constant 0 : i32
        %dma_start3A_381 = arith.constant 0 : i32
        %dma_start3A_382 = tpu.memref_slice %arg12[%dma_start3A_380, %dma_start3A_381] : memref<10240x128xf32, #tpu.memory_space<vmem_shared>> -> memref<10240x128xf32, #tpu.memory_space<vmem_shared>>
        tpu.enqueue_indirect_dma source(%arg11 : memref<128x128xf32, #tpu.memory_space<vmem>>) target(%dma_start3A_382 : memref<10240x128xf32, #tpu.memory_space<vmem_shared>>) offsets(%arg9 : memref<128xi32, #tpu.memory_space<vmem>>) semaphore(%run_scoped3A : memref<!tpu.dma_semaphore, #tpu.memory_space<semaphore_mem>>) {add = true}
        %dma_wait3A_383 = arith.constant 0 : i32
        %dma_wait3A_384 = arith.constant 0 : i32
        %dma_wait3A_385 = tpu.memref_slice %arg12[%dma_wait3A_383, %dma_wait3A_384] : memref<10240x128xf32, #tpu.memory_space<vmem_shared>> -> memref<10240x128xf32, #tpu.memory_space<vmem_shared>>
        tpu.wait_indirect_dma semaphore(%run_scoped3A : memref<!tpu.dma_semaphore, #tpu.memory_space<semaphore_mem>>) src(%arg11 : memref<128x128xf32, #tpu.memory_space<vmem>>) dst(%dma_wait3A_385 : memref<10240x128xf32, #tpu.memory_space<vmem_shared>>)
        tpu.yield
      }) : () -> ()
      %add3A_179 = arith.constant 896 : i32
      %add3A_180 = arith.addi %add3A_29, %add3A_179 : i32
      %dma_start3A_181 = tpu.memref_slice %arg3[%add3A_180] : memref<327680xi32, #tpu.memory_space<hbm>> -> memref<128xi32, #tpu.memory_space<hbm>>
      %dma_start3A_182 = tpu.memref_slice %arg3[%add3A_180] : memref<327680xi32, #tpu.memory_space<hbm>> -> memref<128xi32, #tpu.memory_space<hbm>>
      tpu.enqueue_dma source(%dma_start3A_182 : memref<128xi32, #tpu.memory_space<hbm>>) target(%arg9 : memref<128xi32, #tpu.memory_space<vmem>>) target_semaphore(%arg16 : memref<!tpu.dma_semaphore, #tpu.memory_space<semaphore_mem>>)
      %add3A_183 = arith.constant 896 : i32
      %add3A_184 = arith.addi %add3A_29, %add3A_183 : i32
      %dma_wait3A_185 = tpu.memref_slice %arg4[%add3A_184] : memref<327680xi32, #tpu.memory_space<hbm>> -> memref<128xi32, #tpu.memory_space<hbm>>
      %dma_wait3A_186 = tpu.memref_slice %arg4[%add3A_184] : memref<327680xi32, #tpu.memory_space<hbm>> -> memref<128xi32, #tpu.memory_space<hbm>>
      tpu.wait_dma2 semaphore(%arg14 : memref<!tpu.dma_semaphore, #tpu.memory_space<semaphore_mem>>) src(%dma_wait3A_186 : memref<128xi32, #tpu.memory_space<hbm>>) dst(%arg7 : memref<128xi32, #tpu.memory_space<vmem>>)
      %dma_start3A_187 = arith.constant 0 : i32
      %dma_start3A_188 = arith.constant 0 : i32
      %dma_start3A_189 = tpu.memref_slice %arg2[%dma_start3A_187, %dma_start3A_188] : memref<10000x128xf32, #tpu.memory_space<hbm>> -> memref<10000x128xf32, #tpu.memory_space<hbm>>
      tpu.enqueue_indirect_dma source(%dma_start3A_189 : memref<10000x128xf32, #tpu.memory_space<hbm>>) target(%arg11 : memref<128x128xf32, #tpu.memory_space<vmem>>) offsets(%arg7 : memref<128xi32, #tpu.memory_space<vmem>>) semaphore(%arg18 : memref<!tpu.dma_semaphore, #tpu.memory_space<semaphore_mem>>)
      %dma_wait3A_190 = arith.constant 0 : i32
      %dma_wait3A_191 = arith.constant 0 : i32
      %dma_wait3A_192 = tpu.memref_slice %arg2[%dma_wait3A_190, %dma_wait3A_191] : memref<10000x128xf32, #tpu.memory_space<hbm>> -> memref<10000x128xf32, #tpu.memory_space<hbm>>
      tpu.wait_indirect_dma semaphore(%arg17 : memref<!tpu.dma_semaphore, #tpu.memory_space<semaphore_mem>>) src(%dma_wait3A_192 : memref<10000x128xf32, #tpu.memory_space<hbm>>) dst(%arg10 : memref<128x128xf32, #tpu.memory_space<vmem>>)
      %add3A_193 = arith.constant 1024 : i32
      %add3A_194 = arith.addi %add3A_29, %add3A_193 : i32
      %dma_start3A_195 = tpu.memref_slice %arg4[%add3A_194] : memref<327680xi32, #tpu.memory_space<hbm>> -> memref<128xi32, #tpu.memory_space<hbm>>
      %dma_start3A_196 = tpu.memref_slice %arg4[%add3A_194] : memref<327680xi32, #tpu.memory_space<hbm>> -> memref<128xi32, #tpu.memory_space<hbm>>
      tpu.enqueue_dma source(%dma_start3A_196 : memref<128xi32, #tpu.memory_space<hbm>>) target(%arg6 : memref<128xi32, #tpu.memory_space<vmem>>) target_semaphore(%arg13 : memref<!tpu.dma_semaphore, #tpu.memory_space<semaphore_mem>>)
      %add3A_197 = arith.constant 768 : i32
      %add3A_198 = arith.addi %add3A_29, %add3A_197 : i32
      %dma_wait3A_199 = tpu.memref_slice %arg3[%add3A_198] : memref<327680xi32, #tpu.memory_space<hbm>> -> memref<128xi32, #tpu.memory_space<hbm>>
      %dma_wait3A_200 = tpu.memref_slice %arg3[%add3A_198] : memref<327680xi32, #tpu.memory_space<hbm>> -> memref<128xi32, #tpu.memory_space<hbm>>
      tpu.wait_dma2 semaphore(%arg15 : memref<!tpu.dma_semaphore, #tpu.memory_space<semaphore_mem>>) src(%dma_wait3A_200 : memref<128xi32, #tpu.memory_space<hbm>>) dst(%arg8 : memref<128xi32, #tpu.memory_space<vmem>>)
      "tpu.region"() ({
        %run_scoped3A = tpu.sem_alloc : memref<!tpu.dma_semaphore, #tpu.memory_space<semaphore_mem>>
        %dma_start3A_380 = arith.constant 0 : i32
        %dma_start3A_381 = arith.constant 0 : i32
        %dma_start3A_382 = tpu.memref_slice %arg12[%dma_start3A_380, %dma_start3A_381] : memref<10240x128xf32, #tpu.memory_space<vmem_shared>> -> memref<10240x128xf32, #tpu.memory_space<vmem_shared>>
        tpu.enqueue_indirect_dma source(%arg10 : memref<128x128xf32, #tpu.memory_space<vmem>>) target(%dma_start3A_382 : memref<10240x128xf32, #tpu.memory_space<vmem_shared>>) offsets(%arg8 : memref<128xi32, #tpu.memory_space<vmem>>) semaphore(%run_scoped3A : memref<!tpu.dma_semaphore, #tpu.memory_space<semaphore_mem>>) {add = true}
        %dma_wait3A_383 = arith.constant 0 : i32
        %dma_wait3A_384 = arith.constant 0 : i32
        %dma_wait3A_385 = tpu.memref_slice %arg12[%dma_wait3A_383, %dma_wait3A_384] : memref<10240x128xf32, #tpu.memory_space<vmem_shared>> -> memref<10240x128xf32, #tpu.memory_space<vmem_shared>>
        tpu.wait_indirect_dma semaphore(%run_scoped3A : memref<!tpu.dma_semaphore, #tpu.memory_space<semaphore_mem>>) src(%arg10 : memref<128x128xf32, #tpu.memory_space<vmem>>) dst(%dma_wait3A_385 : memref<10240x128xf32, #tpu.memory_space<vmem_shared>>)
        tpu.yield
      }) : () -> ()
      %add3A_201 = arith.constant 1024 : i32
      %add3A_202 = arith.addi %add3A_29, %add3A_201 : i32
      %dma_start3A_203 = tpu.memref_slice %arg3[%add3A_202] : memref<327680xi32, #tpu.memory_space<hbm>> -> memref<128xi32, #tpu.memory_space<hbm>>
      %dma_start3A_204 = tpu.memref_slice %arg3[%add3A_202] : memref<327680xi32, #tpu.memory_space<hbm>> -> memref<128xi32, #tpu.memory_space<hbm>>
      tpu.enqueue_dma source(%dma_start3A_204 : memref<128xi32, #tpu.memory_space<hbm>>) target(%arg8 : memref<128xi32, #tpu.memory_space<vmem>>) target_semaphore(%arg15 : memref<!tpu.dma_semaphore, #tpu.memory_space<semaphore_mem>>)
      %add3A_205 = arith.constant 1024 : i32
      %add3A_206 = arith.addi %add3A_29, %add3A_205 : i32
      %dma_wait3A_207 = tpu.memref_slice %arg4[%add3A_206] : memref<327680xi32, #tpu.memory_space<hbm>> -> memref<128xi32, #tpu.memory_space<hbm>>
      %dma_wait3A_208 = tpu.memref_slice %arg4[%add3A_206] : memref<327680xi32, #tpu.memory_space<hbm>> -> memref<128xi32, #tpu.memory_space<hbm>>
      tpu.wait_dma2 semaphore(%arg13 : memref<!tpu.dma_semaphore, #tpu.memory_space<semaphore_mem>>) src(%dma_wait3A_208 : memref<128xi32, #tpu.memory_space<hbm>>) dst(%arg6 : memref<128xi32, #tpu.memory_space<vmem>>)
      %dma_start3A_209 = arith.constant 0 : i32
      %dma_start3A_210 = arith.constant 0 : i32
      %dma_start3A_211 = tpu.memref_slice %arg2[%dma_start3A_209, %dma_start3A_210] : memref<10000x128xf32, #tpu.memory_space<hbm>> -> memref<10000x128xf32, #tpu.memory_space<hbm>>
      tpu.enqueue_indirect_dma source(%dma_start3A_211 : memref<10000x128xf32, #tpu.memory_space<hbm>>) target(%arg10 : memref<128x128xf32, #tpu.memory_space<vmem>>) offsets(%arg6 : memref<128xi32, #tpu.memory_space<vmem>>) semaphore(%arg17 : memref<!tpu.dma_semaphore, #tpu.memory_space<semaphore_mem>>)
      %dma_wait3A_212 = arith.constant 0 : i32
      %dma_wait3A_213 = arith.constant 0 : i32
      %dma_wait3A_214 = tpu.memref_slice %arg2[%dma_wait3A_212, %dma_wait3A_213] : memref<10000x128xf32, #tpu.memory_space<hbm>> -> memref<10000x128xf32, #tpu.memory_space<hbm>>
      tpu.wait_indirect_dma semaphore(%arg18 : memref<!tpu.dma_semaphore, #tpu.memory_space<semaphore_mem>>) src(%dma_wait3A_214 : memref<10000x128xf32, #tpu.memory_space<hbm>>) dst(%arg11 : memref<128x128xf32, #tpu.memory_space<vmem>>)
      %add3A_215 = arith.constant 1152 : i32
      %add3A_216 = arith.addi %add3A_29, %add3A_215 : i32
      %dma_start3A_217 = tpu.memref_slice %arg4[%add3A_216] : memref<327680xi32, #tpu.memory_space<hbm>> -> memref<128xi32, #tpu.memory_space<hbm>>
      %dma_start3A_218 = tpu.memref_slice %arg4[%add3A_216] : memref<327680xi32, #tpu.memory_space<hbm>> -> memref<128xi32, #tpu.memory_space<hbm>>
      tpu.enqueue_dma source(%dma_start3A_218 : memref<128xi32, #tpu.memory_space<hbm>>) target(%arg7 : memref<128xi32, #tpu.memory_space<vmem>>) target_semaphore(%arg14 : memref<!tpu.dma_semaphore, #tpu.memory_space<semaphore_mem>>)
      %add3A_219 = arith.constant 896 : i32
      %add3A_220 = arith.addi %add3A_29, %add3A_219 : i32
      %dma_wait3A_221 = tpu.memref_slice %arg3[%add3A_220] : memref<327680xi32, #tpu.memory_space<hbm>> -> memref<128xi32, #tpu.memory_space<hbm>>
      %dma_wait3A_222 = tpu.memref_slice %arg3[%add3A_220] : memref<327680xi32, #tpu.memory_space<hbm>> -> memref<128xi32, #tpu.memory_space<hbm>>
      tpu.wait_dma2 semaphore(%arg16 : memref<!tpu.dma_semaphore, #tpu.memory_space<semaphore_mem>>) src(%dma_wait3A_222 : memref<128xi32, #tpu.memory_space<hbm>>) dst(%arg9 : memref<128xi32, #tpu.memory_space<vmem>>)
      "tpu.region"() ({
        %run_scoped3A = tpu.sem_alloc : memref<!tpu.dma_semaphore, #tpu.memory_space<semaphore_mem>>
        %dma_start3A_380 = arith.constant 0 : i32
        %dma_start3A_381 = arith.constant 0 : i32
        %dma_start3A_382 = tpu.memref_slice %arg12[%dma_start3A_380, %dma_start3A_381] : memref<10240x128xf32, #tpu.memory_space<vmem_shared>> -> memref<10240x128xf32, #tpu.memory_space<vmem_shared>>
        tpu.enqueue_indirect_dma source(%arg11 : memref<128x128xf32, #tpu.memory_space<vmem>>) target(%dma_start3A_382 : memref<10240x128xf32, #tpu.memory_space<vmem_shared>>) offsets(%arg9 : memref<128xi32, #tpu.memory_space<vmem>>) semaphore(%run_scoped3A : memref<!tpu.dma_semaphore, #tpu.memory_space<semaphore_mem>>) {add = true}
        %dma_wait3A_383 = arith.constant 0 : i32
        %dma_wait3A_384 = arith.constant 0 : i32
        %dma_wait3A_385 = tpu.memref_slice %arg12[%dma_wait3A_383, %dma_wait3A_384] : memref<10240x128xf32, #tpu.memory_space<vmem_shared>> -> memref<10240x128xf32, #tpu.memory_space<vmem_shared>>
        tpu.wait_indirect_dma semaphore(%run_scoped3A : memref<!tpu.dma_semaphore, #tpu.memory_space<semaphore_mem>>) src(%arg11 : memref<128x128xf32, #tpu.memory_space<vmem>>) dst(%dma_wait3A_385 : memref<10240x128xf32, #tpu.memory_space<vmem_shared>>)
        tpu.yield
      }) : () -> ()
      %add3A_223 = arith.constant 1152 : i32
      %add3A_224 = arith.addi %add3A_29, %add3A_223 : i32
      %dma_start3A_225 = tpu.memref_slice %arg3[%add3A_224] : memref<327680xi32, #tpu.memory_space<hbm>> -> memref<128xi32, #tpu.memory_space<hbm>>
      %dma_start3A_226 = tpu.memref_slice %arg3[%add3A_224] : memref<327680xi32, #tpu.memory_space<hbm>> -> memref<128xi32, #tpu.memory_space<hbm>>
      tpu.enqueue_dma source(%dma_start3A_226 : memref<128xi32, #tpu.memory_space<hbm>>) target(%arg9 : memref<128xi32, #tpu.memory_space<vmem>>) target_semaphore(%arg16 : memref<!tpu.dma_semaphore, #tpu.memory_space<semaphore_mem>>)
      %add3A_227 = arith.constant 1152 : i32
      %add3A_228 = arith.addi %add3A_29, %add3A_227 : i32
      %dma_wait3A_229 = tpu.memref_slice %arg4[%add3A_228] : memref<327680xi32, #tpu.memory_space<hbm>> -> memref<128xi32, #tpu.memory_space<hbm>>
      %dma_wait3A_230 = tpu.memref_slice %arg4[%add3A_228] : memref<327680xi32, #tpu.memory_space<hbm>> -> memref<128xi32, #tpu.memory_space<hbm>>
      tpu.wait_dma2 semaphore(%arg14 : memref<!tpu.dma_semaphore, #tpu.memory_space<semaphore_mem>>) src(%dma_wait3A_230 : memref<128xi32, #tpu.memory_space<hbm>>) dst(%arg7 : memref<128xi32, #tpu.memory_space<vmem>>)
      %dma_start3A_231 = arith.constant 0 : i32
      %dma_start3A_232 = arith.constant 0 : i32
      %dma_start3A_233 = tpu.memref_slice %arg2[%dma_start3A_231, %dma_start3A_232] : memref<10000x128xf32, #tpu.memory_space<hbm>> -> memref<10000x128xf32, #tpu.memory_space<hbm>>
      tpu.enqueue_indirect_dma source(%dma_start3A_233 : memref<10000x128xf32, #tpu.memory_space<hbm>>) target(%arg11 : memref<128x128xf32, #tpu.memory_space<vmem>>) offsets(%arg7 : memref<128xi32, #tpu.memory_space<vmem>>) semaphore(%arg18 : memref<!tpu.dma_semaphore, #tpu.memory_space<semaphore_mem>>)
      %dma_wait3A_234 = arith.constant 0 : i32
      %dma_wait3A_235 = arith.constant 0 : i32
      %dma_wait3A_236 = tpu.memref_slice %arg2[%dma_wait3A_234, %dma_wait3A_235] : memref<10000x128xf32, #tpu.memory_space<hbm>> -> memref<10000x128xf32, #tpu.memory_space<hbm>>
      tpu.wait_indirect_dma semaphore(%arg17 : memref<!tpu.dma_semaphore, #tpu.memory_space<semaphore_mem>>) src(%dma_wait3A_236 : memref<10000x128xf32, #tpu.memory_space<hbm>>) dst(%arg10 : memref<128x128xf32, #tpu.memory_space<vmem>>)
      %add3A_237 = arith.constant 1280 : i32
      %add3A_238 = arith.addi %add3A_29, %add3A_237 : i32
      %dma_start3A_239 = tpu.memref_slice %arg4[%add3A_238] : memref<327680xi32, #tpu.memory_space<hbm>> -> memref<128xi32, #tpu.memory_space<hbm>>
      %dma_start3A_240 = tpu.memref_slice %arg4[%add3A_238] : memref<327680xi32, #tpu.memory_space<hbm>> -> memref<128xi32, #tpu.memory_space<hbm>>
      tpu.enqueue_dma source(%dma_start3A_240 : memref<128xi32, #tpu.memory_space<hbm>>) target(%arg6 : memref<128xi32, #tpu.memory_space<vmem>>) target_semaphore(%arg13 : memref<!tpu.dma_semaphore, #tpu.memory_space<semaphore_mem>>)
      %add3A_241 = arith.constant 1024 : i32
      %add3A_242 = arith.addi %add3A_29, %add3A_241 : i32
      %dma_wait3A_243 = tpu.memref_slice %arg3[%add3A_242] : memref<327680xi32, #tpu.memory_space<hbm>> -> memref<128xi32, #tpu.memory_space<hbm>>
      %dma_wait3A_244 = tpu.memref_slice %arg3[%add3A_242] : memref<327680xi32, #tpu.memory_space<hbm>> -> memref<128xi32, #tpu.memory_space<hbm>>
      tpu.wait_dma2 semaphore(%arg15 : memref<!tpu.dma_semaphore, #tpu.memory_space<semaphore_mem>>) src(%dma_wait3A_244 : memref<128xi32, #tpu.memory_space<hbm>>) dst(%arg8 : memref<128xi32, #tpu.memory_space<vmem>>)
      "tpu.region"() ({
        %run_scoped3A = tpu.sem_alloc : memref<!tpu.dma_semaphore, #tpu.memory_space<semaphore_mem>>
        %dma_start3A_380 = arith.constant 0 : i32
        %dma_start3A_381 = arith.constant 0 : i32
        %dma_start3A_382 = tpu.memref_slice %arg12[%dma_start3A_380, %dma_start3A_381] : memref<10240x128xf32, #tpu.memory_space<vmem_shared>> -> memref<10240x128xf32, #tpu.memory_space<vmem_shared>>
        tpu.enqueue_indirect_dma source(%arg10 : memref<128x128xf32, #tpu.memory_space<vmem>>) target(%dma_start3A_382 : memref<10240x128xf32, #tpu.memory_space<vmem_shared>>) offsets(%arg8 : memref<128xi32, #tpu.memory_space<vmem>>) semaphore(%run_scoped3A : memref<!tpu.dma_semaphore, #tpu.memory_space<semaphore_mem>>) {add = true}
        %dma_wait3A_383 = arith.constant 0 : i32
        %dma_wait3A_384 = arith.constant 0 : i32
        %dma_wait3A_385 = tpu.memref_slice %arg12[%dma_wait3A_383, %dma_wait3A_384] : memref<10240x128xf32, #tpu.memory_space<vmem_shared>> -> memref<10240x128xf32, #tpu.memory_space<vmem_shared>>
        tpu.wait_indirect_dma semaphore(%run_scoped3A : memref<!tpu.dma_semaphore, #tpu.memory_space<semaphore_mem>>) src(%arg10 : memref<128x128xf32, #tpu.memory_space<vmem>>) dst(%dma_wait3A_385 : memref<10240x128xf32, #tpu.memory_space<vmem_shared>>)
        tpu.yield
      }) : () -> ()
      %add3A_245 = arith.constant 1280 : i32
      %add3A_246 = arith.addi %add3A_29, %add3A_245 : i32
      %dma_start3A_247 = tpu.memref_slice %arg3[%add3A_246] : memref<327680xi32, #tpu.memory_space<hbm>> -> memref<128xi32, #tpu.memory_space<hbm>>
      %dma_start3A_248 = tpu.memref_slice %arg3[%add3A_246] : memref<327680xi32, #tpu.memory_space<hbm>> -> memref<128xi32, #tpu.memory_space<hbm>>
      tpu.enqueue_dma source(%dma_start3A_248 : memref<128xi32, #tpu.memory_space<hbm>>) target(%arg8 : memref<128xi32, #tpu.memory_space<vmem>>) target_semaphore(%arg15 : memref<!tpu.dma_semaphore, #tpu.memory_space<semaphore_mem>>)
      %add3A_249 = arith.constant 1280 : i32
      %add3A_250 = arith.addi %add3A_29, %add3A_249 : i32
      %dma_wait3A_251 = tpu.memref_slice %arg4[%add3A_250] : memref<327680xi32, #tpu.memory_space<hbm>> -> memref<128xi32, #tpu.memory_space<hbm>>
      %dma_wait3A_252 = tpu.memref_slice %arg4[%add3A_250] : memref<327680xi32, #tpu.memory_space<hbm>> -> memref<128xi32, #tpu.memory_space<hbm>>
      tpu.wait_dma2 semaphore(%arg13 : memref<!tpu.dma_semaphore, #tpu.memory_space<semaphore_mem>>) src(%dma_wait3A_252 : memref<128xi32, #tpu.memory_space<hbm>>) dst(%arg6 : memref<128xi32, #tpu.memory_space<vmem>>)
      %dma_start3A_253 = arith.constant 0 : i32
      %dma_start3A_254 = arith.constant 0 : i32
      %dma_start3A_255 = tpu.memref_slice %arg2[%dma_start3A_253, %dma_start3A_254] : memref<10000x128xf32, #tpu.memory_space<hbm>> -> memref<10000x128xf32, #tpu.memory_space<hbm>>
      tpu.enqueue_indirect_dma source(%dma_start3A_255 : memref<10000x128xf32, #tpu.memory_space<hbm>>) target(%arg10 : memref<128x128xf32, #tpu.memory_space<vmem>>) offsets(%arg6 : memref<128xi32, #tpu.memory_space<vmem>>) semaphore(%arg17 : memref<!tpu.dma_semaphore, #tpu.memory_space<semaphore_mem>>)
      %dma_wait3A_256 = arith.constant 0 : i32
      %dma_wait3A_257 = arith.constant 0 : i32
      %dma_wait3A_258 = tpu.memref_slice %arg2[%dma_wait3A_256, %dma_wait3A_257] : memref<10000x128xf32, #tpu.memory_space<hbm>> -> memref<10000x128xf32, #tpu.memory_space<hbm>>
      tpu.wait_indirect_dma semaphore(%arg18 : memref<!tpu.dma_semaphore, #tpu.memory_space<semaphore_mem>>) src(%dma_wait3A_258 : memref<10000x128xf32, #tpu.memory_space<hbm>>) dst(%arg11 : memref<128x128xf32, #tpu.memory_space<vmem>>)
      %add3A_259 = arith.constant 1408 : i32
      %add3A_260 = arith.addi %add3A_29, %add3A_259 : i32
      %dma_start3A_261 = tpu.memref_slice %arg4[%add3A_260] : memref<327680xi32, #tpu.memory_space<hbm>> -> memref<128xi32, #tpu.memory_space<hbm>>
      %dma_start3A_262 = tpu.memref_slice %arg4[%add3A_260] : memref<327680xi32, #tpu.memory_space<hbm>> -> memref<128xi32, #tpu.memory_space<hbm>>
      tpu.enqueue_dma source(%dma_start3A_262 : memref<128xi32, #tpu.memory_space<hbm>>) target(%arg7 : memref<128xi32, #tpu.memory_space<vmem>>) target_semaphore(%arg14 : memref<!tpu.dma_semaphore, #tpu.memory_space<semaphore_mem>>)
      %add3A_263 = arith.constant 1152 : i32
      %add3A_264 = arith.addi %add3A_29, %add3A_263 : i32
      %dma_wait3A_265 = tpu.memref_slice %arg3[%add3A_264] : memref<327680xi32, #tpu.memory_space<hbm>> -> memref<128xi32, #tpu.memory_space<hbm>>
      %dma_wait3A_266 = tpu.memref_slice %arg3[%add3A_264] : memref<327680xi32, #tpu.memory_space<hbm>> -> memref<128xi32, #tpu.memory_space<hbm>>
      tpu.wait_dma2 semaphore(%arg16 : memref<!tpu.dma_semaphore, #tpu.memory_space<semaphore_mem>>) src(%dma_wait3A_266 : memref<128xi32, #tpu.memory_space<hbm>>) dst(%arg9 : memref<128xi32, #tpu.memory_space<vmem>>)
      "tpu.region"() ({
        %run_scoped3A = tpu.sem_alloc : memref<!tpu.dma_semaphore, #tpu.memory_space<semaphore_mem>>
        %dma_start3A_380 = arith.constant 0 : i32
        %dma_start3A_381 = arith.constant 0 : i32
        %dma_start3A_382 = tpu.memref_slice %arg12[%dma_start3A_380, %dma_start3A_381] : memref<10240x128xf32, #tpu.memory_space<vmem_shared>> -> memref<10240x128xf32, #tpu.memory_space<vmem_shared>>
        tpu.enqueue_indirect_dma source(%arg11 : memref<128x128xf32, #tpu.memory_space<vmem>>) target(%dma_start3A_382 : memref<10240x128xf32, #tpu.memory_space<vmem_shared>>) offsets(%arg9 : memref<128xi32, #tpu.memory_space<vmem>>) semaphore(%run_scoped3A : memref<!tpu.dma_semaphore, #tpu.memory_space<semaphore_mem>>) {add = true}
        %dma_wait3A_383 = arith.constant 0 : i32
        %dma_wait3A_384 = arith.constant 0 : i32
        %dma_wait3A_385 = tpu.memref_slice %arg12[%dma_wait3A_383, %dma_wait3A_384] : memref<10240x128xf32, #tpu.memory_space<vmem_shared>> -> memref<10240x128xf32, #tpu.memory_space<vmem_shared>>
        tpu.wait_indirect_dma semaphore(%run_scoped3A : memref<!tpu.dma_semaphore, #tpu.memory_space<semaphore_mem>>) src(%arg11 : memref<128x128xf32, #tpu.memory_space<vmem>>) dst(%dma_wait3A_385 : memref<10240x128xf32, #tpu.memory_space<vmem_shared>>)
        tpu.yield
      }) : () -> ()
      %add3A_267 = arith.constant 1408 : i32
      %add3A_268 = arith.addi %add3A_29, %add3A_267 : i32
      %dma_start3A_269 = tpu.memref_slice %arg3[%add3A_268] : memref<327680xi32, #tpu.memory_space<hbm>> -> memref<128xi32, #tpu.memory_space<hbm>>
      %dma_start3A_270 = tpu.memref_slice %arg3[%add3A_268] : memref<327680xi32, #tpu.memory_space<hbm>> -> memref<128xi32, #tpu.memory_space<hbm>>
      tpu.enqueue_dma source(%dma_start3A_270 : memref<128xi32, #tpu.memory_space<hbm>>) target(%arg9 : memref<128xi32, #tpu.memory_space<vmem>>) target_semaphore(%arg16 : memref<!tpu.dma_semaphore, #tpu.memory_space<semaphore_mem>>)
      %add3A_271 = arith.constant 1408 : i32
      %add3A_272 = arith.addi %add3A_29, %add3A_271 : i32
      %dma_wait3A_273 = tpu.memref_slice %arg4[%add3A_272] : memref<327680xi32, #tpu.memory_space<hbm>> -> memref<128xi32, #tpu.memory_space<hbm>>
      %dma_wait3A_274 = tpu.memref_slice %arg4[%add3A_272] : memref<327680xi32, #tpu.memory_space<hbm>> -> memref<128xi32, #tpu.memory_space<hbm>>
      tpu.wait_dma2 semaphore(%arg14 : memref<!tpu.dma_semaphore, #tpu.memory_space<semaphore_mem>>) src(%dma_wait3A_274 : memref<128xi32, #tpu.memory_space<hbm>>) dst(%arg7 : memref<128xi32, #tpu.memory_space<vmem>>)
      %dma_start3A_275 = arith.constant 0 : i32
      %dma_start3A_276 = arith.constant 0 : i32
      %dma_start3A_277 = tpu.memref_slice %arg2[%dma_start3A_275, %dma_start3A_276] : memref<10000x128xf32, #tpu.memory_space<hbm>> -> memref<10000x128xf32, #tpu.memory_space<hbm>>
      tpu.enqueue_indirect_dma source(%dma_start3A_277 : memref<10000x128xf32, #tpu.memory_space<hbm>>) target(%arg11 : memref<128x128xf32, #tpu.memory_space<vmem>>) offsets(%arg7 : memref<128xi32, #tpu.memory_space<vmem>>) semaphore(%arg18 : memref<!tpu.dma_semaphore, #tpu.memory_space<semaphore_mem>>)
      %dma_wait3A_278 = arith.constant 0 : i32
      %dma_wait3A_279 = arith.constant 0 : i32
      %dma_wait3A_280 = tpu.memref_slice %arg2[%dma_wait3A_278, %dma_wait3A_279] : memref<10000x128xf32, #tpu.memory_space<hbm>> -> memref<10000x128xf32, #tpu.memory_space<hbm>>
      tpu.wait_indirect_dma semaphore(%arg17 : memref<!tpu.dma_semaphore, #tpu.memory_space<semaphore_mem>>) src(%dma_wait3A_280 : memref<10000x128xf32, #tpu.memory_space<hbm>>) dst(%arg10 : memref<128x128xf32, #tpu.memory_space<vmem>>)
      %add3A_281 = arith.constant 1536 : i32
      %add3A_282 = arith.addi %add3A_29, %add3A_281 : i32
      %dma_start3A_283 = tpu.memref_slice %arg4[%add3A_282] : memref<327680xi32, #tpu.memory_space<hbm>> -> memref<128xi32, #tpu.memory_space<hbm>>
      %dma_start3A_284 = tpu.memref_slice %arg4[%add3A_282] : memref<327680xi32, #tpu.memory_space<hbm>> -> memref<128xi32, #tpu.memory_space<hbm>>
      tpu.enqueue_dma source(%dma_start3A_284 : memref<128xi32, #tpu.memory_space<hbm>>) target(%arg6 : memref<128xi32, #tpu.memory_space<vmem>>) target_semaphore(%arg13 : memref<!tpu.dma_semaphore, #tpu.memory_space<semaphore_mem>>)
      %add3A_285 = arith.constant 1280 : i32
      %add3A_286 = arith.addi %add3A_29, %add3A_285 : i32
      %dma_wait3A_287 = tpu.memref_slice %arg3[%add3A_286] : memref<327680xi32, #tpu.memory_space<hbm>> -> memref<128xi32, #tpu.memory_space<hbm>>
      %dma_wait3A_288 = tpu.memref_slice %arg3[%add3A_286] : memref<327680xi32, #tpu.memory_space<hbm>> -> memref<128xi32, #tpu.memory_space<hbm>>
      tpu.wait_dma2 semaphore(%arg15 : memref<!tpu.dma_semaphore, #tpu.memory_space<semaphore_mem>>) src(%dma_wait3A_288 : memref<128xi32, #tpu.memory_space<hbm>>) dst(%arg8 : memref<128xi32, #tpu.memory_space<vmem>>)
      "tpu.region"() ({
        %run_scoped3A = tpu.sem_alloc : memref<!tpu.dma_semaphore, #tpu.memory_space<semaphore_mem>>
        %dma_start3A_380 = arith.constant 0 : i32
        %dma_start3A_381 = arith.constant 0 : i32
        %dma_start3A_382 = tpu.memref_slice %arg12[%dma_start3A_380, %dma_start3A_381] : memref<10240x128xf32, #tpu.memory_space<vmem_shared>> -> memref<10240x128xf32, #tpu.memory_space<vmem_shared>>
        tpu.enqueue_indirect_dma source(%arg10 : memref<128x128xf32, #tpu.memory_space<vmem>>) target(%dma_start3A_382 : memref<10240x128xf32, #tpu.memory_space<vmem_shared>>) offsets(%arg8 : memref<128xi32, #tpu.memory_space<vmem>>) semaphore(%run_scoped3A : memref<!tpu.dma_semaphore, #tpu.memory_space<semaphore_mem>>) {add = true}
        %dma_wait3A_383 = arith.constant 0 : i32
        %dma_wait3A_384 = arith.constant 0 : i32
        %dma_wait3A_385 = tpu.memref_slice %arg12[%dma_wait3A_383, %dma_wait3A_384] : memref<10240x128xf32, #tpu.memory_space<vmem_shared>> -> memref<10240x128xf32, #tpu.memory_space<vmem_shared>>
        tpu.wait_indirect_dma semaphore(%run_scoped3A : memref<!tpu.dma_semaphore, #tpu.memory_space<semaphore_mem>>) src(%arg10 : memref<128x128xf32, #tpu.memory_space<vmem>>) dst(%dma_wait3A_385 : memref<10240x128xf32, #tpu.memory_space<vmem_shared>>)
        tpu.yield
      }) : () -> ()
      %add3A_289 = arith.constant 1536 : i32
      %add3A_290 = arith.addi %add3A_29, %add3A_289 : i32
      %dma_start3A_291 = tpu.memref_slice %arg3[%add3A_290] : memref<327680xi32, #tpu.memory_space<hbm>> -> memref<128xi32, #tpu.memory_space<hbm>>
      %dma_start3A_292 = tpu.memref_slice %arg3[%add3A_290] : memref<327680xi32, #tpu.memory_space<hbm>> -> memref<128xi32, #tpu.memory_space<hbm>>
      tpu.enqueue_dma source(%dma_start3A_292 : memref<128xi32, #tpu.memory_space<hbm>>) target(%arg8 : memref<128xi32, #tpu.memory_space<vmem>>) target_semaphore(%arg15 : memref<!tpu.dma_semaphore, #tpu.memory_space<semaphore_mem>>)
      %add3A_293 = arith.constant 1536 : i32
      %add3A_294 = arith.addi %add3A_29, %add3A_293 : i32
      %dma_wait3A_295 = tpu.memref_slice %arg4[%add3A_294] : memref<327680xi32, #tpu.memory_space<hbm>> -> memref<128xi32, #tpu.memory_space<hbm>>
      %dma_wait3A_296 = tpu.memref_slice %arg4[%add3A_294] : memref<327680xi32, #tpu.memory_space<hbm>> -> memref<128xi32, #tpu.memory_space<hbm>>
      tpu.wait_dma2 semaphore(%arg13 : memref<!tpu.dma_semaphore, #tpu.memory_space<semaphore_mem>>) src(%dma_wait3A_296 : memref<128xi32, #tpu.memory_space<hbm>>) dst(%arg6 : memref<128xi32, #tpu.memory_space<vmem>>)
      %dma_start3A_297 = arith.constant 0 : i32
      %dma_start3A_298 = arith.constant 0 : i32
      %dma_start3A_299 = tpu.memref_slice %arg2[%dma_start3A_297, %dma_start3A_298] : memref<10000x128xf32, #tpu.memory_space<hbm>> -> memref<10000x128xf32, #tpu.memory_space<hbm>>
      tpu.enqueue_indirect_dma source(%dma_start3A_299 : memref<10000x128xf32, #tpu.memory_space<hbm>>) target(%arg10 : memref<128x128xf32, #tpu.memory_space<vmem>>) offsets(%arg6 : memref<128xi32, #tpu.memory_space<vmem>>) semaphore(%arg17 : memref<!tpu.dma_semaphore, #tpu.memory_space<semaphore_mem>>)
      %dma_wait3A_300 = arith.constant 0 : i32
      %dma_wait3A_301 = arith.constant 0 : i32
      %dma_wait3A_302 = tpu.memref_slice %arg2[%dma_wait3A_300, %dma_wait3A_301] : memref<10000x128xf32, #tpu.memory_space<hbm>> -> memref<10000x128xf32, #tpu.memory_space<hbm>>
      tpu.wait_indirect_dma semaphore(%arg18 : memref<!tpu.dma_semaphore, #tpu.memory_space<semaphore_mem>>) src(%dma_wait3A_302 : memref<10000x128xf32, #tpu.memory_space<hbm>>) dst(%arg11 : memref<128x128xf32, #tpu.memory_space<vmem>>)
      %add3A_303 = arith.constant 1664 : i32
      %add3A_304 = arith.addi %add3A_29, %add3A_303 : i32
      %dma_start3A_305 = tpu.memref_slice %arg4[%add3A_304] : memref<327680xi32, #tpu.memory_space<hbm>> -> memref<128xi32, #tpu.memory_space<hbm>>
      %dma_start3A_306 = tpu.memref_slice %arg4[%add3A_304] : memref<327680xi32, #tpu.memory_space<hbm>> -> memref<128xi32, #tpu.memory_space<hbm>>
      tpu.enqueue_dma source(%dma_start3A_306 : memref<128xi32, #tpu.memory_space<hbm>>) target(%arg7 : memref<128xi32, #tpu.memory_space<vmem>>) target_semaphore(%arg14 : memref<!tpu.dma_semaphore, #tpu.memory_space<semaphore_mem>>)
      %add3A_307 = arith.constant 1408 : i32
      %add3A_308 = arith.addi %add3A_29, %add3A_307 : i32
      %dma_wait3A_309 = tpu.memref_slice %arg3[%add3A_308] : memref<327680xi32, #tpu.memory_space<hbm>> -> memref<128xi32, #tpu.memory_space<hbm>>
      %dma_wait3A_310 = tpu.memref_slice %arg3[%add3A_308] : memref<327680xi32, #tpu.memory_space<hbm>> -> memref<128xi32, #tpu.memory_space<hbm>>
      tpu.wait_dma2 semaphore(%arg16 : memref<!tpu.dma_semaphore, #tpu.memory_space<semaphore_mem>>) src(%dma_wait3A_310 : memref<128xi32, #tpu.memory_space<hbm>>) dst(%arg9 : memref<128xi32, #tpu.memory_space<vmem>>)
      "tpu.region"() ({
        %run_scoped3A = tpu.sem_alloc : memref<!tpu.dma_semaphore, #tpu.memory_space<semaphore_mem>>
        %dma_start3A_380 = arith.constant 0 : i32
        %dma_start3A_381 = arith.constant 0 : i32
        %dma_start3A_382 = tpu.memref_slice %arg12[%dma_start3A_380, %dma_start3A_381] : memref<10240x128xf32, #tpu.memory_space<vmem_shared>> -> memref<10240x128xf32, #tpu.memory_space<vmem_shared>>
        tpu.enqueue_indirect_dma source(%arg11 : memref<128x128xf32, #tpu.memory_space<vmem>>) target(%dma_start3A_382 : memref<10240x128xf32, #tpu.memory_space<vmem_shared>>) offsets(%arg9 : memref<128xi32, #tpu.memory_space<vmem>>) semaphore(%run_scoped3A : memref<!tpu.dma_semaphore, #tpu.memory_space<semaphore_mem>>) {add = true}
        %dma_wait3A_383 = arith.constant 0 : i32
        %dma_wait3A_384 = arith.constant 0 : i32
        %dma_wait3A_385 = tpu.memref_slice %arg12[%dma_wait3A_383, %dma_wait3A_384] : memref<10240x128xf32, #tpu.memory_space<vmem_shared>> -> memref<10240x128xf32, #tpu.memory_space<vmem_shared>>
        tpu.wait_indirect_dma semaphore(%run_scoped3A : memref<!tpu.dma_semaphore, #tpu.memory_space<semaphore_mem>>) src(%arg11 : memref<128x128xf32, #tpu.memory_space<vmem>>) dst(%dma_wait3A_385 : memref<10240x128xf32, #tpu.memory_space<vmem_shared>>)
        tpu.yield
      }) : () -> ()
      %add3A_311 = arith.constant 1664 : i32
      %add3A_312 = arith.addi %add3A_29, %add3A_311 : i32
      %dma_start3A_313 = tpu.memref_slice %arg3[%add3A_312] : memref<327680xi32, #tpu.memory_space<hbm>> -> memref<128xi32, #tpu.memory_space<hbm>>
      %dma_start3A_314 = tpu.memref_slice %arg3[%add3A_312] : memref<327680xi32, #tpu.memory_space<hbm>> -> memref<128xi32, #tpu.memory_space<hbm>>
      tpu.enqueue_dma source(%dma_start3A_314 : memref<128xi32, #tpu.memory_space<hbm>>) target(%arg9 : memref<128xi32, #tpu.memory_space<vmem>>) target_semaphore(%arg16 : memref<!tpu.dma_semaphore, #tpu.memory_space<semaphore_mem>>)
      %add3A_315 = arith.constant 1664 : i32
      %add3A_316 = arith.addi %add3A_29, %add3A_315 : i32
      %dma_wait3A_317 = tpu.memref_slice %arg4[%add3A_316] : memref<327680xi32, #tpu.memory_space<hbm>> -> memref<128xi32, #tpu.memory_space<hbm>>
      %dma_wait3A_318 = tpu.memref_slice %arg4[%add3A_316] : memref<327680xi32, #tpu.memory_space<hbm>> -> memref<128xi32, #tpu.memory_space<hbm>>
      tpu.wait_dma2 semaphore(%arg14 : memref<!tpu.dma_semaphore, #tpu.memory_space<semaphore_mem>>) src(%dma_wait3A_318 : memref<128xi32, #tpu.memory_space<hbm>>) dst(%arg7 : memref<128xi32, #tpu.memory_space<vmem>>)
      %dma_start3A_319 = arith.constant 0 : i32
      %dma_start3A_320 = arith.constant 0 : i32
      %dma_start3A_321 = tpu.memref_slice %arg2[%dma_start3A_319, %dma_start3A_320] : memref<10000x128xf32, #tpu.memory_space<hbm>> -> memref<10000x128xf32, #tpu.memory_space<hbm>>
      tpu.enqueue_indirect_dma source(%dma_start3A_321 : memref<10000x128xf32, #tpu.memory_space<hbm>>) target(%arg11 : memref<128x128xf32, #tpu.memory_space<vmem>>) offsets(%arg7 : memref<128xi32, #tpu.memory_space<vmem>>) semaphore(%arg18 : memref<!tpu.dma_semaphore, #tpu.memory_space<semaphore_mem>>)
      %dma_wait3A_322 = arith.constant 0 : i32
      %dma_wait3A_323 = arith.constant 0 : i32
      %dma_wait3A_324 = tpu.memref_slice %arg2[%dma_wait3A_322, %dma_wait3A_323] : memref<10000x128xf32, #tpu.memory_space<hbm>> -> memref<10000x128xf32, #tpu.memory_space<hbm>>
      tpu.wait_indirect_dma semaphore(%arg17 : memref<!tpu.dma_semaphore, #tpu.memory_space<semaphore_mem>>) src(%dma_wait3A_324 : memref<10000x128xf32, #tpu.memory_space<hbm>>) dst(%arg10 : memref<128x128xf32, #tpu.memory_space<vmem>>)
      %add3A_325 = arith.constant 1792 : i32
      %add3A_326 = arith.addi %add3A_29, %add3A_325 : i32
      %dma_start3A_327 = tpu.memref_slice %arg4[%add3A_326] : memref<327680xi32, #tpu.memory_space<hbm>> -> memref<128xi32, #tpu.memory_space<hbm>>
      %dma_start3A_328 = tpu.memref_slice %arg4[%add3A_326] : memref<327680xi32, #tpu.memory_space<hbm>> -> memref<128xi32, #tpu.memory_space<hbm>>
      tpu.enqueue_dma source(%dma_start3A_328 : memref<128xi32, #tpu.memory_space<hbm>>) target(%arg6 : memref<128xi32, #tpu.memory_space<vmem>>) target_semaphore(%arg13 : memref<!tpu.dma_semaphore, #tpu.memory_space<semaphore_mem>>)
      %add3A_329 = arith.constant 1536 : i32
      %add3A_330 = arith.addi %add3A_29, %add3A_329 : i32
      %dma_wait3A_331 = tpu.memref_slice %arg3[%add3A_330] : memref<327680xi32, #tpu.memory_space<hbm>> -> memref<128xi32, #tpu.memory_space<hbm>>
      %dma_wait3A_332 = tpu.memref_slice %arg3[%add3A_330] : memref<327680xi32, #tpu.memory_space<hbm>> -> memref<128xi32, #tpu.memory_space<hbm>>
      tpu.wait_dma2 semaphore(%arg15 : memref<!tpu.dma_semaphore, #tpu.memory_space<semaphore_mem>>) src(%dma_wait3A_332 : memref<128xi32, #tpu.memory_space<hbm>>) dst(%arg8 : memref<128xi32, #tpu.memory_space<vmem>>)
      "tpu.region"() ({
        %run_scoped3A = tpu.sem_alloc : memref<!tpu.dma_semaphore, #tpu.memory_space<semaphore_mem>>
        %dma_start3A_380 = arith.constant 0 : i32
        %dma_start3A_381 = arith.constant 0 : i32
        %dma_start3A_382 = tpu.memref_slice %arg12[%dma_start3A_380, %dma_start3A_381] : memref<10240x128xf32, #tpu.memory_space<vmem_shared>> -> memref<10240x128xf32, #tpu.memory_space<vmem_shared>>
        tpu.enqueue_indirect_dma source(%arg10 : memref<128x128xf32, #tpu.memory_space<vmem>>) target(%dma_start3A_382 : memref<10240x128xf32, #tpu.memory_space<vmem_shared>>) offsets(%arg8 : memref<128xi32, #tpu.memory_space<vmem>>) semaphore(%run_scoped3A : memref<!tpu.dma_semaphore, #tpu.memory_space<semaphore_mem>>) {add = true}
        %dma_wait3A_383 = arith.constant 0 : i32
        %dma_wait3A_384 = arith.constant 0 : i32
        %dma_wait3A_385 = tpu.memref_slice %arg12[%dma_wait3A_383, %dma_wait3A_384] : memref<10240x128xf32, #tpu.memory_space<vmem_shared>> -> memref<10240x128xf32, #tpu.memory_space<vmem_shared>>
        tpu.wait_indirect_dma semaphore(%run_scoped3A : memref<!tpu.dma_semaphore, #tpu.memory_space<semaphore_mem>>) src(%arg10 : memref<128x128xf32, #tpu.memory_space<vmem>>) dst(%dma_wait3A_385 : memref<10240x128xf32, #tpu.memory_space<vmem_shared>>)
        tpu.yield
      }) : () -> ()
      %add3A_333 = arith.constant 1792 : i32
      %add3A_334 = arith.addi %add3A_29, %add3A_333 : i32
      %dma_start3A_335 = tpu.memref_slice %arg3[%add3A_334] : memref<327680xi32, #tpu.memory_space<hbm>> -> memref<128xi32, #tpu.memory_space<hbm>>
      %dma_start3A_336 = tpu.memref_slice %arg3[%add3A_334] : memref<327680xi32, #tpu.memory_space<hbm>> -> memref<128xi32, #tpu.memory_space<hbm>>
      tpu.enqueue_dma source(%dma_start3A_336 : memref<128xi32, #tpu.memory_space<hbm>>) target(%arg8 : memref<128xi32, #tpu.memory_space<vmem>>) target_semaphore(%arg15 : memref<!tpu.dma_semaphore, #tpu.memory_space<semaphore_mem>>)
      %add3A_337 = arith.constant 1792 : i32
      %add3A_338 = arith.addi %add3A_29, %add3A_337 : i32
      %dma_wait3A_339 = tpu.memref_slice %arg4[%add3A_338] : memref<327680xi32, #tpu.memory_space<hbm>> -> memref<128xi32, #tpu.memory_space<hbm>>
      %dma_wait3A_340 = tpu.memref_slice %arg4[%add3A_338] : memref<327680xi32, #tpu.memory_space<hbm>> -> memref<128xi32, #tpu.memory_space<hbm>>
      tpu.wait_dma2 semaphore(%arg13 : memref<!tpu.dma_semaphore, #tpu.memory_space<semaphore_mem>>) src(%dma_wait3A_340 : memref<128xi32, #tpu.memory_space<hbm>>) dst(%arg6 : memref<128xi32, #tpu.memory_space<vmem>>)
      %dma_start3A_341 = arith.constant 0 : i32
      %dma_start3A_342 = arith.constant 0 : i32
      %dma_start3A_343 = tpu.memref_slice %arg2[%dma_start3A_341, %dma_start3A_342] : memref<10000x128xf32, #tpu.memory_space<hbm>> -> memref<10000x128xf32, #tpu.memory_space<hbm>>
      tpu.enqueue_indirect_dma source(%dma_start3A_343 : memref<10000x128xf32, #tpu.memory_space<hbm>>) target(%arg10 : memref<128x128xf32, #tpu.memory_space<vmem>>) offsets(%arg6 : memref<128xi32, #tpu.memory_space<vmem>>) semaphore(%arg17 : memref<!tpu.dma_semaphore, #tpu.memory_space<semaphore_mem>>)
      %dma_wait3A_344 = arith.constant 0 : i32
      %dma_wait3A_345 = arith.constant 0 : i32
      %dma_wait3A_346 = tpu.memref_slice %arg2[%dma_wait3A_344, %dma_wait3A_345] : memref<10000x128xf32, #tpu.memory_space<hbm>> -> memref<10000x128xf32, #tpu.memory_space<hbm>>
      tpu.wait_indirect_dma semaphore(%arg18 : memref<!tpu.dma_semaphore, #tpu.memory_space<semaphore_mem>>) src(%dma_wait3A_346 : memref<10000x128xf32, #tpu.memory_space<hbm>>) dst(%arg11 : memref<128x128xf32, #tpu.memory_space<vmem>>)
      %add3A_347 = arith.constant 1920 : i32
      %add3A_348 = arith.addi %add3A_29, %add3A_347 : i32
      %dma_start3A_349 = tpu.memref_slice %arg4[%add3A_348] : memref<327680xi32, #tpu.memory_space<hbm>> -> memref<128xi32, #tpu.memory_space<hbm>>
      %dma_start3A_350 = tpu.memref_slice %arg4[%add3A_348] : memref<327680xi32, #tpu.memory_space<hbm>> -> memref<128xi32, #tpu.memory_space<hbm>>
      tpu.enqueue_dma source(%dma_start3A_350 : memref<128xi32, #tpu.memory_space<hbm>>) target(%arg7 : memref<128xi32, #tpu.memory_space<vmem>>) target_semaphore(%arg14 : memref<!tpu.dma_semaphore, #tpu.memory_space<semaphore_mem>>)
      %add3A_351 = arith.constant 1664 : i32
      %add3A_352 = arith.addi %add3A_29, %add3A_351 : i32
      %dma_wait3A_353 = tpu.memref_slice %arg3[%add3A_352] : memref<327680xi32, #tpu.memory_space<hbm>> -> memref<128xi32, #tpu.memory_space<hbm>>
      %dma_wait3A_354 = tpu.memref_slice %arg3[%add3A_352] : memref<327680xi32, #tpu.memory_space<hbm>> -> memref<128xi32, #tpu.memory_space<hbm>>
      tpu.wait_dma2 semaphore(%arg16 : memref<!tpu.dma_semaphore, #tpu.memory_space<semaphore_mem>>) src(%dma_wait3A_354 : memref<128xi32, #tpu.memory_space<hbm>>) dst(%arg9 : memref<128xi32, #tpu.memory_space<vmem>>)
      "tpu.region"() ({
        %run_scoped3A = tpu.sem_alloc : memref<!tpu.dma_semaphore, #tpu.memory_space<semaphore_mem>>
        %dma_start3A_380 = arith.constant 0 : i32
        %dma_start3A_381 = arith.constant 0 : i32
        %dma_start3A_382 = tpu.memref_slice %arg12[%dma_start3A_380, %dma_start3A_381] : memref<10240x128xf32, #tpu.memory_space<vmem_shared>> -> memref<10240x128xf32, #tpu.memory_space<vmem_shared>>
        tpu.enqueue_indirect_dma source(%arg11 : memref<128x128xf32, #tpu.memory_space<vmem>>) target(%dma_start3A_382 : memref<10240x128xf32, #tpu.memory_space<vmem_shared>>) offsets(%arg9 : memref<128xi32, #tpu.memory_space<vmem>>) semaphore(%run_scoped3A : memref<!tpu.dma_semaphore, #tpu.memory_space<semaphore_mem>>) {add = true}
        %dma_wait3A_383 = arith.constant 0 : i32
        %dma_wait3A_384 = arith.constant 0 : i32
        %dma_wait3A_385 = tpu.memref_slice %arg12[%dma_wait3A_383, %dma_wait3A_384] : memref<10240x128xf32, #tpu.memory_space<vmem_shared>> -> memref<10240x128xf32, #tpu.memory_space<vmem_shared>>
        tpu.wait_indirect_dma semaphore(%run_scoped3A : memref<!tpu.dma_semaphore, #tpu.memory_space<semaphore_mem>>) src(%arg11 : memref<128x128xf32, #tpu.memory_space<vmem>>) dst(%dma_wait3A_385 : memref<10240x128xf32, #tpu.memory_space<vmem_shared>>)
        tpu.yield
      }) : () -> ()
      %add3A_355 = arith.constant 1920 : i32
      %add3A_356 = arith.addi %add3A_29, %add3A_355 : i32
      %dma_start3A_357 = tpu.memref_slice %arg3[%add3A_356] : memref<327680xi32, #tpu.memory_space<hbm>> -> memref<128xi32, #tpu.memory_space<hbm>>
      %dma_start3A_358 = tpu.memref_slice %arg3[%add3A_356] : memref<327680xi32, #tpu.memory_space<hbm>> -> memref<128xi32, #tpu.memory_space<hbm>>
      tpu.enqueue_dma source(%dma_start3A_358 : memref<128xi32, #tpu.memory_space<hbm>>) target(%arg9 : memref<128xi32, #tpu.memory_space<vmem>>) target_semaphore(%arg16 : memref<!tpu.dma_semaphore, #tpu.memory_space<semaphore_mem>>)
      %add3A_359 = arith.constant 1920 : i32
      %add3A_360 = arith.addi %add3A_29, %add3A_359 : i32
      %dma_wait3A_361 = tpu.memref_slice %arg4[%add3A_360] : memref<327680xi32, #tpu.memory_space<hbm>> -> memref<128xi32, #tpu.memory_space<hbm>>
      %dma_wait3A_362 = tpu.memref_slice %arg4[%add3A_360] : memref<327680xi32, #tpu.memory_space<hbm>> -> memref<128xi32, #tpu.memory_space<hbm>>
      tpu.wait_dma2 semaphore(%arg14 : memref<!tpu.dma_semaphore, #tpu.memory_space<semaphore_mem>>) src(%dma_wait3A_362 : memref<128xi32, #tpu.memory_space<hbm>>) dst(%arg7 : memref<128xi32, #tpu.memory_space<vmem>>)
      %dma_start3A_363 = arith.constant 0 : i32
      %dma_start3A_364 = arith.constant 0 : i32
      %dma_start3A_365 = tpu.memref_slice %arg2[%dma_start3A_363, %dma_start3A_364] : memref<10000x128xf32, #tpu.memory_space<hbm>> -> memref<10000x128xf32, #tpu.memory_space<hbm>>
      tpu.enqueue_indirect_dma source(%dma_start3A_365 : memref<10000x128xf32, #tpu.memory_space<hbm>>) target(%arg11 : memref<128x128xf32, #tpu.memory_space<vmem>>) offsets(%arg7 : memref<128xi32, #tpu.memory_space<vmem>>) semaphore(%arg18 : memref<!tpu.dma_semaphore, #tpu.memory_space<semaphore_mem>>)
      %dma_wait3A_366 = arith.constant 0 : i32
      %dma_wait3A_367 = arith.constant 0 : i32
      %dma_wait3A_368 = tpu.memref_slice %arg2[%dma_wait3A_366, %dma_wait3A_367] : memref<10000x128xf32, #tpu.memory_space<hbm>> -> memref<10000x128xf32, #tpu.memory_space<hbm>>
      tpu.wait_indirect_dma semaphore(%arg17 : memref<!tpu.dma_semaphore, #tpu.memory_space<semaphore_mem>>) src(%dma_wait3A_368 : memref<10000x128xf32, #tpu.memory_space<hbm>>) dst(%arg10 : memref<128x128xf32, #tpu.memory_space<vmem>>)
      %add3A_369 = arith.constant 1792 : i32
      %add3A_370 = arith.addi %add3A_29, %add3A_369 : i32
      %dma_wait3A_371 = tpu.memref_slice %arg3[%add3A_370] : memref<327680xi32, #tpu.memory_space<hbm>> -> memref<128xi32, #tpu.memory_space<hbm>>
      %dma_wait3A_372 = tpu.memref_slice %arg3[%add3A_370] : memref<327680xi32, #tpu.memory_space<hbm>> -> memref<128xi32, #tpu.memory_space<hbm>>
      tpu.wait_dma2 semaphore(%arg15 : memref<!tpu.dma_semaphore, #tpu.memory_space<semaphore_mem>>) src(%dma_wait3A_372 : memref<128xi32, #tpu.memory_space<hbm>>) dst(%arg8 : memref<128xi32, #tpu.memory_space<vmem>>)
      "tpu.region"() ({
        %run_scoped3A = tpu.sem_alloc : memref<!tpu.dma_semaphore, #tpu.memory_space<semaphore_mem>>
        %dma_start3A_380 = arith.constant 0 : i32
        %dma_start3A_381 = arith.constant 0 : i32
        %dma_start3A_382 = tpu.memref_slice %arg12[%dma_start3A_380, %dma_start3A_381] : memref<10240x128xf32, #tpu.memory_space<vmem_shared>> -> memref<10240x128xf32, #tpu.memory_space<vmem_shared>>
        tpu.enqueue_indirect_dma source(%arg10 : memref<128x128xf32, #tpu.memory_space<vmem>>) target(%dma_start3A_382 : memref<10240x128xf32, #tpu.memory_space<vmem_shared>>) offsets(%arg8 : memref<128xi32, #tpu.memory_space<vmem>>) semaphore(%run_scoped3A : memref<!tpu.dma_semaphore, #tpu.memory_space<semaphore_mem>>) {add = true}
        %dma_wait3A_383 = arith.constant 0 : i32
        %dma_wait3A_384 = arith.constant 0 : i32
        %dma_wait3A_385 = tpu.memref_slice %arg12[%dma_wait3A_383, %dma_wait3A_384] : memref<10240x128xf32, #tpu.memory_space<vmem_shared>> -> memref<10240x128xf32, #tpu.memory_space<vmem_shared>>
        tpu.wait_indirect_dma semaphore(%run_scoped3A : memref<!tpu.dma_semaphore, #tpu.memory_space<semaphore_mem>>) src(%arg10 : memref<128x128xf32, #tpu.memory_space<vmem>>) dst(%dma_wait3A_385 : memref<10240x128xf32, #tpu.memory_space<vmem_shared>>)
        tpu.yield
      }) : () -> ()
      %dma_wait3A_373 = arith.constant 0 : i32
      %dma_wait3A_374 = arith.constant 0 : i32
      %dma_wait3A_375 = tpu.memref_slice %arg2[%dma_wait3A_373, %dma_wait3A_374] : memref<10000x128xf32, #tpu.memory_space<hbm>> -> memref<10000x128xf32, #tpu.memory_space<hbm>>
      tpu.wait_indirect_dma semaphore(%arg18 : memref<!tpu.dma_semaphore, #tpu.memory_space<semaphore_mem>>) src(%dma_wait3A_375 : memref<10000x128xf32, #tpu.memory_space<hbm>>) dst(%arg11 : memref<128x128xf32, #tpu.memory_space<vmem>>)
      %add3A_376 = arith.constant 1920 : i32
      %add3A_377 = arith.addi %add3A_29, %add3A_376 : i32
      %dma_wait3A_378 = tpu.memref_slice %arg3[%add3A_377] : memref<327680xi32, #tpu.memory_space<hbm>> -> memref<128xi32, #tpu.memory_space<hbm>>
      %dma_wait3A_379 = tpu.memref_slice %arg3[%add3A_377] : memref<327680xi32, #tpu.memory_space<hbm>> -> memref<128xi32, #tpu.memory_space<hbm>>
      tpu.wait_dma2 semaphore(%arg16 : memref<!tpu.dma_semaphore, #tpu.memory_space<semaphore_mem>>) src(%dma_wait3A_379 : memref<128xi32, #tpu.memory_space<hbm>>) dst(%arg9 : memref<128xi32, #tpu.memory_space<vmem>>)
      "tpu.region"() ({
        %run_scoped3A = tpu.sem_alloc : memref<!tpu.dma_semaphore, #tpu.memory_space<semaphore_mem>>
        %dma_start3A_380 = arith.constant 0 : i32
        %dma_start3A_381 = arith.constant 0 : i32
        %dma_start3A_382 = tpu.memref_slice %arg12[%dma_start3A_380, %dma_start3A_381] : memref<10240x128xf32, #tpu.memory_space<vmem_shared>> -> memref<10240x128xf32, #tpu.memory_space<vmem_shared>>
        tpu.enqueue_indirect_dma source(%arg11 : memref<128x128xf32, #tpu.memory_space<vmem>>) target(%dma_start3A_382 : memref<10240x128xf32, #tpu.memory_space<vmem_shared>>) offsets(%arg9 : memref<128xi32, #tpu.memory_space<vmem>>) semaphore(%run_scoped3A : memref<!tpu.dma_semaphore, #tpu.memory_space<semaphore_mem>>) {add = true}
        %dma_wait3A_383 = arith.constant 0 : i32
        %dma_wait3A_384 = arith.constant 0 : i32
        %dma_wait3A_385 = tpu.memref_slice %arg12[%dma_wait3A_383, %dma_wait3A_384] : memref<10240x128xf32, #tpu.memory_space<vmem_shared>> -> memref<10240x128xf32, #tpu.memory_space<vmem_shared>>
        tpu.wait_indirect_dma semaphore(%run_scoped3A : memref<!tpu.dma_semaphore, #tpu.memory_space<semaphore_mem>>) src(%arg11 : memref<128x128xf32, #tpu.memory_space<vmem>>) dst(%dma_wait3A_385 : memref<10240x128xf32, #tpu.memory_space<vmem_shared>>)
        tpu.yield
      }) : () -> ()
    }
    %scan3A_16 = arith.constant 5 : i32
    %barrier3A_17 = arith.constant 0 : index
    tpu.barrier barrier_id(%barrier3A_17)
    %mul3A_18 = arith.constant 640 : i32
    %mul3A_19 = arith.muli %arg1, %mul3A_18 : i32
    %mul3A_20 = arith.constant 640 : i32
    %mul3A_21 = arith.muli %arg1, %mul3A_20 : i32
    "tpu.region"() ({
      %run_scoped3A = tpu.sem_alloc : memref<!tpu.dma_semaphore, #tpu.memory_space<semaphore_mem>>
      %dma_start3A = arith.constant 0 : i32
      %dma_start3A_22 = tpu.memref_slice %arg5[%arg0, %mul3A_21, %dma_start3A] : memref<2x10240x128xf32, #tpu.memory_space<hbm>> -> memref<1x640x128xf32, #tpu.memory_space<hbm>>
      %dma_start3A_23 = tpu.memref_squeeze %dma_start3A_22 : memref<1x640x128xf32, #tpu.memory_space<hbm>> -> memref<640x128xf32, #tpu.memory_space<hbm>>
      %dma_start3A_24 = arith.constant 0 : i32
      %dma_start3A_25 = tpu.memref_slice %arg12[%mul3A_19, %dma_start3A_24] : memref<10240x128xf32, #tpu.memory_space<vmem_shared>> -> memref<640x128xf32, #tpu.memory_space<vmem_shared>>
      tpu.enqueue_dma source(%dma_start3A_25 : memref<640x128xf32, #tpu.memory_space<vmem_shared>>) target(%dma_start3A_23 : memref<640x128xf32, #tpu.memory_space<hbm>>) target_semaphore(%run_scoped3A : memref<!tpu.dma_semaphore, #tpu.memory_space<semaphore_mem>>)
      %dma_wait3A = arith.constant 0 : i32
      %dma_wait3A_26 = tpu.memref_slice %arg5[%arg0, %mul3A_21, %dma_wait3A] : memref<2x10240x128xf32, #tpu.memory_space<hbm>> -> memref<1x640x128xf32, #tpu.memory_space<hbm>>
      %dma_wait3A_27 = tpu.memref_squeeze %dma_wait3A_26 : memref<1x640x128xf32, #tpu.memory_space<hbm>> -> memref<640x128xf32, #tpu.memory_space<hbm>>
      %dma_wait3A_28 = arith.constant 0 : i32
      %dma_wait3A_29 = tpu.memref_slice %arg12[%mul3A_19, %dma_wait3A_28] : memref<10240x128xf32, #tpu.memory_space<vmem_shared>> -> memref<640x128xf32, #tpu.memory_space<vmem_shared>>
      tpu.wait_dma2 semaphore(%run_scoped3A : memref<!tpu.dma_semaphore, #tpu.memory_space<semaphore_mem>>) src(%dma_wait3A_29 : memref<640x128xf32, #tpu.memory_space<vmem_shared>>) dst(%dma_wait3A_27 : memref<640x128xf32, #tpu.memory_space<hbm>>)
      tpu.yield
    }) : () -> ()
    return
  }
}

#map = affine_map<(d0, d1) -> (0, 0)>
#map1 = affine_map<(d0, d1) -> (0)>
#map2 = affine_map<(d0, d1) -> (0, 0, 0)>
module attributes {stable_mosaic.version = 14 : i64} {
  func.func @_sc_agg_body(%arg0: i32, %arg1: i32, %arg2: memref<10000x128xf32, #tpu.memory_space<hbm>>, %arg3: memref<327680xi32, #tpu.memory_space<hbm>>, %arg4: memref<327680xi32, #tpu.memory_space<hbm>>, %arg5: memref<2x10240x128xf32, #tpu.memory_space<hbm>>, %arg6: memref<128xi32, #tpu.memory_space<vmem>>, %arg7: memref<128xi32, #tpu.memory_space<vmem>>, %arg8: memref<128xi32, #tpu.memory_space<vmem>>, %arg9: memref<128xi32, #tpu.memory_space<vmem>>, %arg10: memref<128x128xf32, #tpu.memory_space<vmem>>, %arg11: memref<128x128xf32, #tpu.memory_space<vmem>>, %arg12: memref<10240x128xf32, #tpu.memory_space<vmem_shared>>, %arg13: memref<!tpu.dma_semaphore, #tpu.memory_space<semaphore_mem>>, %arg14: memref<!tpu.dma_semaphore, #tpu.memory_space<semaphore_mem>>, %arg15: memref<!tpu.dma_semaphore, #tpu.memory_space<semaphore_mem>>, %arg16: memref<!tpu.dma_semaphore, #tpu.memory_space<semaphore_mem>>, %arg17: memref<!tpu.dma_semaphore, #tpu.memory_space<semaphore_mem>>, %arg18: memref<!tpu.dma_semaphore, #tpu.memory_space<semaphore_mem>>) attributes {dimension_semantics = [#tpu.dimension_semantics<core_parallel>, #tpu.dimension_semantics<subcore_parallel>], iteration_bounds = array<i64: 2, 16>, scalar_prefetch = 0 : i64, scratch_operands = 13 : i64, tpu.core_type = #tpu.core_type<sc_vector_subcore>, window_params = [{transform_indices = #map}, {transform_indices = #map1}, {transform_indices = #map1}, {transform_indices = #map2}]} {
    %mul3A = arith.constant 163840 : i32
    %mul3A_0 = arith.muli %arg0, %mul3A : i32
    %mul3A_1 = arith.constant 10240 : i32
    %mul3A_2 = arith.muli %arg1, %mul3A_1 : i32
    %add3A = arith.addi %mul3A_0, %mul3A_2 : i32
    %scan3A = arith.constant 0 : i32
    %scan3A_3 = arith.constant 128 : i32
    %scan3A_4 = arith.addi %scan3A, %scan3A_3 : i32
    %scan3A_5 = arith.constant 1 : i32
    scf.for %scan3A_22 = %scan3A to %scan3A_4 step %scan3A_5  : i32 {
      %mul3A_23 = arith.constant 1 : i32
      %mul3A_24 = arith.muli %scan3A_22, %mul3A_23 : i32
      %add3A_25 = arith.constant 0 : i32
      %add3A_26 = arith.addi %add3A_25, %mul3A_24 : i32
      %scan3A_27 = arith.constant 0 : i32
      %scan3A_28 = arith.constant 8 : i32
      %scan3A_29 = arith.addi %scan3A_27, %scan3A_28 : i32
      %scan3A_30 = arith.constant 1 : i32
      scf.for %scan3A_32 = %scan3A_27 to %scan3A_29 step %scan3A_30  : i32 {
        %mul3A_33 = arith.constant 16 : i32
        %mul3A_34 = arith.muli %scan3A_32, %mul3A_33 : i32
        %add3A_35 = arith.constant 0 : i32
        %add3A_36 = arith.addi %add3A_35, %mul3A_34 : i32
        %broadcast_in_dim3A = arith.constant 0.000000e+00 : f32
        %broadcast_in_dim3A_37 = vector.broadcast %broadcast_in_dim3A : f32 to vector<16xf32>
        %swap3A = arith.index_cast %add3A_26 : i32 to index
        %swap3A_38 = arith.index_cast %add3A_36 : i32 to index
        %swap3A_39 = tpu.vector_load %arg10[%swap3A, %swap3A_38] {strides = array<i32>} : memref<128x128xf32, #tpu.memory_space<vmem>>, vector<1x16xf32>,
        %swap3A_40 = vector.shape_cast %swap3A_39 : vector<1x16xf32> to vector<16xf32>
        %swap3A_41 = vector.shape_cast %broadcast_in_dim3A_37 : vector<16xf32> to vector<1x16xf32>
        tpu.vector_store %arg10[%swap3A, %swap3A_38], %swap3A_41 {strides = array<i32>} : memref<128x128xf32, #tpu.memory_space<vmem>>, vector<1x16xf32>,
      }
      %scan3A_31 = arith.constant 8 : i32
    }
    %scan3A_6 = arith.constant 128 : i32
    %scan3A_7 = arith.constant 0 : i32
    %scan3A_8 = arith.constant 5 : i32
    %scan3A_9 = arith.addi %scan3A_7, %scan3A_8 : i32
    %scan3A_10 = arith.constant 1 : i32
    scf.for %scan3A_22 = %scan3A_7 to %scan3A_9 step %scan3A_10  : i32 {
      %mul3A_23 = arith.constant 128 : i32
      %mul3A_24 = arith.muli %scan3A_22, %mul3A_23 : i32
      %add3A_25 = arith.constant 0 : i32
      %add3A_26 = arith.addi %add3A_25, %mul3A_24 : i32
      %mul3A_27 = arith.constant 640 : i32
      %mul3A_28 = arith.muli %arg1, %mul3A_27 : i32
      %add3A_29 = arith.addi %mul3A_28, %add3A_26 : i32
      "tpu.region"() ({
        %run_scoped3A = tpu.sem_alloc : memref<!tpu.dma_semaphore, #tpu.memory_space<semaphore_mem>>
        %dma_start3A = arith.constant 0 : i32
        %dma_start3A_30 = tpu.memref_slice %arg12[%add3A_29, %dma_start3A] : memref<10240x128xf32, #tpu.memory_space<vmem_shared>> -> memref<128x128xf32, #tpu.memory_space<vmem_shared>>
        %dma_start3A_31 = arith.constant 0 : i32
        %dma_start3A_32 = tpu.memref_slice %arg12[%add3A_29, %dma_start3A_31] : memref<10240x128xf32, #tpu.memory_space<vmem_shared>> -> memref<128x128xf32, #tpu.memory_space<vmem_shared>>
        tpu.enqueue_dma source(%arg10 : memref<128x128xf32, #tpu.memory_space<vmem>>) target(%dma_start3A_32 : memref<128x128xf32, #tpu.memory_space<vmem_shared>>) target_semaphore(%run_scoped3A : memref<!tpu.dma_semaphore, #tpu.memory_space<semaphore_mem>>)
        %dma_wait3A = arith.constant 0 : i32
        %dma_wait3A_33 = tpu.memref_slice %arg12[%add3A_29, %dma_wait3A] : memref<10240x128xf32, #tpu.memory_space<vmem_shared>> -> memref<128x128xf32, #tpu.memory_space<vmem_shared>>
        %dma_wait3A_34 = arith.constant 0 : i32
        %dma_wait3A_35 = tpu.memref_slice %arg12[%add3A_29, %dma_wait3A_34] : memref<10240x128xf32, #tpu.memory_space<vmem_shared>> -> memref<128x128xf32, #tpu.memory_space<vmem_shared>>
        tpu.wait_dma2 semaphore(%run_scoped3A : memref<!tpu.dma_semaphore, #tpu.memory_space<semaphore_mem>>) src(%arg10 : memref<128x128xf32, #tpu.memory_space<vmem>>) dst(%dma_wait3A_35 : memref<128x128xf32, #tpu.memory_space<vmem_shared>>)
        tpu.yield
      }) : () -> ()
    }
    %scan3A_11 = arith.constant 5 : i32
    %barrier3A = arith.constant 0 : index
    tpu.barrier barrier_id(%barrier3A)
    %scan3A_12 = arith.constant 0 : i32
    %scan3A_13 = arith.constant 5 : i32
    %scan3A_14 = arith.addi %scan3A_12, %scan3A_13 : i32
    %scan3A_15 = arith.constant 1 : i32
    scf.for %scan3A_22 = %scan3A_12 to %scan3A_14 step %scan3A_15  : i32 {
      %mul3A_23 = arith.constant 16 : i32
      %mul3A_24 = arith.muli %scan3A_22, %mul3A_23 : i32
      %add3A_25 = arith.constant 0 : i32
      %add3A_26 = arith.addi %add3A_25, %mul3A_24 : i32
      %mul3A_27 = arith.constant 128 : i32
      %mul3A_28 = arith.muli %add3A_26, %mul3A_27 : i32
      %add3A_29 = arith.addi %add3A, %mul3A_28 : i32
      %add3A_30 = arith.constant 0 : i32
      %add3A_31 = arith.addi %add3A_29, %add3A_30 : i32
      %dma_start3A = tpu.memref_slice %arg4[%add3A_31] : memref<327680xi32, #tpu.memory_space<hbm>> -> memref<128xi32, #tpu.memory_space<hbm>>
      %dma_start3A_32 = tpu.memref_slice %arg4[%add3A_31] : memref<327680xi32, #tpu.memory_space<hbm>> -> memref<128xi32, #tpu.memory_space<hbm>>
      tpu.enqueue_dma source(%dma_start3A_32 : memref<128xi32, #tpu.memory_space<hbm>>) target(%arg6 : memref<128xi32, #tpu.memory_space<vmem>>) target_semaphore(%arg13 : memref<!tpu.dma_semaphore, #tpu.memory_space<semaphore_mem>>)
      %add3A_33 = arith.constant 0 : i32
      %add3A_34 = arith.addi %add3A_29, %add3A_33 : i32
      %dma_start3A_35 = tpu.memref_slice %arg3[%add3A_34] : memref<327680xi32, #tpu.memory_space<hbm>> -> memref<128xi32, #tpu.memory_space<hbm>>
      %dma_start3A_36 = tpu.memref_slice %arg3[%add3A_34] : memref<327680xi32, #tpu.memory_space<hbm>> -> memref<128xi32, #tpu.memory_space<hbm>>
      tpu.enqueue_dma source(%dma_start3A_36 : memref<128xi32, #tpu.memory_space<hbm>>) target(%arg8 : memref<128xi32, #tpu.memory_space<vmem>>) target_semaphore(%arg15 : memref<!tpu.dma_semaphore, #tpu.memory_space<semaphore_mem>>)
      %add3A_37 = arith.constant 128 : i32
      %add3A_38 = arith.addi %add3A_29, %add3A_37 : i32
      %dma_start3A_39 = tpu.memref_slice %arg4[%add3A_38] : memref<327680xi32, #tpu.memory_space<hbm>> -> memref<128xi32, #tpu.memory_space<hbm>>
      %dma_start3A_40 = tpu.memref_slice %arg4[%add3A_38] : memref<327680xi32, #tpu.memory_space<hbm>> -> memref<128xi32, #tpu.memory_space<hbm>>
      tpu.enqueue_dma source(%dma_start3A_40 : memref<128xi32, #tpu.memory_space<hbm>>) target(%arg7 : memref<128xi32, #tpu.memory_space<vmem>>) target_semaphore(%arg14 : memref<!tpu.dma_semaphore, #tpu.memory_space<semaphore_mem>>)
      %add3A_41 = arith.constant 128 : i32
      %add3A_42 = arith.addi %add3A_29, %add3A_41 : i32
      %dma_start3A_43 = tpu.memref_slice %arg3[%add3A_42] : memref<327680xi32, #tpu.memory_space<hbm>> -> memref<128xi32, #tpu.memory_space<hbm>>
      %dma_start3A_44 = tpu.memref_slice %arg3[%add3A_42] : memref<327680xi32, #tpu.memory_space<hbm>> -> memref<128xi32, #tpu.memory_space<hbm>>
      tpu.enqueue_dma source(%dma_start3A_44 : memref<128xi32, #tpu.memory_space<hbm>>) target(%arg9 : memref<128xi32, #tpu.memory_space<vmem>>) target_semaphore(%arg16 : memref<!tpu.dma_semaphore, #tpu.memory_space<semaphore_mem>>)
      %add3A_45 = arith.constant 0 : i32
      %add3A_46 = arith.addi %add3A_29, %add3A_45 : i32
      %dma_wait3A = tpu.memref_slice %arg4[%add3A_46] : memref<327680xi32, #tpu.memory_space<hbm>> -> memref<128xi32, #tpu.memory_space<hbm>>
      %dma_wait3A_47 = tpu.memref_slice %arg4[%add3A_46] : memref<327680xi32, #tpu.memory_space<hbm>> -> memref<128xi32, #tpu.memory_space<hbm>>
      tpu.wait_dma2 semaphore(%arg13 : memref<!tpu.dma_semaphore, #tpu.memory_space<semaphore_mem>>) src(%dma_wait3A_47 : memref<128xi32, #tpu.memory_space<hbm>>) dst(%arg6 : memref<128xi32, #tpu.memory_space<vmem>>)
      %dma_start3A_48 = arith.constant 0 : i32
      %dma_start3A_49 = arith.constant 0 : i32
      %dma_start3A_50 = tpu.memref_slice %arg2[%dma_start3A_48, %dma_start3A_49] : memref<10000x128xf32, #tpu.memory_space<hbm>> -> memref<10000x128xf32, #tpu.memory_space<hbm>>
      tpu.enqueue_indirect_dma source(%dma_start3A_50 : memref<10000x128xf32, #tpu.memory_space<hbm>>) target(%arg10 : memref<128x128xf32, #tpu.memory_space<vmem>>) offsets(%arg6 : memref<128xi32, #tpu.memory_space<vmem>>) semaphore(%arg17 : memref<!tpu.dma_semaphore, #tpu.memory_space<semaphore_mem>>)
      %add3A_51 = arith.constant 128 : i32
      %add3A_52 = arith.addi %add3A_29, %add3A_51 : i32
      %dma_wait3A_53 = tpu.memref_slice %arg4[%add3A_52] : memref<327680xi32, #tpu.memory_space<hbm>> -> memref<128xi32, #tpu.memory_space<hbm>>
      %dma_wait3A_54 = tpu.memref_slice %arg4[%add3A_52] : memref<327680xi32, #tpu.memory_space<hbm>> -> memref<128xi32, #tpu.memory_space<hbm>>
      tpu.wait_dma2 semaphore(%arg14 : memref<!tpu.dma_semaphore, #tpu.memory_space<semaphore_mem>>) src(%dma_wait3A_54 : memref<128xi32, #tpu.memory_space<hbm>>) dst(%arg7 : memref<128xi32, #tpu.memory_space<vmem>>)
      %dma_start3A_55 = arith.constant 0 : i32
      %dma_start3A_56 = arith.constant 0 : i32
      %dma_start3A_57 = tpu.memref_slice %arg2[%dma_start3A_55, %dma_start3A_56] : memref<10000x128xf32, #tpu.memory_space<hbm>> -> memref<10000x128xf32, #tpu.memory_space<hbm>>
      tpu.enqueue_indirect_dma source(%dma_start3A_57 : memref<10000x128xf32, #tpu.memory_space<hbm>>) target(%arg11 : memref<128x128xf32, #tpu.memory_space<vmem>>) offsets(%arg7 : memref<128xi32, #tpu.memory_space<vmem>>) semaphore(%arg18 : memref<!tpu.dma_semaphore, #tpu.memory_space<semaphore_mem>>)
      %dma_wait3A_58 = arith.constant 0 : i32
      %dma_wait3A_59 = arith.constant 0 : i32
      %dma_wait3A_60 = tpu.memref_slice %arg2[%dma_wait3A_58, %dma_wait3A_59] : memref<10000x128xf32, #tpu.memory_space<hbm>> -> memref<10000x128xf32, #tpu.memory_space<hbm>>
      tpu.wait_indirect_dma semaphore(%arg17 : memref<!tpu.dma_semaphore, #tpu.memory_space<semaphore_mem>>) src(%dma_wait3A_60 : memref<10000x128xf32, #tpu.memory_space<hbm>>) dst(%arg10 : memref<128x128xf32, #tpu.memory_space<vmem>>)
      %add3A_61 = arith.constant 256 : i32
      %add3A_62 = arith.addi %add3A_29, %add3A_61 : i32
      %dma_start3A_63 = tpu.memref_slice %arg4[%add3A_62] : memref<327680xi32, #tpu.memory_space<hbm>> -> memref<128xi32, #tpu.memory_space<hbm>>
      %dma_start3A_64 = tpu.memref_slice %arg4[%add3A_62] : memref<327680xi32, #tpu.memory_space<hbm>> -> memref<128xi32, #tpu.memory_space<hbm>>
      tpu.enqueue_dma source(%dma_start3A_64 : memref<128xi32, #tpu.memory_space<hbm>>) target(%arg6 : memref<128xi32, #tpu.memory_space<vmem>>) target_semaphore(%arg13 : memref<!tpu.dma_semaphore, #tpu.memory_space<semaphore_mem>>)
      %add3A_65 = arith.constant 0 : i32
      %add3A_66 = arith.addi %add3A_29, %add3A_65 : i32
      %dma_wait3A_67 = tpu.memref_slice %arg3[%add3A_66] : memref<327680xi32, #tpu.memory_space<hbm>> -> memref<128xi32, #tpu.memory_space<hbm>>
      %dma_wait3A_68 = tpu.memref_slice %arg3[%add3A_66] : memref<327680xi32, #tpu.memory_space<hbm>> -> memref<128xi32, #tpu.memory_space<hbm>>
      tpu.wait_dma2 semaphore(%arg15 : memref<!tpu.dma_semaphore, #tpu.memory_space<semaphore_mem>>) src(%dma_wait3A_68 : memref<128xi32, #tpu.memory_space<hbm>>) dst(%arg8 : memref<128xi32, #tpu.memory_space<vmem>>)
      "tpu.region"() ({
        %run_scoped3A = tpu.sem_alloc : memref<!tpu.dma_semaphore, #tpu.memory_space<semaphore_mem>>
        %dma_start3A_380 = arith.constant 0 : i32
        %dma_start3A_381 = arith.constant 0 : i32
        %dma_start3A_382 = tpu.memref_slice %arg12[%dma_start3A_380, %dma_start3A_381] : memref<10240x128xf32, #tpu.memory_space<vmem_shared>> -> memref<10240x128xf32, #tpu.memory_space<vmem_shared>>
        tpu.enqueue_indirect_dma source(%arg10 : memref<128x128xf32, #tpu.memory_space<vmem>>) target(%dma_start3A_382 : memref<10240x128xf32, #tpu.memory_space<vmem_shared>>) offsets(%arg8 : memref<128xi32, #tpu.memory_space<vmem>>) semaphore(%run_scoped3A : memref<!tpu.dma_semaphore, #tpu.memory_space<semaphore_mem>>) {add = true}
        %dma_wait3A_383 = arith.constant 0 : i32
        %dma_wait3A_384 = arith.constant 0 : i32
        %dma_wait3A_385 = tpu.memref_slice %arg12[%dma_wait3A_383, %dma_wait3A_384] : memref<10240x128xf32, #tpu.memory_space<vmem_shared>> -> memref<10240x128xf32, #tpu.memory_space<vmem_shared>>
        tpu.wait_indirect_dma semaphore(%run_scoped3A : memref<!tpu.dma_semaphore, #tpu.memory_space<semaphore_mem>>) src(%arg10 : memref<128x128xf32, #tpu.memory_space<vmem>>) dst(%dma_wait3A_385 : memref<10240x128xf32, #tpu.memory_space<vmem_shared>>)
        tpu.yield
      }) : () -> ()
      %add3A_69 = arith.constant 256 : i32
      %add3A_70 = arith.addi %add3A_29, %add3A_69 : i32
      %dma_start3A_71 = tpu.memref_slice %arg3[%add3A_70] : memref<327680xi32, #tpu.memory_space<hbm>> -> memref<128xi32, #tpu.memory_space<hbm>>
      %dma_start3A_72 = tpu.memref_slice %arg3[%add3A_70] : memref<327680xi32, #tpu.memory_space<hbm>> -> memref<128xi32, #tpu.memory_space<hbm>>
      tpu.enqueue_dma source(%dma_start3A_72 : memref<128xi32, #tpu.memory_space<hbm>>) target(%arg8 : memref<128xi32, #tpu.memory_space<vmem>>) target_semaphore(%arg15 : memref<!tpu.dma_semaphore, #tpu.memory_space<semaphore_mem>>)
      %add3A_73 = arith.constant 256 : i32
      %add3A_74 = arith.addi %add3A_29, %add3A_73 : i32
      %dma_wait3A_75 = tpu.memref_slice %arg4[%add3A_74] : memref<327680xi32, #tpu.memory_space<hbm>> -> memref<128xi32, #tpu.memory_space<hbm>>
      %dma_wait3A_76 = tpu.memref_slice %arg4[%add3A_74] : memref<327680xi32, #tpu.memory_space<hbm>> -> memref<128xi32, #tpu.memory_space<hbm>>
      tpu.wait_dma2 semaphore(%arg13 : memref<!tpu.dma_semaphore, #tpu.memory_space<semaphore_mem>>) src(%dma_wait3A_76 : memref<128xi32, #tpu.memory_space<hbm>>) dst(%arg6 : memref<128xi32, #tpu.memory_space<vmem>>)
      %dma_start3A_77 = arith.constant 0 : i32
      %dma_start3A_78 = arith.constant 0 : i32
      %dma_start3A_79 = tpu.memref_slice %arg2[%dma_start3A_77, %dma_start3A_78] : memref<10000x128xf32, #tpu.memory_space<hbm>> -> memref<10000x128xf32, #tpu.memory_space<hbm>>
      tpu.enqueue_indirect_dma source(%dma_start3A_79 : memref<10000x128xf32, #tpu.memory_space<hbm>>) target(%arg10 : memref<128x128xf32, #tpu.memory_space<vmem>>) offsets(%arg6 : memref<128xi32, #tpu.memory_space<vmem>>) semaphore(%arg17 : memref<!tpu.dma_semaphore, #tpu.memory_space<semaphore_mem>>)
      %dma_wait3A_80 = arith.constant 0 : i32
      %dma_wait3A_81 = arith.constant 0 : i32
      %dma_wait3A_82 = tpu.memref_slice %arg2[%dma_wait3A_80, %dma_wait3A_81] : memref<10000x128xf32, #tpu.memory_space<hbm>> -> memref<10000x128xf32, #tpu.memory_space<hbm>>
      tpu.wait_indirect_dma semaphore(%arg18 : memref<!tpu.dma_semaphore, #tpu.memory_space<semaphore_mem>>) src(%dma_wait3A_82 : memref<10000x128xf32, #tpu.memory_space<hbm>>) dst(%arg11 : memref<128x128xf32, #tpu.memory_space<vmem>>)
      %add3A_83 = arith.constant 384 : i32
      %add3A_84 = arith.addi %add3A_29, %add3A_83 : i32
      %dma_start3A_85 = tpu.memref_slice %arg4[%add3A_84] : memref<327680xi32, #tpu.memory_space<hbm>> -> memref<128xi32, #tpu.memory_space<hbm>>
      %dma_start3A_86 = tpu.memref_slice %arg4[%add3A_84] : memref<327680xi32, #tpu.memory_space<hbm>> -> memref<128xi32, #tpu.memory_space<hbm>>
      tpu.enqueue_dma source(%dma_start3A_86 : memref<128xi32, #tpu.memory_space<hbm>>) target(%arg7 : memref<128xi32, #tpu.memory_space<vmem>>) target_semaphore(%arg14 : memref<!tpu.dma_semaphore, #tpu.memory_space<semaphore_mem>>)
      %add3A_87 = arith.constant 128 : i32
      %add3A_88 = arith.addi %add3A_29, %add3A_87 : i32
      %dma_wait3A_89 = tpu.memref_slice %arg3[%add3A_88] : memref<327680xi32, #tpu.memory_space<hbm>> -> memref<128xi32, #tpu.memory_space<hbm>>
      %dma_wait3A_90 = tpu.memref_slice %arg3[%add3A_88] : memref<327680xi32, #tpu.memory_space<hbm>> -> memref<128xi32, #tpu.memory_space<hbm>>
      tpu.wait_dma2 semaphore(%arg16 : memref<!tpu.dma_semaphore, #tpu.memory_space<semaphore_mem>>) src(%dma_wait3A_90 : memref<128xi32, #tpu.memory_space<hbm>>) dst(%arg9 : memref<128xi32, #tpu.memory_space<vmem>>)
      "tpu.region"() ({
        %run_scoped3A = tpu.sem_alloc : memref<!tpu.dma_semaphore, #tpu.memory_space<semaphore_mem>>
        %dma_start3A_380 = arith.constant 0 : i32
        %dma_start3A_381 = arith.constant 0 : i32
        %dma_start3A_382 = tpu.memref_slice %arg12[%dma_start3A_380, %dma_start3A_381] : memref<10240x128xf32, #tpu.memory_space<vmem_shared>> -> memref<10240x128xf32, #tpu.memory_space<vmem_shared>>
        tpu.enqueue_indirect_dma source(%arg11 : memref<128x128xf32, #tpu.memory_space<vmem>>) target(%dma_start3A_382 : memref<10240x128xf32, #tpu.memory_space<vmem_shared>>) offsets(%arg9 : memref<128xi32, #tpu.memory_space<vmem>>) semaphore(%run_scoped3A : memref<!tpu.dma_semaphore, #tpu.memory_space<semaphore_mem>>) {add = true}
        %dma_wait3A_383 = arith.constant 0 : i32
        %dma_wait3A_384 = arith.constant 0 : i32
        %dma_wait3A_385 = tpu.memref_slice %arg12[%dma_wait3A_383, %dma_wait3A_384] : memref<10240x128xf32, #tpu.memory_space<vmem_shared>> -> memref<10240x128xf32, #tpu.memory_space<vmem_shared>>
        tpu.wait_indirect_dma semaphore(%run_scoped3A : memref<!tpu.dma_semaphore, #tpu.memory_space<semaphore_mem>>) src(%arg11 : memref<128x128xf32, #tpu.memory_space<vmem>>) dst(%dma_wait3A_385 : memref<10240x128xf32, #tpu.memory_space<vmem_shared>>)
        tpu.yield
      }) : () -> ()
      %add3A_91 = arith.constant 384 : i32
      %add3A_92 = arith.addi %add3A_29, %add3A_91 : i32
      %dma_start3A_93 = tpu.memref_slice %arg3[%add3A_92] : memref<327680xi32, #tpu.memory_space<hbm>> -> memref<128xi32, #tpu.memory_space<hbm>>
      %dma_start3A_94 = tpu.memref_slice %arg3[%add3A_92] : memref<327680xi32, #tpu.memory_space<hbm>> -> memref<128xi32, #tpu.memory_space<hbm>>
      tpu.enqueue_dma source(%dma_start3A_94 : memref<128xi32, #tpu.memory_space<hbm>>) target(%arg9 : memref<128xi32, #tpu.memory_space<vmem>>) target_semaphore(%arg16 : memref<!tpu.dma_semaphore, #tpu.memory_space<semaphore_mem>>)
      %add3A_95 = arith.constant 384 : i32
      %add3A_96 = arith.addi %add3A_29, %add3A_95 : i32
      %dma_wait3A_97 = tpu.memref_slice %arg4[%add3A_96] : memref<327680xi32, #tpu.memory_space<hbm>> -> memref<128xi32, #tpu.memory_space<hbm>>
      %dma_wait3A_98 = tpu.memref_slice %arg4[%add3A_96] : memref<327680xi32, #tpu.memory_space<hbm>> -> memref<128xi32, #tpu.memory_space<hbm>>
      tpu.wait_dma2 semaphore(%arg14 : memref<!tpu.dma_semaphore, #tpu.memory_space<semaphore_mem>>) src(%dma_wait3A_98 : memref<128xi32, #tpu.memory_space<hbm>>) dst(%arg7 : memref<128xi32, #tpu.memory_space<vmem>>)
      %dma_start3A_99 = arith.constant 0 : i32
      %dma_start3A_100 = arith.constant 0 : i32
      %dma_start3A_101 = tpu.memref_slice %arg2[%dma_start3A_99, %dma_start3A_100] : memref<10000x128xf32, #tpu.memory_space<hbm>> -> memref<10000x128xf32, #tpu.memory_space<hbm>>
      tpu.enqueue_indirect_dma source(%dma_start3A_101 : memref<10000x128xf32, #tpu.memory_space<hbm>>) target(%arg11 : memref<128x128xf32, #tpu.memory_space<vmem>>) offsets(%arg7 : memref<128xi32, #tpu.memory_space<vmem>>) semaphore(%arg18 : memref<!tpu.dma_semaphore, #tpu.memory_space<semaphore_mem>>)
      %dma_wait3A_102 = arith.constant 0 : i32
      %dma_wait3A_103 = arith.constant 0 : i32
      %dma_wait3A_104 = tpu.memref_slice %arg2[%dma_wait3A_102, %dma_wait3A_103] : memref<10000x128xf32, #tpu.memory_space<hbm>> -> memref<10000x128xf32, #tpu.memory_space<hbm>>
      tpu.wait_indirect_dma semaphore(%arg17 : memref<!tpu.dma_semaphore, #tpu.memory_space<semaphore_mem>>) src(%dma_wait3A_104 : memref<10000x128xf32, #tpu.memory_space<hbm>>) dst(%arg10 : memref<128x128xf32, #tpu.memory_space<vmem>>)
      %add3A_105 = arith.constant 512 : i32
      %add3A_106 = arith.addi %add3A_29, %add3A_105 : i32
      %dma_start3A_107 = tpu.memref_slice %arg4[%add3A_106] : memref<327680xi32, #tpu.memory_space<hbm>> -> memref<128xi32, #tpu.memory_space<hbm>>
      %dma_start3A_108 = tpu.memref_slice %arg4[%add3A_106] : memref<327680xi32, #tpu.memory_space<hbm>> -> memref<128xi32, #tpu.memory_space<hbm>>
      tpu.enqueue_dma source(%dma_start3A_108 : memref<128xi32, #tpu.memory_space<hbm>>) target(%arg6 : memref<128xi32, #tpu.memory_space<vmem>>) target_semaphore(%arg13 : memref<!tpu.dma_semaphore, #tpu.memory_space<semaphore_mem>>)
      %add3A_109 = arith.constant 256 : i32
      %add3A_110 = arith.addi %add3A_29, %add3A_109 : i32
      %dma_wait3A_111 = tpu.memref_slice %arg3[%add3A_110] : memref<327680xi32, #tpu.memory_space<hbm>> -> memref<128xi32, #tpu.memory_space<hbm>>
      %dma_wait3A_112 = tpu.memref_slice %arg3[%add3A_110] : memref<327680xi32, #tpu.memory_space<hbm>> -> memref<128xi32, #tpu.memory_space<hbm>>
      tpu.wait_dma2 semaphore(%arg15 : memref<!tpu.dma_semaphore, #tpu.memory_space<semaphore_mem>>) src(%dma_wait3A_112 : memref<128xi32, #tpu.memory_space<hbm>>) dst(%arg8 : memref<128xi32, #tpu.memory_space<vmem>>)
      "tpu.region"() ({
        %run_scoped3A = tpu.sem_alloc : memref<!tpu.dma_semaphore, #tpu.memory_space<semaphore_mem>>
        %dma_start3A_380 = arith.constant 0 : i32
        %dma_start3A_381 = arith.constant 0 : i32
        %dma_start3A_382 = tpu.memref_slice %arg12[%dma_start3A_380, %dma_start3A_381] : memref<10240x128xf32, #tpu.memory_space<vmem_shared>> -> memref<10240x128xf32, #tpu.memory_space<vmem_shared>>
        tpu.enqueue_indirect_dma source(%arg10 : memref<128x128xf32, #tpu.memory_space<vmem>>) target(%dma_start3A_382 : memref<10240x128xf32, #tpu.memory_space<vmem_shared>>) offsets(%arg8 : memref<128xi32, #tpu.memory_space<vmem>>) semaphore(%run_scoped3A : memref<!tpu.dma_semaphore, #tpu.memory_space<semaphore_mem>>) {add = true}
        %dma_wait3A_383 = arith.constant 0 : i32
        %dma_wait3A_384 = arith.constant 0 : i32
        %dma_wait3A_385 = tpu.memref_slice %arg12[%dma_wait3A_383, %dma_wait3A_384] : memref<10240x128xf32, #tpu.memory_space<vmem_shared>> -> memref<10240x128xf32, #tpu.memory_space<vmem_shared>>
        tpu.wait_indirect_dma semaphore(%run_scoped3A : memref<!tpu.dma_semaphore, #tpu.memory_space<semaphore_mem>>) src(%arg10 : memref<128x128xf32, #tpu.memory_space<vmem>>) dst(%dma_wait3A_385 : memref<10240x128xf32, #tpu.memory_space<vmem_shared>>)
        tpu.yield
      }) : () -> ()
      %add3A_113 = arith.constant 512 : i32
      %add3A_114 = arith.addi %add3A_29, %add3A_113 : i32
      %dma_start3A_115 = tpu.memref_slice %arg3[%add3A_114] : memref<327680xi32, #tpu.memory_space<hbm>> -> memref<128xi32, #tpu.memory_space<hbm>>
      %dma_start3A_116 = tpu.memref_slice %arg3[%add3A_114] : memref<327680xi32, #tpu.memory_space<hbm>> -> memref<128xi32, #tpu.memory_space<hbm>>
      tpu.enqueue_dma source(%dma_start3A_116 : memref<128xi32, #tpu.memory_space<hbm>>) target(%arg8 : memref<128xi32, #tpu.memory_space<vmem>>) target_semaphore(%arg15 : memref<!tpu.dma_semaphore, #tpu.memory_space<semaphore_mem>>)
      %add3A_117 = arith.constant 512 : i32
      %add3A_118 = arith.addi %add3A_29, %add3A_117 : i32
      %dma_wait3A_119 = tpu.memref_slice %arg4[%add3A_118] : memref<327680xi32, #tpu.memory_space<hbm>> -> memref<128xi32, #tpu.memory_space<hbm>>
      %dma_wait3A_120 = tpu.memref_slice %arg4[%add3A_118] : memref<327680xi32, #tpu.memory_space<hbm>> -> memref<128xi32, #tpu.memory_space<hbm>>
      tpu.wait_dma2 semaphore(%arg13 : memref<!tpu.dma_semaphore, #tpu.memory_space<semaphore_mem>>) src(%dma_wait3A_120 : memref<128xi32, #tpu.memory_space<hbm>>) dst(%arg6 : memref<128xi32, #tpu.memory_space<vmem>>)
      %dma_start3A_121 = arith.constant 0 : i32
      %dma_start3A_122 = arith.constant 0 : i32
      %dma_start3A_123 = tpu.memref_slice %arg2[%dma_start3A_121, %dma_start3A_122] : memref<10000x128xf32, #tpu.memory_space<hbm>> -> memref<10000x128xf32, #tpu.memory_space<hbm>>
      tpu.enqueue_indirect_dma source(%dma_start3A_123 : memref<10000x128xf32, #tpu.memory_space<hbm>>) target(%arg10 : memref<128x128xf32, #tpu.memory_space<vmem>>) offsets(%arg6 : memref<128xi32, #tpu.memory_space<vmem>>) semaphore(%arg17 : memref<!tpu.dma_semaphore, #tpu.memory_space<semaphore_mem>>)
      %dma_wait3A_124 = arith.constant 0 : i32
      %dma_wait3A_125 = arith.constant 0 : i32
      %dma_wait3A_126 = tpu.memref_slice %arg2[%dma_wait3A_124, %dma_wait3A_125] : memref<10000x128xf32, #tpu.memory_space<hbm>> -> memref<10000x128xf32, #tpu.memory_space<hbm>>
      tpu.wait_indirect_dma semaphore(%arg18 : memref<!tpu.dma_semaphore, #tpu.memory_space<semaphore_mem>>) src(%dma_wait3A_126 : memref<10000x128xf32, #tpu.memory_space<hbm>>) dst(%arg11 : memref<128x128xf32, #tpu.memory_space<vmem>>)
      %add3A_127 = arith.constant 640 : i32
      %add3A_128 = arith.addi %add3A_29, %add3A_127 : i32
      %dma_start3A_129 = tpu.memref_slice %arg4[%add3A_128] : memref<327680xi32, #tpu.memory_space<hbm>> -> memref<128xi32, #tpu.memory_space<hbm>>
      %dma_start3A_130 = tpu.memref_slice %arg4[%add3A_128] : memref<327680xi32, #tpu.memory_space<hbm>> -> memref<128xi32, #tpu.memory_space<hbm>>
      tpu.enqueue_dma source(%dma_start3A_130 : memref<128xi32, #tpu.memory_space<hbm>>) target(%arg7 : memref<128xi32, #tpu.memory_space<vmem>>) target_semaphore(%arg14 : memref<!tpu.dma_semaphore, #tpu.memory_space<semaphore_mem>>)
      %add3A_131 = arith.constant 384 : i32
      %add3A_132 = arith.addi %add3A_29, %add3A_131 : i32
      %dma_wait3A_133 = tpu.memref_slice %arg3[%add3A_132] : memref<327680xi32, #tpu.memory_space<hbm>> -> memref<128xi32, #tpu.memory_space<hbm>>
      %dma_wait3A_134 = tpu.memref_slice %arg3[%add3A_132] : memref<327680xi32, #tpu.memory_space<hbm>> -> memref<128xi32, #tpu.memory_space<hbm>>
      tpu.wait_dma2 semaphore(%arg16 : memref<!tpu.dma_semaphore, #tpu.memory_space<semaphore_mem>>) src(%dma_wait3A_134 : memref<128xi32, #tpu.memory_space<hbm>>) dst(%arg9 : memref<128xi32, #tpu.memory_space<vmem>>)
      "tpu.region"() ({
        %run_scoped3A = tpu.sem_alloc : memref<!tpu.dma_semaphore, #tpu.memory_space<semaphore_mem>>
        %dma_start3A_380 = arith.constant 0 : i32
        %dma_start3A_381 = arith.constant 0 : i32
        %dma_start3A_382 = tpu.memref_slice %arg12[%dma_start3A_380, %dma_start3A_381] : memref<10240x128xf32, #tpu.memory_space<vmem_shared>> -> memref<10240x128xf32, #tpu.memory_space<vmem_shared>>
        tpu.enqueue_indirect_dma source(%arg11 : memref<128x128xf32, #tpu.memory_space<vmem>>) target(%dma_start3A_382 : memref<10240x128xf32, #tpu.memory_space<vmem_shared>>) offsets(%arg9 : memref<128xi32, #tpu.memory_space<vmem>>) semaphore(%run_scoped3A : memref<!tpu.dma_semaphore, #tpu.memory_space<semaphore_mem>>) {add = true}
        %dma_wait3A_383 = arith.constant 0 : i32
        %dma_wait3A_384 = arith.constant 0 : i32
        %dma_wait3A_385 = tpu.memref_slice %arg12[%dma_wait3A_383, %dma_wait3A_384] : memref<10240x128xf32, #tpu.memory_space<vmem_shared>> -> memref<10240x128xf32, #tpu.memory_space<vmem_shared>>
        tpu.wait_indirect_dma semaphore(%run_scoped3A : memref<!tpu.dma_semaphore, #tpu.memory_space<semaphore_mem>>) src(%arg11 : memref<128x128xf32, #tpu.memory_space<vmem>>) dst(%dma_wait3A_385 : memref<10240x128xf32, #tpu.memory_space<vmem_shared>>)
        tpu.yield
      }) : () -> ()
      %add3A_135 = arith.constant 640 : i32
      %add3A_136 = arith.addi %add3A_29, %add3A_135 : i32
      %dma_start3A_137 = tpu.memref_slice %arg3[%add3A_136] : memref<327680xi32, #tpu.memory_space<hbm>> -> memref<128xi32, #tpu.memory_space<hbm>>
      %dma_start3A_138 = tpu.memref_slice %arg3[%add3A_136] : memref<327680xi32, #tpu.memory_space<hbm>> -> memref<128xi32, #tpu.memory_space<hbm>>
      tpu.enqueue_dma source(%dma_start3A_138 : memref<128xi32, #tpu.memory_space<hbm>>) target(%arg9 : memref<128xi32, #tpu.memory_space<vmem>>) target_semaphore(%arg16 : memref<!tpu.dma_semaphore, #tpu.memory_space<semaphore_mem>>)
      %add3A_139 = arith.constant 640 : i32
      %add3A_140 = arith.addi %add3A_29, %add3A_139 : i32
      %dma_wait3A_141 = tpu.memref_slice %arg4[%add3A_140] : memref<327680xi32, #tpu.memory_space<hbm>> -> memref<128xi32, #tpu.memory_space<hbm>>
      %dma_wait3A_142 = tpu.memref_slice %arg4[%add3A_140] : memref<327680xi32, #tpu.memory_space<hbm>> -> memref<128xi32, #tpu.memory_space<hbm>>
      tpu.wait_dma2 semaphore(%arg14 : memref<!tpu.dma_semaphore, #tpu.memory_space<semaphore_mem>>) src(%dma_wait3A_142 : memref<128xi32, #tpu.memory_space<hbm>>) dst(%arg7 : memref<128xi32, #tpu.memory_space<vmem>>)
      %dma_start3A_143 = arith.constant 0 : i32
      %dma_start3A_144 = arith.constant 0 : i32
      %dma_start3A_145 = tpu.memref_slice %arg2[%dma_start3A_143, %dma_start3A_144] : memref<10000x128xf32, #tpu.memory_space<hbm>> -> memref<10000x128xf32, #tpu.memory_space<hbm>>
      tpu.enqueue_indirect_dma source(%dma_start3A_145 : memref<10000x128xf32, #tpu.memory_space<hbm>>) target(%arg11 : memref<128x128xf32, #tpu.memory_space<vmem>>) offsets(%arg7 : memref<128xi32, #tpu.memory_space<vmem>>) semaphore(%arg18 : memref<!tpu.dma_semaphore, #tpu.memory_space<semaphore_mem>>)
      %dma_wait3A_146 = arith.constant 0 : i32
      %dma_wait3A_147 = arith.constant 0 : i32
      %dma_wait3A_148 = tpu.memref_slice %arg2[%dma_wait3A_146, %dma_wait3A_147] : memref<10000x128xf32, #tpu.memory_space<hbm>> -> memref<10000x128xf32, #tpu.memory_space<hbm>>
      tpu.wait_indirect_dma semaphore(%arg17 : memref<!tpu.dma_semaphore, #tpu.memory_space<semaphore_mem>>) src(%dma_wait3A_148 : memref<10000x128xf32, #tpu.memory_space<hbm>>) dst(%arg10 : memref<128x128xf32, #tpu.memory_space<vmem>>)
      %add3A_149 = arith.constant 768 : i32
      %add3A_150 = arith.addi %add3A_29, %add3A_149 : i32
      %dma_start3A_151 = tpu.memref_slice %arg4[%add3A_150] : memref<327680xi32, #tpu.memory_space<hbm>> -> memref<128xi32, #tpu.memory_space<hbm>>
      %dma_start3A_152 = tpu.memref_slice %arg4[%add3A_150] : memref<327680xi32, #tpu.memory_space<hbm>> -> memref<128xi32, #tpu.memory_space<hbm>>
      tpu.enqueue_dma source(%dma_start3A_152 : memref<128xi32, #tpu.memory_space<hbm>>) target(%arg6 : memref<128xi32, #tpu.memory_space<vmem>>) target_semaphore(%arg13 : memref<!tpu.dma_semaphore, #tpu.memory_space<semaphore_mem>>)
      %add3A_153 = arith.constant 512 : i32
      %add3A_154 = arith.addi %add3A_29, %add3A_153 : i32
      %dma_wait3A_155 = tpu.memref_slice %arg3[%add3A_154] : memref<327680xi32, #tpu.memory_space<hbm>> -> memref<128xi32, #tpu.memory_space<hbm>>
      %dma_wait3A_156 = tpu.memref_slice %arg3[%add3A_154] : memref<327680xi32, #tpu.memory_space<hbm>> -> memref<128xi32, #tpu.memory_space<hbm>>
      tpu.wait_dma2 semaphore(%arg15 : memref<!tpu.dma_semaphore, #tpu.memory_space<semaphore_mem>>) src(%dma_wait3A_156 : memref<128xi32, #tpu.memory_space<hbm>>) dst(%arg8 : memref<128xi32, #tpu.memory_space<vmem>>)
      "tpu.region"() ({
        %run_scoped3A = tpu.sem_alloc : memref<!tpu.dma_semaphore, #tpu.memory_space<semaphore_mem>>
        %dma_start3A_380 = arith.constant 0 : i32
        %dma_start3A_381 = arith.constant 0 : i32
        %dma_start3A_382 = tpu.memref_slice %arg12[%dma_start3A_380, %dma_start3A_381] : memref<10240x128xf32, #tpu.memory_space<vmem_shared>> -> memref<10240x128xf32, #tpu.memory_space<vmem_shared>>
        tpu.enqueue_indirect_dma source(%arg10 : memref<128x128xf32, #tpu.memory_space<vmem>>) target(%dma_start3A_382 : memref<10240x128xf32, #tpu.memory_space<vmem_shared>>) offsets(%arg8 : memref<128xi32, #tpu.memory_space<vmem>>) semaphore(%run_scoped3A : memref<!tpu.dma_semaphore, #tpu.memory_space<semaphore_mem>>) {add = true}
        %dma_wait3A_383 = arith.constant 0 : i32
        %dma_wait3A_384 = arith.constant 0 : i32
        %dma_wait3A_385 = tpu.memref_slice %arg12[%dma_wait3A_383, %dma_wait3A_384] : memref<10240x128xf32, #tpu.memory_space<vmem_shared>> -> memref<10240x128xf32, #tpu.memory_space<vmem_shared>>
        tpu.wait_indirect_dma semaphore(%run_scoped3A : memref<!tpu.dma_semaphore, #tpu.memory_space<semaphore_mem>>) src(%arg10 : memref<128x128xf32, #tpu.memory_space<vmem>>) dst(%dma_wait3A_385 : memref<10240x128xf32, #tpu.memory_space<vmem_shared>>)
        tpu.yield
      }) : () -> ()
      %add3A_157 = arith.constant 768 : i32
      %add3A_158 = arith.addi %add3A_29, %add3A_157 : i32
      %dma_start3A_159 = tpu.memref_slice %arg3[%add3A_158] : memref<327680xi32, #tpu.memory_space<hbm>> -> memref<128xi32, #tpu.memory_space<hbm>>
      %dma_start3A_160 = tpu.memref_slice %arg3[%add3A_158] : memref<327680xi32, #tpu.memory_space<hbm>> -> memref<128xi32, #tpu.memory_space<hbm>>
      tpu.enqueue_dma source(%dma_start3A_160 : memref<128xi32, #tpu.memory_space<hbm>>) target(%arg8 : memref<128xi32, #tpu.memory_space<vmem>>) target_semaphore(%arg15 : memref<!tpu.dma_semaphore, #tpu.memory_space<semaphore_mem>>)
      %add3A_161 = arith.constant 768 : i32
      %add3A_162 = arith.addi %add3A_29, %add3A_161 : i32
      %dma_wait3A_163 = tpu.memref_slice %arg4[%add3A_162] : memref<327680xi32, #tpu.memory_space<hbm>> -> memref<128xi32, #tpu.memory_space<hbm>>
      %dma_wait3A_164 = tpu.memref_slice %arg4[%add3A_162] : memref<327680xi32, #tpu.memory_space<hbm>> -> memref<128xi32, #tpu.memory_space<hbm>>
      tpu.wait_dma2 semaphore(%arg13 : memref<!tpu.dma_semaphore, #tpu.memory_space<semaphore_mem>>) src(%dma_wait3A_164 : memref<128xi32, #tpu.memory_space<hbm>>) dst(%arg6 : memref<128xi32, #tpu.memory_space<vmem>>)
      %dma_start3A_165 = arith.constant 0 : i32
      %dma_start3A_166 = arith.constant 0 : i32
      %dma_start3A_167 = tpu.memref_slice %arg2[%dma_start3A_165, %dma_start3A_166] : memref<10000x128xf32, #tpu.memory_space<hbm>> -> memref<10000x128xf32, #tpu.memory_space<hbm>>
      tpu.enqueue_indirect_dma source(%dma_start3A_167 : memref<10000x128xf32, #tpu.memory_space<hbm>>) target(%arg10 : memref<128x128xf32, #tpu.memory_space<vmem>>) offsets(%arg6 : memref<128xi32, #tpu.memory_space<vmem>>) semaphore(%arg17 : memref<!tpu.dma_semaphore, #tpu.memory_space<semaphore_mem>>)
      %dma_wait3A_168 = arith.constant 0 : i32
      %dma_wait3A_169 = arith.constant 0 : i32
      %dma_wait3A_170 = tpu.memref_slice %arg2[%dma_wait3A_168, %dma_wait3A_169] : memref<10000x128xf32, #tpu.memory_space<hbm>> -> memref<10000x128xf32, #tpu.memory_space<hbm>>
      tpu.wait_indirect_dma semaphore(%arg18 : memref<!tpu.dma_semaphore, #tpu.memory_space<semaphore_mem>>) src(%dma_wait3A_170 : memref<10000x128xf32, #tpu.memory_space<hbm>>) dst(%arg11 : memref<128x128xf32, #tpu.memory_space<vmem>>)
      %add3A_171 = arith.constant 896 : i32
      %add3A_172 = arith.addi %add3A_29, %add3A_171 : i32
      %dma_start3A_173 = tpu.memref_slice %arg4[%add3A_172] : memref<327680xi32, #tpu.memory_space<hbm>> -> memref<128xi32, #tpu.memory_space<hbm>>
      %dma_start3A_174 = tpu.memref_slice %arg4[%add3A_172] : memref<327680xi32, #tpu.memory_space<hbm>> -> memref<128xi32, #tpu.memory_space<hbm>>
      tpu.enqueue_dma source(%dma_start3A_174 : memref<128xi32, #tpu.memory_space<hbm>>) target(%arg7 : memref<128xi32, #tpu.memory_space<vmem>>) target_semaphore(%arg14 : memref<!tpu.dma_semaphore, #tpu.memory_space<semaphore_mem>>)
      %add3A_175 = arith.constant 640 : i32
      %add3A_176 = arith.addi %add3A_29, %add3A_175 : i32
      %dma_wait3A_177 = tpu.memref_slice %arg3[%add3A_176] : memref<327680xi32, #tpu.memory_space<hbm>> -> memref<128xi32, #tpu.memory_space<hbm>>
      %dma_wait3A_178 = tpu.memref_slice %arg3[%add3A_176] : memref<327680xi32, #tpu.memory_space<hbm>> -> memref<128xi32, #tpu.memory_space<hbm>>
      tpu.wait_dma2 semaphore(%arg16 : memref<!tpu.dma_semaphore, #tpu.memory_space<semaphore_mem>>) src(%dma_wait3A_178 : memref<128xi32, #tpu.memory_space<hbm>>) dst(%arg9 : memref<128xi32, #tpu.memory_space<vmem>>)
      "tpu.region"() ({
        %run_scoped3A = tpu.sem_alloc : memref<!tpu.dma_semaphore, #tpu.memory_space<semaphore_mem>>
        %dma_start3A_380 = arith.constant 0 : i32
        %dma_start3A_381 = arith.constant 0 : i32
        %dma_start3A_382 = tpu.memref_slice %arg12[%dma_start3A_380, %dma_start3A_381] : memref<10240x128xf32, #tpu.memory_space<vmem_shared>> -> memref<10240x128xf32, #tpu.memory_space<vmem_shared>>
        tpu.enqueue_indirect_dma source(%arg11 : memref<128x128xf32, #tpu.memory_space<vmem>>) target(%dma_start3A_382 : memref<10240x128xf32, #tpu.memory_space<vmem_shared>>) offsets(%arg9 : memref<128xi32, #tpu.memory_space<vmem>>) semaphore(%run_scoped3A : memref<!tpu.dma_semaphore, #tpu.memory_space<semaphore_mem>>) {add = true}
        %dma_wait3A_383 = arith.constant 0 : i32
        %dma_wait3A_384 = arith.constant 0 : i32
        %dma_wait3A_385 = tpu.memref_slice %arg12[%dma_wait3A_383, %dma_wait3A_384] : memref<10240x128xf32, #tpu.memory_space<vmem_shared>> -> memref<10240x128xf32, #tpu.memory_space<vmem_shared>>
        tpu.wait_indirect_dma semaphore(%run_scoped3A : memref<!tpu.dma_semaphore, #tpu.memory_space<semaphore_mem>>) src(%arg11 : memref<128x128xf32, #tpu.memory_space<vmem>>) dst(%dma_wait3A_385 : memref<10240x128xf32, #tpu.memory_space<vmem_shared>>)
        tpu.yield
      }) : () -> ()
      %add3A_179 = arith.constant 896 : i32
      %add3A_180 = arith.addi %add3A_29, %add3A_179 : i32
      %dma_start3A_181 = tpu.memref_slice %arg3[%add3A_180] : memref<327680xi32, #tpu.memory_space<hbm>> -> memref<128xi32, #tpu.memory_space<hbm>>
      %dma_start3A_182 = tpu.memref_slice %arg3[%add3A_180] : memref<327680xi32, #tpu.memory_space<hbm>> -> memref<128xi32, #tpu.memory_space<hbm>>
      tpu.enqueue_dma source(%dma_start3A_182 : memref<128xi32, #tpu.memory_space<hbm>>) target(%arg9 : memref<128xi32, #tpu.memory_space<vmem>>) target_semaphore(%arg16 : memref<!tpu.dma_semaphore, #tpu.memory_space<semaphore_mem>>)
      %add3A_183 = arith.constant 896 : i32
      %add3A_184 = arith.addi %add3A_29, %add3A_183 : i32
      %dma_wait3A_185 = tpu.memref_slice %arg4[%add3A_184] : memref<327680xi32, #tpu.memory_space<hbm>> -> memref<128xi32, #tpu.memory_space<hbm>>
      %dma_wait3A_186 = tpu.memref_slice %arg4[%add3A_184] : memref<327680xi32, #tpu.memory_space<hbm>> -> memref<128xi32, #tpu.memory_space<hbm>>
      tpu.wait_dma2 semaphore(%arg14 : memref<!tpu.dma_semaphore, #tpu.memory_space<semaphore_mem>>) src(%dma_wait3A_186 : memref<128xi32, #tpu.memory_space<hbm>>) dst(%arg7 : memref<128xi32, #tpu.memory_space<vmem>>)
      %dma_start3A_187 = arith.constant 0 : i32
      %dma_start3A_188 = arith.constant 0 : i32
      %dma_start3A_189 = tpu.memref_slice %arg2[%dma_start3A_187, %dma_start3A_188] : memref<10000x128xf32, #tpu.memory_space<hbm>> -> memref<10000x128xf32, #tpu.memory_space<hbm>>
      tpu.enqueue_indirect_dma source(%dma_start3A_189 : memref<10000x128xf32, #tpu.memory_space<hbm>>) target(%arg11 : memref<128x128xf32, #tpu.memory_space<vmem>>) offsets(%arg7 : memref<128xi32, #tpu.memory_space<vmem>>) semaphore(%arg18 : memref<!tpu.dma_semaphore, #tpu.memory_space<semaphore_mem>>)
      %dma_wait3A_190 = arith.constant 0 : i32
      %dma_wait3A_191 = arith.constant 0 : i32
      %dma_wait3A_192 = tpu.memref_slice %arg2[%dma_wait3A_190, %dma_wait3A_191] : memref<10000x128xf32, #tpu.memory_space<hbm>> -> memref<10000x128xf32, #tpu.memory_space<hbm>>
      tpu.wait_indirect_dma semaphore(%arg17 : memref<!tpu.dma_semaphore, #tpu.memory_space<semaphore_mem>>) src(%dma_wait3A_192 : memref<10000x128xf32, #tpu.memory_space<hbm>>) dst(%arg10 : memref<128x128xf32, #tpu.memory_space<vmem>>)
      %add3A_193 = arith.constant 1024 : i32
      %add3A_194 = arith.addi %add3A_29, %add3A_193 : i32
      %dma_start3A_195 = tpu.memref_slice %arg4[%add3A_194] : memref<327680xi32, #tpu.memory_space<hbm>> -> memref<128xi32, #tpu.memory_space<hbm>>
      %dma_start3A_196 = tpu.memref_slice %arg4[%add3A_194] : memref<327680xi32, #tpu.memory_space<hbm>> -> memref<128xi32, #tpu.memory_space<hbm>>
      tpu.enqueue_dma source(%dma_start3A_196 : memref<128xi32, #tpu.memory_space<hbm>>) target(%arg6 : memref<128xi32, #tpu.memory_space<vmem>>) target_semaphore(%arg13 : memref<!tpu.dma_semaphore, #tpu.memory_space<semaphore_mem>>)
      %add3A_197 = arith.constant 768 : i32
      %add3A_198 = arith.addi %add3A_29, %add3A_197 : i32
      %dma_wait3A_199 = tpu.memref_slice %arg3[%add3A_198] : memref<327680xi32, #tpu.memory_space<hbm>> -> memref<128xi32, #tpu.memory_space<hbm>>
      %dma_wait3A_200 = tpu.memref_slice %arg3[%add3A_198] : memref<327680xi32, #tpu.memory_space<hbm>> -> memref<128xi32, #tpu.memory_space<hbm>>
      tpu.wait_dma2 semaphore(%arg15 : memref<!tpu.dma_semaphore, #tpu.memory_space<semaphore_mem>>) src(%dma_wait3A_200 : memref<128xi32, #tpu.memory_space<hbm>>) dst(%arg8 : memref<128xi32, #tpu.memory_space<vmem>>)
      "tpu.region"() ({
        %run_scoped3A = tpu.sem_alloc : memref<!tpu.dma_semaphore, #tpu.memory_space<semaphore_mem>>
        %dma_start3A_380 = arith.constant 0 : i32
        %dma_start3A_381 = arith.constant 0 : i32
        %dma_start3A_382 = tpu.memref_slice %arg12[%dma_start3A_380, %dma_start3A_381] : memref<10240x128xf32, #tpu.memory_space<vmem_shared>> -> memref<10240x128xf32, #tpu.memory_space<vmem_shared>>
        tpu.enqueue_indirect_dma source(%arg10 : memref<128x128xf32, #tpu.memory_space<vmem>>) target(%dma_start3A_382 : memref<10240x128xf32, #tpu.memory_space<vmem_shared>>) offsets(%arg8 : memref<128xi32, #tpu.memory_space<vmem>>) semaphore(%run_scoped3A : memref<!tpu.dma_semaphore, #tpu.memory_space<semaphore_mem>>) {add = true}
        %dma_wait3A_383 = arith.constant 0 : i32
        %dma_wait3A_384 = arith.constant 0 : i32
        %dma_wait3A_385 = tpu.memref_slice %arg12[%dma_wait3A_383, %dma_wait3A_384] : memref<10240x128xf32, #tpu.memory_space<vmem_shared>> -> memref<10240x128xf32, #tpu.memory_space<vmem_shared>>
        tpu.wait_indirect_dma semaphore(%run_scoped3A : memref<!tpu.dma_semaphore, #tpu.memory_space<semaphore_mem>>) src(%arg10 : memref<128x128xf32, #tpu.memory_space<vmem>>) dst(%dma_wait3A_385 : memref<10240x128xf32, #tpu.memory_space<vmem_shared>>)
        tpu.yield
      }) : () -> ()
      %add3A_201 = arith.constant 1024 : i32
      %add3A_202 = arith.addi %add3A_29, %add3A_201 : i32
      %dma_start3A_203 = tpu.memref_slice %arg3[%add3A_202] : memref<327680xi32, #tpu.memory_space<hbm>> -> memref<128xi32, #tpu.memory_space<hbm>>
      %dma_start3A_204 = tpu.memref_slice %arg3[%add3A_202] : memref<327680xi32, #tpu.memory_space<hbm>> -> memref<128xi32, #tpu.memory_space<hbm>>
      tpu.enqueue_dma source(%dma_start3A_204 : memref<128xi32, #tpu.memory_space<hbm>>) target(%arg8 : memref<128xi32, #tpu.memory_space<vmem>>) target_semaphore(%arg15 : memref<!tpu.dma_semaphore, #tpu.memory_space<semaphore_mem>>)
      %add3A_205 = arith.constant 1024 : i32
      %add3A_206 = arith.addi %add3A_29, %add3A_205 : i32
      %dma_wait3A_207 = tpu.memref_slice %arg4[%add3A_206] : memref<327680xi32, #tpu.memory_space<hbm>> -> memref<128xi32, #tpu.memory_space<hbm>>
      %dma_wait3A_208 = tpu.memref_slice %arg4[%add3A_206] : memref<327680xi32, #tpu.memory_space<hbm>> -> memref<128xi32, #tpu.memory_space<hbm>>
      tpu.wait_dma2 semaphore(%arg13 : memref<!tpu.dma_semaphore, #tpu.memory_space<semaphore_mem>>) src(%dma_wait3A_208 : memref<128xi32, #tpu.memory_space<hbm>>) dst(%arg6 : memref<128xi32, #tpu.memory_space<vmem>>)
      %dma_start3A_209 = arith.constant 0 : i32
      %dma_start3A_210 = arith.constant 0 : i32
      %dma_start3A_211 = tpu.memref_slice %arg2[%dma_start3A_209, %dma_start3A_210] : memref<10000x128xf32, #tpu.memory_space<hbm>> -> memref<10000x128xf32, #tpu.memory_space<hbm>>
      tpu.enqueue_indirect_dma source(%dma_start3A_211 : memref<10000x128xf32, #tpu.memory_space<hbm>>) target(%arg10 : memref<128x128xf32, #tpu.memory_space<vmem>>) offsets(%arg6 : memref<128xi32, #tpu.memory_space<vmem>>) semaphore(%arg17 : memref<!tpu.dma_semaphore, #tpu.memory_space<semaphore_mem>>)
      %dma_wait3A_212 = arith.constant 0 : i32
      %dma_wait3A_213 = arith.constant 0 : i32
      %dma_wait3A_214 = tpu.memref_slice %arg2[%dma_wait3A_212, %dma_wait3A_213] : memref<10000x128xf32, #tpu.memory_space<hbm>> -> memref<10000x128xf32, #tpu.memory_space<hbm>>
      tpu.wait_indirect_dma semaphore(%arg18 : memref<!tpu.dma_semaphore, #tpu.memory_space<semaphore_mem>>) src(%dma_wait3A_214 : memref<10000x128xf32, #tpu.memory_space<hbm>>) dst(%arg11 : memref<128x128xf32, #tpu.memory_space<vmem>>)
      %add3A_215 = arith.constant 1152 : i32
      %add3A_216 = arith.addi %add3A_29, %add3A_215 : i32
      %dma_start3A_217 = tpu.memref_slice %arg4[%add3A_216] : memref<327680xi32, #tpu.memory_space<hbm>> -> memref<128xi32, #tpu.memory_space<hbm>>
      %dma_start3A_218 = tpu.memref_slice %arg4[%add3A_216] : memref<327680xi32, #tpu.memory_space<hbm>> -> memref<128xi32, #tpu.memory_space<hbm>>
      tpu.enqueue_dma source(%dma_start3A_218 : memref<128xi32, #tpu.memory_space<hbm>>) target(%arg7 : memref<128xi32, #tpu.memory_space<vmem>>) target_semaphore(%arg14 : memref<!tpu.dma_semaphore, #tpu.memory_space<semaphore_mem>>)
      %add3A_219 = arith.constant 896 : i32
      %add3A_220 = arith.addi %add3A_29, %add3A_219 : i32
      %dma_wait3A_221 = tpu.memref_slice %arg3[%add3A_220] : memref<327680xi32, #tpu.memory_space<hbm>> -> memref<128xi32, #tpu.memory_space<hbm>>
      %dma_wait3A_222 = tpu.memref_slice %arg3[%add3A_220] : memref<327680xi32, #tpu.memory_space<hbm>> -> memref<128xi32, #tpu.memory_space<hbm>>
      tpu.wait_dma2 semaphore(%arg16 : memref<!tpu.dma_semaphore, #tpu.memory_space<semaphore_mem>>) src(%dma_wait3A_222 : memref<128xi32, #tpu.memory_space<hbm>>) dst(%arg9 : memref<128xi32, #tpu.memory_space<vmem>>)
      "tpu.region"() ({
        %run_scoped3A = tpu.sem_alloc : memref<!tpu.dma_semaphore, #tpu.memory_space<semaphore_mem>>
        %dma_start3A_380 = arith.constant 0 : i32
        %dma_start3A_381 = arith.constant 0 : i32
        %dma_start3A_382 = tpu.memref_slice %arg12[%dma_start3A_380, %dma_start3A_381] : memref<10240x128xf32, #tpu.memory_space<vmem_shared>> -> memref<10240x128xf32, #tpu.memory_space<vmem_shared>>
        tpu.enqueue_indirect_dma source(%arg11 : memref<128x128xf32, #tpu.memory_space<vmem>>) target(%dma_start3A_382 : memref<10240x128xf32, #tpu.memory_space<vmem_shared>>) offsets(%arg9 : memref<128xi32, #tpu.memory_space<vmem>>) semaphore(%run_scoped3A : memref<!tpu.dma_semaphore, #tpu.memory_space<semaphore_mem>>) {add = true}
        %dma_wait3A_383 = arith.constant 0 : i32
        %dma_wait3A_384 = arith.constant 0 : i32
        %dma_wait3A_385 = tpu.memref_slice %arg12[%dma_wait3A_383, %dma_wait3A_384] : memref<10240x128xf32, #tpu.memory_space<vmem_shared>> -> memref<10240x128xf32, #tpu.memory_space<vmem_shared>>
        tpu.wait_indirect_dma semaphore(%run_scoped3A : memref<!tpu.dma_semaphore, #tpu.memory_space<semaphore_mem>>) src(%arg11 : memref<128x128xf32, #tpu.memory_space<vmem>>) dst(%dma_wait3A_385 : memref<10240x128xf32, #tpu.memory_space<vmem_shared>>)
        tpu.yield
      }) : () -> ()
      %add3A_223 = arith.constant 1152 : i32
      %add3A_224 = arith.addi %add3A_29, %add3A_223 : i32
      %dma_start3A_225 = tpu.memref_slice %arg3[%add3A_224] : memref<327680xi32, #tpu.memory_space<hbm>> -> memref<128xi32, #tpu.memory_space<hbm>>
      %dma_start3A_226 = tpu.memref_slice %arg3[%add3A_224] : memref<327680xi32, #tpu.memory_space<hbm>> -> memref<128xi32, #tpu.memory_space<hbm>>
      tpu.enqueue_dma source(%dma_start3A_226 : memref<128xi32, #tpu.memory_space<hbm>>) target(%arg9 : memref<128xi32, #tpu.memory_space<vmem>>) target_semaphore(%arg16 : memref<!tpu.dma_semaphore, #tpu.memory_space<semaphore_mem>>)
      %add3A_227 = arith.constant 1152 : i32
      %add3A_228 = arith.addi %add3A_29, %add3A_227 : i32
      %dma_wait3A_229 = tpu.memref_slice %arg4[%add3A_228] : memref<327680xi32, #tpu.memory_space<hbm>> -> memref<128xi32, #tpu.memory_space<hbm>>
      %dma_wait3A_230 = tpu.memref_slice %arg4[%add3A_228] : memref<327680xi32, #tpu.memory_space<hbm>> -> memref<128xi32, #tpu.memory_space<hbm>>
      tpu.wait_dma2 semaphore(%arg14 : memref<!tpu.dma_semaphore, #tpu.memory_space<semaphore_mem>>) src(%dma_wait3A_230 : memref<128xi32, #tpu.memory_space<hbm>>) dst(%arg7 : memref<128xi32, #tpu.memory_space<vmem>>)
      %dma_start3A_231 = arith.constant 0 : i32
      %dma_start3A_232 = arith.constant 0 : i32
      %dma_start3A_233 = tpu.memref_slice %arg2[%dma_start3A_231, %dma_start3A_232] : memref<10000x128xf32, #tpu.memory_space<hbm>> -> memref<10000x128xf32, #tpu.memory_space<hbm>>
      tpu.enqueue_indirect_dma source(%dma_start3A_233 : memref<10000x128xf32, #tpu.memory_space<hbm>>) target(%arg11 : memref<128x128xf32, #tpu.memory_space<vmem>>) offsets(%arg7 : memref<128xi32, #tpu.memory_space<vmem>>) semaphore(%arg18 : memref<!tpu.dma_semaphore, #tpu.memory_space<semaphore_mem>>)
      %dma_wait3A_234 = arith.constant 0 : i32
      %dma_wait3A_235 = arith.constant 0 : i32
      %dma_wait3A_236 = tpu.memref_slice %arg2[%dma_wait3A_234, %dma_wait3A_235] : memref<10000x128xf32, #tpu.memory_space<hbm>> -> memref<10000x128xf32, #tpu.memory_space<hbm>>
      tpu.wait_indirect_dma semaphore(%arg17 : memref<!tpu.dma_semaphore, #tpu.memory_space<semaphore_mem>>) src(%dma_wait3A_236 : memref<10000x128xf32, #tpu.memory_space<hbm>>) dst(%arg10 : memref<128x128xf32, #tpu.memory_space<vmem>>)
      %add3A_237 = arith.constant 1280 : i32
      %add3A_238 = arith.addi %add3A_29, %add3A_237 : i32
      %dma_start3A_239 = tpu.memref_slice %arg4[%add3A_238] : memref<327680xi32, #tpu.memory_space<hbm>> -> memref<128xi32, #tpu.memory_space<hbm>>
      %dma_start3A_240 = tpu.memref_slice %arg4[%add3A_238] : memref<327680xi32, #tpu.memory_space<hbm>> -> memref<128xi32, #tpu.memory_space<hbm>>
      tpu.enqueue_dma source(%dma_start3A_240 : memref<128xi32, #tpu.memory_space<hbm>>) target(%arg6 : memref<128xi32, #tpu.memory_space<vmem>>) target_semaphore(%arg13 : memref<!tpu.dma_semaphore, #tpu.memory_space<semaphore_mem>>)
      %add3A_241 = arith.constant 1024 : i32
      %add3A_242 = arith.addi %add3A_29, %add3A_241 : i32
      %dma_wait3A_243 = tpu.memref_slice %arg3[%add3A_242] : memref<327680xi32, #tpu.memory_space<hbm>> -> memref<128xi32, #tpu.memory_space<hbm>>
      %dma_wait3A_244 = tpu.memref_slice %arg3[%add3A_242] : memref<327680xi32, #tpu.memory_space<hbm>> -> memref<128xi32, #tpu.memory_space<hbm>>
      tpu.wait_dma2 semaphore(%arg15 : memref<!tpu.dma_semaphore, #tpu.memory_space<semaphore_mem>>) src(%dma_wait3A_244 : memref<128xi32, #tpu.memory_space<hbm>>) dst(%arg8 : memref<128xi32, #tpu.memory_space<vmem>>)
      "tpu.region"() ({
        %run_scoped3A = tpu.sem_alloc : memref<!tpu.dma_semaphore, #tpu.memory_space<semaphore_mem>>
        %dma_start3A_380 = arith.constant 0 : i32
        %dma_start3A_381 = arith.constant 0 : i32
        %dma_start3A_382 = tpu.memref_slice %arg12[%dma_start3A_380, %dma_start3A_381] : memref<10240x128xf32, #tpu.memory_space<vmem_shared>> -> memref<10240x128xf32, #tpu.memory_space<vmem_shared>>
        tpu.enqueue_indirect_dma source(%arg10 : memref<128x128xf32, #tpu.memory_space<vmem>>) target(%dma_start3A_382 : memref<10240x128xf32, #tpu.memory_space<vmem_shared>>) offsets(%arg8 : memref<128xi32, #tpu.memory_space<vmem>>) semaphore(%run_scoped3A : memref<!tpu.dma_semaphore, #tpu.memory_space<semaphore_mem>>) {add = true}
        %dma_wait3A_383 = arith.constant 0 : i32
        %dma_wait3A_384 = arith.constant 0 : i32
        %dma_wait3A_385 = tpu.memref_slice %arg12[%dma_wait3A_383, %dma_wait3A_384] : memref<10240x128xf32, #tpu.memory_space<vmem_shared>> -> memref<10240x128xf32, #tpu.memory_space<vmem_shared>>
        tpu.wait_indirect_dma semaphore(%run_scoped3A : memref<!tpu.dma_semaphore, #tpu.memory_space<semaphore_mem>>) src(%arg10 : memref<128x128xf32, #tpu.memory_space<vmem>>) dst(%dma_wait3A_385 : memref<10240x128xf32, #tpu.memory_space<vmem_shared>>)
        tpu.yield
      }) : () -> ()
      %add3A_245 = arith.constant 1280 : i32
      %add3A_246 = arith.addi %add3A_29, %add3A_245 : i32
      %dma_start3A_247 = tpu.memref_slice %arg3[%add3A_246] : memref<327680xi32, #tpu.memory_space<hbm>> -> memref<128xi32, #tpu.memory_space<hbm>>
      %dma_start3A_248 = tpu.memref_slice %arg3[%add3A_246] : memref<327680xi32, #tpu.memory_space<hbm>> -> memref<128xi32, #tpu.memory_space<hbm>>
      tpu.enqueue_dma source(%dma_start3A_248 : memref<128xi32, #tpu.memory_space<hbm>>) target(%arg8 : memref<128xi32, #tpu.memory_space<vmem>>) target_semaphore(%arg15 : memref<!tpu.dma_semaphore, #tpu.memory_space<semaphore_mem>>)
      %add3A_249 = arith.constant 1280 : i32
      %add3A_250 = arith.addi %add3A_29, %add3A_249 : i32
      %dma_wait3A_251 = tpu.memref_slice %arg4[%add3A_250] : memref<327680xi32, #tpu.memory_space<hbm>> -> memref<128xi32, #tpu.memory_space<hbm>>
      %dma_wait3A_252 = tpu.memref_slice %arg4[%add3A_250] : memref<327680xi32, #tpu.memory_space<hbm>> -> memref<128xi32, #tpu.memory_space<hbm>>
      tpu.wait_dma2 semaphore(%arg13 : memref<!tpu.dma_semaphore, #tpu.memory_space<semaphore_mem>>) src(%dma_wait3A_252 : memref<128xi32, #tpu.memory_space<hbm>>) dst(%arg6 : memref<128xi32, #tpu.memory_space<vmem>>)
      %dma_start3A_253 = arith.constant 0 : i32
      %dma_start3A_254 = arith.constant 0 : i32
      %dma_start3A_255 = tpu.memref_slice %arg2[%dma_start3A_253, %dma_start3A_254] : memref<10000x128xf32, #tpu.memory_space<hbm>> -> memref<10000x128xf32, #tpu.memory_space<hbm>>
      tpu.enqueue_indirect_dma source(%dma_start3A_255 : memref<10000x128xf32, #tpu.memory_space<hbm>>) target(%arg10 : memref<128x128xf32, #tpu.memory_space<vmem>>) offsets(%arg6 : memref<128xi32, #tpu.memory_space<vmem>>) semaphore(%arg17 : memref<!tpu.dma_semaphore, #tpu.memory_space<semaphore_mem>>)
      %dma_wait3A_256 = arith.constant 0 : i32
      %dma_wait3A_257 = arith.constant 0 : i32
      %dma_wait3A_258 = tpu.memref_slice %arg2[%dma_wait3A_256, %dma_wait3A_257] : memref<10000x128xf32, #tpu.memory_space<hbm>> -> memref<10000x128xf32, #tpu.memory_space<hbm>>
      tpu.wait_indirect_dma semaphore(%arg18 : memref<!tpu.dma_semaphore, #tpu.memory_space<semaphore_mem>>) src(%dma_wait3A_258 : memref<10000x128xf32, #tpu.memory_space<hbm>>) dst(%arg11 : memref<128x128xf32, #tpu.memory_space<vmem>>)
      %add3A_259 = arith.constant 1408 : i32
      %add3A_260 = arith.addi %add3A_29, %add3A_259 : i32
      %dma_start3A_261 = tpu.memref_slice %arg4[%add3A_260] : memref<327680xi32, #tpu.memory_space<hbm>> -> memref<128xi32, #tpu.memory_space<hbm>>
      %dma_start3A_262 = tpu.memref_slice %arg4[%add3A_260] : memref<327680xi32, #tpu.memory_space<hbm>> -> memref<128xi32, #tpu.memory_space<hbm>>
      tpu.enqueue_dma source(%dma_start3A_262 : memref<128xi32, #tpu.memory_space<hbm>>) target(%arg7 : memref<128xi32, #tpu.memory_space<vmem>>) target_semaphore(%arg14 : memref<!tpu.dma_semaphore, #tpu.memory_space<semaphore_mem>>)
      %add3A_263 = arith.constant 1152 : i32
      %add3A_264 = arith.addi %add3A_29, %add3A_263 : i32
      %dma_wait3A_265 = tpu.memref_slice %arg3[%add3A_264] : memref<327680xi32, #tpu.memory_space<hbm>> -> memref<128xi32, #tpu.memory_space<hbm>>
      %dma_wait3A_266 = tpu.memref_slice %arg3[%add3A_264] : memref<327680xi32, #tpu.memory_space<hbm>> -> memref<128xi32, #tpu.memory_space<hbm>>
      tpu.wait_dma2 semaphore(%arg16 : memref<!tpu.dma_semaphore, #tpu.memory_space<semaphore_mem>>) src(%dma_wait3A_266 : memref<128xi32, #tpu.memory_space<hbm>>) dst(%arg9 : memref<128xi32, #tpu.memory_space<vmem>>)
      "tpu.region"() ({
        %run_scoped3A = tpu.sem_alloc : memref<!tpu.dma_semaphore, #tpu.memory_space<semaphore_mem>>
        %dma_start3A_380 = arith.constant 0 : i32
        %dma_start3A_381 = arith.constant 0 : i32
        %dma_start3A_382 = tpu.memref_slice %arg12[%dma_start3A_380, %dma_start3A_381] : memref<10240x128xf32, #tpu.memory_space<vmem_shared>> -> memref<10240x128xf32, #tpu.memory_space<vmem_shared>>
        tpu.enqueue_indirect_dma source(%arg11 : memref<128x128xf32, #tpu.memory_space<vmem>>) target(%dma_start3A_382 : memref<10240x128xf32, #tpu.memory_space<vmem_shared>>) offsets(%arg9 : memref<128xi32, #tpu.memory_space<vmem>>) semaphore(%run_scoped3A : memref<!tpu.dma_semaphore, #tpu.memory_space<semaphore_mem>>) {add = true}
        %dma_wait3A_383 = arith.constant 0 : i32
        %dma_wait3A_384 = arith.constant 0 : i32
        %dma_wait3A_385 = tpu.memref_slice %arg12[%dma_wait3A_383, %dma_wait3A_384] : memref<10240x128xf32, #tpu.memory_space<vmem_shared>> -> memref<10240x128xf32, #tpu.memory_space<vmem_shared>>
        tpu.wait_indirect_dma semaphore(%run_scoped3A : memref<!tpu.dma_semaphore, #tpu.memory_space<semaphore_mem>>) src(%arg11 : memref<128x128xf32, #tpu.memory_space<vmem>>) dst(%dma_wait3A_385 : memref<10240x128xf32, #tpu.memory_space<vmem_shared>>)
        tpu.yield
      }) : () -> ()
      %add3A_267 = arith.constant 1408 : i32
      %add3A_268 = arith.addi %add3A_29, %add3A_267 : i32
      %dma_start3A_269 = tpu.memref_slice %arg3[%add3A_268] : memref<327680xi32, #tpu.memory_space<hbm>> -> memref<128xi32, #tpu.memory_space<hbm>>
      %dma_start3A_270 = tpu.memref_slice %arg3[%add3A_268] : memref<327680xi32, #tpu.memory_space<hbm>> -> memref<128xi32, #tpu.memory_space<hbm>>
      tpu.enqueue_dma source(%dma_start3A_270 : memref<128xi32, #tpu.memory_space<hbm>>) target(%arg9 : memref<128xi32, #tpu.memory_space<vmem>>) target_semaphore(%arg16 : memref<!tpu.dma_semaphore, #tpu.memory_space<semaphore_mem>>)
      %add3A_271 = arith.constant 1408 : i32
      %add3A_272 = arith.addi %add3A_29, %add3A_271 : i32
      %dma_wait3A_273 = tpu.memref_slice %arg4[%add3A_272] : memref<327680xi32, #tpu.memory_space<hbm>> -> memref<128xi32, #tpu.memory_space<hbm>>
      %dma_wait3A_274 = tpu.memref_slice %arg4[%add3A_272] : memref<327680xi32, #tpu.memory_space<hbm>> -> memref<128xi32, #tpu.memory_space<hbm>>
      tpu.wait_dma2 semaphore(%arg14 : memref<!tpu.dma_semaphore, #tpu.memory_space<semaphore_mem>>) src(%dma_wait3A_274 : memref<128xi32, #tpu.memory_space<hbm>>) dst(%arg7 : memref<128xi32, #tpu.memory_space<vmem>>)
      %dma_start3A_275 = arith.constant 0 : i32
      %dma_start3A_276 = arith.constant 0 : i32
      %dma_start3A_277 = tpu.memref_slice %arg2[%dma_start3A_275, %dma_start3A_276] : memref<10000x128xf32, #tpu.memory_space<hbm>> -> memref<10000x128xf32, #tpu.memory_space<hbm>>
      tpu.enqueue_indirect_dma source(%dma_start3A_277 : memref<10000x128xf32, #tpu.memory_space<hbm>>) target(%arg11 : memref<128x128xf32, #tpu.memory_space<vmem>>) offsets(%arg7 : memref<128xi32, #tpu.memory_space<vmem>>) semaphore(%arg18 : memref<!tpu.dma_semaphore, #tpu.memory_space<semaphore_mem>>)
      %dma_wait3A_278 = arith.constant 0 : i32
      %dma_wait3A_279 = arith.constant 0 : i32
      %dma_wait3A_280 = tpu.memref_slice %arg2[%dma_wait3A_278, %dma_wait3A_279] : memref<10000x128xf32, #tpu.memory_space<hbm>> -> memref<10000x128xf32, #tpu.memory_space<hbm>>
      tpu.wait_indirect_dma semaphore(%arg17 : memref<!tpu.dma_semaphore, #tpu.memory_space<semaphore_mem>>) src(%dma_wait3A_280 : memref<10000x128xf32, #tpu.memory_space<hbm>>) dst(%arg10 : memref<128x128xf32, #tpu.memory_space<vmem>>)
      %add3A_281 = arith.constant 1536 : i32
      %add3A_282 = arith.addi %add3A_29, %add3A_281 : i32
      %dma_start3A_283 = tpu.memref_slice %arg4[%add3A_282] : memref<327680xi32, #tpu.memory_space<hbm>> -> memref<128xi32, #tpu.memory_space<hbm>>
      %dma_start3A_284 = tpu.memref_slice %arg4[%add3A_282] : memref<327680xi32, #tpu.memory_space<hbm>> -> memref<128xi32, #tpu.memory_space<hbm>>
      tpu.enqueue_dma source(%dma_start3A_284 : memref<128xi32, #tpu.memory_space<hbm>>) target(%arg6 : memref<128xi32, #tpu.memory_space<vmem>>) target_semaphore(%arg13 : memref<!tpu.dma_semaphore, #tpu.memory_space<semaphore_mem>>)
      %add3A_285 = arith.constant 1280 : i32
      %add3A_286 = arith.addi %add3A_29, %add3A_285 : i32
      %dma_wait3A_287 = tpu.memref_slice %arg3[%add3A_286] : memref<327680xi32, #tpu.memory_space<hbm>> -> memref<128xi32, #tpu.memory_space<hbm>>
      %dma_wait3A_288 = tpu.memref_slice %arg3[%add3A_286] : memref<327680xi32, #tpu.memory_space<hbm>> -> memref<128xi32, #tpu.memory_space<hbm>>
      tpu.wait_dma2 semaphore(%arg15 : memref<!tpu.dma_semaphore, #tpu.memory_space<semaphore_mem>>) src(%dma_wait3A_288 : memref<128xi32, #tpu.memory_space<hbm>>) dst(%arg8 : memref<128xi32, #tpu.memory_space<vmem>>)
      "tpu.region"() ({
        %run_scoped3A = tpu.sem_alloc : memref<!tpu.dma_semaphore, #tpu.memory_space<semaphore_mem>>
        %dma_start3A_380 = arith.constant 0 : i32
        %dma_start3A_381 = arith.constant 0 : i32
        %dma_start3A_382 = tpu.memref_slice %arg12[%dma_start3A_380, %dma_start3A_381] : memref<10240x128xf32, #tpu.memory_space<vmem_shared>> -> memref<10240x128xf32, #tpu.memory_space<vmem_shared>>
        tpu.enqueue_indirect_dma source(%arg10 : memref<128x128xf32, #tpu.memory_space<vmem>>) target(%dma_start3A_382 : memref<10240x128xf32, #tpu.memory_space<vmem_shared>>) offsets(%arg8 : memref<128xi32, #tpu.memory_space<vmem>>) semaphore(%run_scoped3A : memref<!tpu.dma_semaphore, #tpu.memory_space<semaphore_mem>>) {add = true}
        %dma_wait3A_383 = arith.constant 0 : i32
        %dma_wait3A_384 = arith.constant 0 : i32
        %dma_wait3A_385 = tpu.memref_slice %arg12[%dma_wait3A_383, %dma_wait3A_384] : memref<10240x128xf32, #tpu.memory_space<vmem_shared>> -> memref<10240x128xf32, #tpu.memory_space<vmem_shared>>
        tpu.wait_indirect_dma semaphore(%run_scoped3A : memref<!tpu.dma_semaphore, #tpu.memory_space<semaphore_mem>>) src(%arg10 : memref<128x128xf32, #tpu.memory_space<vmem>>) dst(%dma_wait3A_385 : memref<10240x128xf32, #tpu.memory_space<vmem_shared>>)
        tpu.yield
      }) : () -> ()
      %add3A_289 = arith.constant 1536 : i32
      %add3A_290 = arith.addi %add3A_29, %add3A_289 : i32
      %dma_start3A_291 = tpu.memref_slice %arg3[%add3A_290] : memref<327680xi32, #tpu.memory_space<hbm>> -> memref<128xi32, #tpu.memory_space<hbm>>
      %dma_start3A_292 = tpu.memref_slice %arg3[%add3A_290] : memref<327680xi32, #tpu.memory_space<hbm>> -> memref<128xi32, #tpu.memory_space<hbm>>
      tpu.enqueue_dma source(%dma_start3A_292 : memref<128xi32, #tpu.memory_space<hbm>>) target(%arg8 : memref<128xi32, #tpu.memory_space<vmem>>) target_semaphore(%arg15 : memref<!tpu.dma_semaphore, #tpu.memory_space<semaphore_mem>>)
      %add3A_293 = arith.constant 1536 : i32
      %add3A_294 = arith.addi %add3A_29, %add3A_293 : i32
      %dma_wait3A_295 = tpu.memref_slice %arg4[%add3A_294] : memref<327680xi32, #tpu.memory_space<hbm>> -> memref<128xi32, #tpu.memory_space<hbm>>
      %dma_wait3A_296 = tpu.memref_slice %arg4[%add3A_294] : memref<327680xi32, #tpu.memory_space<hbm>> -> memref<128xi32, #tpu.memory_space<hbm>>
      tpu.wait_dma2 semaphore(%arg13 : memref<!tpu.dma_semaphore, #tpu.memory_space<semaphore_mem>>) src(%dma_wait3A_296 : memref<128xi32, #tpu.memory_space<hbm>>) dst(%arg6 : memref<128xi32, #tpu.memory_space<vmem>>)
      %dma_start3A_297 = arith.constant 0 : i32
      %dma_start3A_298 = arith.constant 0 : i32
      %dma_start3A_299 = tpu.memref_slice %arg2[%dma_start3A_297, %dma_start3A_298] : memref<10000x128xf32, #tpu.memory_space<hbm>> -> memref<10000x128xf32, #tpu.memory_space<hbm>>
      tpu.enqueue_indirect_dma source(%dma_start3A_299 : memref<10000x128xf32, #tpu.memory_space<hbm>>) target(%arg10 : memref<128x128xf32, #tpu.memory_space<vmem>>) offsets(%arg6 : memref<128xi32, #tpu.memory_space<vmem>>) semaphore(%arg17 : memref<!tpu.dma_semaphore, #tpu.memory_space<semaphore_mem>>)
      %dma_wait3A_300 = arith.constant 0 : i32
      %dma_wait3A_301 = arith.constant 0 : i32
      %dma_wait3A_302 = tpu.memref_slice %arg2[%dma_wait3A_300, %dma_wait3A_301] : memref<10000x128xf32, #tpu.memory_space<hbm>> -> memref<10000x128xf32, #tpu.memory_space<hbm>>
      tpu.wait_indirect_dma semaphore(%arg18 : memref<!tpu.dma_semaphore, #tpu.memory_space<semaphore_mem>>) src(%dma_wait3A_302 : memref<10000x128xf32, #tpu.memory_space<hbm>>) dst(%arg11 : memref<128x128xf32, #tpu.memory_space<vmem>>)
      %add3A_303 = arith.constant 1664 : i32
      %add3A_304 = arith.addi %add3A_29, %add3A_303 : i32
      %dma_start3A_305 = tpu.memref_slice %arg4[%add3A_304] : memref<327680xi32, #tpu.memory_space<hbm>> -> memref<128xi32, #tpu.memory_space<hbm>>
      %dma_start3A_306 = tpu.memref_slice %arg4[%add3A_304] : memref<327680xi32, #tpu.memory_space<hbm>> -> memref<128xi32, #tpu.memory_space<hbm>>
      tpu.enqueue_dma source(%dma_start3A_306 : memref<128xi32, #tpu.memory_space<hbm>>) target(%arg7 : memref<128xi32, #tpu.memory_space<vmem>>) target_semaphore(%arg14 : memref<!tpu.dma_semaphore, #tpu.memory_space<semaphore_mem>>)
      %add3A_307 = arith.constant 1408 : i32
      %add3A_308 = arith.addi %add3A_29, %add3A_307 : i32
      %dma_wait3A_309 = tpu.memref_slice %arg3[%add3A_308] : memref<327680xi32, #tpu.memory_space<hbm>> -> memref<128xi32, #tpu.memory_space<hbm>>
      %dma_wait3A_310 = tpu.memref_slice %arg3[%add3A_308] : memref<327680xi32, #tpu.memory_space<hbm>> -> memref<128xi32, #tpu.memory_space<hbm>>
      tpu.wait_dma2 semaphore(%arg16 : memref<!tpu.dma_semaphore, #tpu.memory_space<semaphore_mem>>) src(%dma_wait3A_310 : memref<128xi32, #tpu.memory_space<hbm>>) dst(%arg9 : memref<128xi32, #tpu.memory_space<vmem>>)
      "tpu.region"() ({
        %run_scoped3A = tpu.sem_alloc : memref<!tpu.dma_semaphore, #tpu.memory_space<semaphore_mem>>
        %dma_start3A_380 = arith.constant 0 : i32
        %dma_start3A_381 = arith.constant 0 : i32
        %dma_start3A_382 = tpu.memref_slice %arg12[%dma_start3A_380, %dma_start3A_381] : memref<10240x128xf32, #tpu.memory_space<vmem_shared>> -> memref<10240x128xf32, #tpu.memory_space<vmem_shared>>
        tpu.enqueue_indirect_dma source(%arg11 : memref<128x128xf32, #tpu.memory_space<vmem>>) target(%dma_start3A_382 : memref<10240x128xf32, #tpu.memory_space<vmem_shared>>) offsets(%arg9 : memref<128xi32, #tpu.memory_space<vmem>>) semaphore(%run_scoped3A : memref<!tpu.dma_semaphore, #tpu.memory_space<semaphore_mem>>) {add = true}
        %dma_wait3A_383 = arith.constant 0 : i32
        %dma_wait3A_384 = arith.constant 0 : i32
        %dma_wait3A_385 = tpu.memref_slice %arg12[%dma_wait3A_383, %dma_wait3A_384] : memref<10240x128xf32, #tpu.memory_space<vmem_shared>> -> memref<10240x128xf32, #tpu.memory_space<vmem_shared>>
        tpu.wait_indirect_dma semaphore(%run_scoped3A : memref<!tpu.dma_semaphore, #tpu.memory_space<semaphore_mem>>) src(%arg11 : memref<128x128xf32, #tpu.memory_space<vmem>>) dst(%dma_wait3A_385 : memref<10240x128xf32, #tpu.memory_space<vmem_shared>>)
        tpu.yield
      }) : () -> ()
      %add3A_311 = arith.constant 1664 : i32
      %add3A_312 = arith.addi %add3A_29, %add3A_311 : i32
      %dma_start3A_313 = tpu.memref_slice %arg3[%add3A_312] : memref<327680xi32, #tpu.memory_space<hbm>> -> memref<128xi32, #tpu.memory_space<hbm>>
      %dma_start3A_314 = tpu.memref_slice %arg3[%add3A_312] : memref<327680xi32, #tpu.memory_space<hbm>> -> memref<128xi32, #tpu.memory_space<hbm>>
      tpu.enqueue_dma source(%dma_start3A_314 : memref<128xi32, #tpu.memory_space<hbm>>) target(%arg9 : memref<128xi32, #tpu.memory_space<vmem>>) target_semaphore(%arg16 : memref<!tpu.dma_semaphore, #tpu.memory_space<semaphore_mem>>)
      %add3A_315 = arith.constant 1664 : i32
      %add3A_316 = arith.addi %add3A_29, %add3A_315 : i32
      %dma_wait3A_317 = tpu.memref_slice %arg4[%add3A_316] : memref<327680xi32, #tpu.memory_space<hbm>> -> memref<128xi32, #tpu.memory_space<hbm>>
      %dma_wait3A_318 = tpu.memref_slice %arg4[%add3A_316] : memref<327680xi32, #tpu.memory_space<hbm>> -> memref<128xi32, #tpu.memory_space<hbm>>
      tpu.wait_dma2 semaphore(%arg14 : memref<!tpu.dma_semaphore, #tpu.memory_space<semaphore_mem>>) src(%dma_wait3A_318 : memref<128xi32, #tpu.memory_space<hbm>>) dst(%arg7 : memref<128xi32, #tpu.memory_space<vmem>>)
      %dma_start3A_319 = arith.constant 0 : i32
      %dma_start3A_320 = arith.constant 0 : i32
      %dma_start3A_321 = tpu.memref_slice %arg2[%dma_start3A_319, %dma_start3A_320] : memref<10000x128xf32, #tpu.memory_space<hbm>> -> memref<10000x128xf32, #tpu.memory_space<hbm>>
      tpu.enqueue_indirect_dma source(%dma_start3A_321 : memref<10000x128xf32, #tpu.memory_space<hbm>>) target(%arg11 : memref<128x128xf32, #tpu.memory_space<vmem>>) offsets(%arg7 : memref<128xi32, #tpu.memory_space<vmem>>) semaphore(%arg18 : memref<!tpu.dma_semaphore, #tpu.memory_space<semaphore_mem>>)
      %dma_wait3A_322 = arith.constant 0 : i32
      %dma_wait3A_323 = arith.constant 0 : i32
      %dma_wait3A_324 = tpu.memref_slice %arg2[%dma_wait3A_322, %dma_wait3A_323] : memref<10000x128xf32, #tpu.memory_space<hbm>> -> memref<10000x128xf32, #tpu.memory_space<hbm>>
      tpu.wait_indirect_dma semaphore(%arg17 : memref<!tpu.dma_semaphore, #tpu.memory_space<semaphore_mem>>) src(%dma_wait3A_324 : memref<10000x128xf32, #tpu.memory_space<hbm>>) dst(%arg10 : memref<128x128xf32, #tpu.memory_space<vmem>>)
      %add3A_325 = arith.constant 1792 : i32
      %add3A_326 = arith.addi %add3A_29, %add3A_325 : i32
      %dma_start3A_327 = tpu.memref_slice %arg4[%add3A_326] : memref<327680xi32, #tpu.memory_space<hbm>> -> memref<128xi32, #tpu.memory_space<hbm>>
      %dma_start3A_328 = tpu.memref_slice %arg4[%add3A_326] : memref<327680xi32, #tpu.memory_space<hbm>> -> memref<128xi32, #tpu.memory_space<hbm>>
      tpu.enqueue_dma source(%dma_start3A_328 : memref<128xi32, #tpu.memory_space<hbm>>) target(%arg6 : memref<128xi32, #tpu.memory_space<vmem>>) target_semaphore(%arg13 : memref<!tpu.dma_semaphore, #tpu.memory_space<semaphore_mem>>)
      %add3A_329 = arith.constant 1536 : i32
      %add3A_330 = arith.addi %add3A_29, %add3A_329 : i32
      %dma_wait3A_331 = tpu.memref_slice %arg3[%add3A_330] : memref<327680xi32, #tpu.memory_space<hbm>> -> memref<128xi32, #tpu.memory_space<hbm>>
      %dma_wait3A_332 = tpu.memref_slice %arg3[%add3A_330] : memref<327680xi32, #tpu.memory_space<hbm>> -> memref<128xi32, #tpu.memory_space<hbm>>
      tpu.wait_dma2 semaphore(%arg15 : memref<!tpu.dma_semaphore, #tpu.memory_space<semaphore_mem>>) src(%dma_wait3A_332 : memref<128xi32, #tpu.memory_space<hbm>>) dst(%arg8 : memref<128xi32, #tpu.memory_space<vmem>>)
      "tpu.region"() ({
        %run_scoped3A = tpu.sem_alloc : memref<!tpu.dma_semaphore, #tpu.memory_space<semaphore_mem>>
        %dma_start3A_380 = arith.constant 0 : i32
        %dma_start3A_381 = arith.constant 0 : i32
        %dma_start3A_382 = tpu.memref_slice %arg12[%dma_start3A_380, %dma_start3A_381] : memref<10240x128xf32, #tpu.memory_space<vmem_shared>> -> memref<10240x128xf32, #tpu.memory_space<vmem_shared>>
        tpu.enqueue_indirect_dma source(%arg10 : memref<128x128xf32, #tpu.memory_space<vmem>>) target(%dma_start3A_382 : memref<10240x128xf32, #tpu.memory_space<vmem_shared>>) offsets(%arg8 : memref<128xi32, #tpu.memory_space<vmem>>) semaphore(%run_scoped3A : memref<!tpu.dma_semaphore, #tpu.memory_space<semaphore_mem>>) {add = true}
        %dma_wait3A_383 = arith.constant 0 : i32
        %dma_wait3A_384 = arith.constant 0 : i32
        %dma_wait3A_385 = tpu.memref_slice %arg12[%dma_wait3A_383, %dma_wait3A_384] : memref<10240x128xf32, #tpu.memory_space<vmem_shared>> -> memref<10240x128xf32, #tpu.memory_space<vmem_shared>>
        tpu.wait_indirect_dma semaphore(%run_scoped3A : memref<!tpu.dma_semaphore, #tpu.memory_space<semaphore_mem>>) src(%arg10 : memref<128x128xf32, #tpu.memory_space<vmem>>) dst(%dma_wait3A_385 : memref<10240x128xf32, #tpu.memory_space<vmem_shared>>)
        tpu.yield
      }) : () -> ()
      %add3A_333 = arith.constant 1792 : i32
      %add3A_334 = arith.addi %add3A_29, %add3A_333 : i32
      %dma_start3A_335 = tpu.memref_slice %arg3[%add3A_334] : memref<327680xi32, #tpu.memory_space<hbm>> -> memref<128xi32, #tpu.memory_space<hbm>>
      %dma_start3A_336 = tpu.memref_slice %arg3[%add3A_334] : memref<327680xi32, #tpu.memory_space<hbm>> -> memref<128xi32, #tpu.memory_space<hbm>>
      tpu.enqueue_dma source(%dma_start3A_336 : memref<128xi32, #tpu.memory_space<hbm>>) target(%arg8 : memref<128xi32, #tpu.memory_space<vmem>>) target_semaphore(%arg15 : memref<!tpu.dma_semaphore, #tpu.memory_space<semaphore_mem>>)
      %add3A_337 = arith.constant 1792 : i32
      %add3A_338 = arith.addi %add3A_29, %add3A_337 : i32
      %dma_wait3A_339 = tpu.memref_slice %arg4[%add3A_338] : memref<327680xi32, #tpu.memory_space<hbm>> -> memref<128xi32, #tpu.memory_space<hbm>>
      %dma_wait3A_340 = tpu.memref_slice %arg4[%add3A_338] : memref<327680xi32, #tpu.memory_space<hbm>> -> memref<128xi32, #tpu.memory_space<hbm>>
      tpu.wait_dma2 semaphore(%arg13 : memref<!tpu.dma_semaphore, #tpu.memory_space<semaphore_mem>>) src(%dma_wait3A_340 : memref<128xi32, #tpu.memory_space<hbm>>) dst(%arg6 : memref<128xi32, #tpu.memory_space<vmem>>)
      %dma_start3A_341 = arith.constant 0 : i32
      %dma_start3A_342 = arith.constant 0 : i32
      %dma_start3A_343 = tpu.memref_slice %arg2[%dma_start3A_341, %dma_start3A_342] : memref<10000x128xf32, #tpu.memory_space<hbm>> -> memref<10000x128xf32, #tpu.memory_space<hbm>>
      tpu.enqueue_indirect_dma source(%dma_start3A_343 : memref<10000x128xf32, #tpu.memory_space<hbm>>) target(%arg10 : memref<128x128xf32, #tpu.memory_space<vmem>>) offsets(%arg6 : memref<128xi32, #tpu.memory_space<vmem>>) semaphore(%arg17 : memref<!tpu.dma_semaphore, #tpu.memory_space<semaphore_mem>>)
      %dma_wait3A_344 = arith.constant 0 : i32
      %dma_wait3A_345 = arith.constant 0 : i32
      %dma_wait3A_346 = tpu.memref_slice %arg2[%dma_wait3A_344, %dma_wait3A_345] : memref<10000x128xf32, #tpu.memory_space<hbm>> -> memref<10000x128xf32, #tpu.memory_space<hbm>>
      tpu.wait_indirect_dma semaphore(%arg18 : memref<!tpu.dma_semaphore, #tpu.memory_space<semaphore_mem>>) src(%dma_wait3A_346 : memref<10000x128xf32, #tpu.memory_space<hbm>>) dst(%arg11 : memref<128x128xf32, #tpu.memory_space<vmem>>)
      %add3A_347 = arith.constant 1920 : i32
      %add3A_348 = arith.addi %add3A_29, %add3A_347 : i32
      %dma_start3A_349 = tpu.memref_slice %arg4[%add3A_348] : memref<327680xi32, #tpu.memory_space<hbm>> -> memref<128xi32, #tpu.memory_space<hbm>>
      %dma_start3A_350 = tpu.memref_slice %arg4[%add3A_348] : memref<327680xi32, #tpu.memory_space<hbm>> -> memref<128xi32, #tpu.memory_space<hbm>>
      tpu.enqueue_dma source(%dma_start3A_350 : memref<128xi32, #tpu.memory_space<hbm>>) target(%arg7 : memref<128xi32, #tpu.memory_space<vmem>>) target_semaphore(%arg14 : memref<!tpu.dma_semaphore, #tpu.memory_space<semaphore_mem>>)
      %add3A_351 = arith.constant 1664 : i32
      %add3A_352 = arith.addi %add3A_29, %add3A_351 : i32
      %dma_wait3A_353 = tpu.memref_slice %arg3[%add3A_352] : memref<327680xi32, #tpu.memory_space<hbm>> -> memref<128xi32, #tpu.memory_space<hbm>>
      %dma_wait3A_354 = tpu.memref_slice %arg3[%add3A_352] : memref<327680xi32, #tpu.memory_space<hbm>> -> memref<128xi32, #tpu.memory_space<hbm>>
      tpu.wait_dma2 semaphore(%arg16 : memref<!tpu.dma_semaphore, #tpu.memory_space<semaphore_mem>>) src(%dma_wait3A_354 : memref<128xi32, #tpu.memory_space<hbm>>) dst(%arg9 : memref<128xi32, #tpu.memory_space<vmem>>)
      "tpu.region"() ({
        %run_scoped3A = tpu.sem_alloc : memref<!tpu.dma_semaphore, #tpu.memory_space<semaphore_mem>>
        %dma_start3A_380 = arith.constant 0 : i32
        %dma_start3A_381 = arith.constant 0 : i32
        %dma_start3A_382 = tpu.memref_slice %arg12[%dma_start3A_380, %dma_start3A_381] : memref<10240x128xf32, #tpu.memory_space<vmem_shared>> -> memref<10240x128xf32, #tpu.memory_space<vmem_shared>>
        tpu.enqueue_indirect_dma source(%arg11 : memref<128x128xf32, #tpu.memory_space<vmem>>) target(%dma_start3A_382 : memref<10240x128xf32, #tpu.memory_space<vmem_shared>>) offsets(%arg9 : memref<128xi32, #tpu.memory_space<vmem>>) semaphore(%run_scoped3A : memref<!tpu.dma_semaphore, #tpu.memory_space<semaphore_mem>>) {add = true}
        %dma_wait3A_383 = arith.constant 0 : i32
        %dma_wait3A_384 = arith.constant 0 : i32
        %dma_wait3A_385 = tpu.memref_slice %arg12[%dma_wait3A_383, %dma_wait3A_384] : memref<10240x128xf32, #tpu.memory_space<vmem_shared>> -> memref<10240x128xf32, #tpu.memory_space<vmem_shared>>
        tpu.wait_indirect_dma semaphore(%run_scoped3A : memref<!tpu.dma_semaphore, #tpu.memory_space<semaphore_mem>>) src(%arg11 : memref<128x128xf32, #tpu.memory_space<vmem>>) dst(%dma_wait3A_385 : memref<10240x128xf32, #tpu.memory_space<vmem_shared>>)
        tpu.yield
      }) : () -> ()
      %add3A_355 = arith.constant 1920 : i32
      %add3A_356 = arith.addi %add3A_29, %add3A_355 : i32
      %dma_start3A_357 = tpu.memref_slice %arg3[%add3A_356] : memref<327680xi32, #tpu.memory_space<hbm>> -> memref<128xi32, #tpu.memory_space<hbm>>
      %dma_start3A_358 = tpu.memref_slice %arg3[%add3A_356] : memref<327680xi32, #tpu.memory_space<hbm>> -> memref<128xi32, #tpu.memory_space<hbm>>
      tpu.enqueue_dma source(%dma_start3A_358 : memref<128xi32, #tpu.memory_space<hbm>>) target(%arg9 : memref<128xi32, #tpu.memory_space<vmem>>) target_semaphore(%arg16 : memref<!tpu.dma_semaphore, #tpu.memory_space<semaphore_mem>>)
      %add3A_359 = arith.constant 1920 : i32
      %add3A_360 = arith.addi %add3A_29, %add3A_359 : i32
      %dma_wait3A_361 = tpu.memref_slice %arg4[%add3A_360] : memref<327680xi32, #tpu.memory_space<hbm>> -> memref<128xi32, #tpu.memory_space<hbm>>
      %dma_wait3A_362 = tpu.memref_slice %arg4[%add3A_360] : memref<327680xi32, #tpu.memory_space<hbm>> -> memref<128xi32, #tpu.memory_space<hbm>>
      tpu.wait_dma2 semaphore(%arg14 : memref<!tpu.dma_semaphore, #tpu.memory_space<semaphore_mem>>) src(%dma_wait3A_362 : memref<128xi32, #tpu.memory_space<hbm>>) dst(%arg7 : memref<128xi32, #tpu.memory_space<vmem>>)
      %dma_start3A_363 = arith.constant 0 : i32
      %dma_start3A_364 = arith.constant 0 : i32
      %dma_start3A_365 = tpu.memref_slice %arg2[%dma_start3A_363, %dma_start3A_364] : memref<10000x128xf32, #tpu.memory_space<hbm>> -> memref<10000x128xf32, #tpu.memory_space<hbm>>
      tpu.enqueue_indirect_dma source(%dma_start3A_365 : memref<10000x128xf32, #tpu.memory_space<hbm>>) target(%arg11 : memref<128x128xf32, #tpu.memory_space<vmem>>) offsets(%arg7 : memref<128xi32, #tpu.memory_space<vmem>>) semaphore(%arg18 : memref<!tpu.dma_semaphore, #tpu.memory_space<semaphore_mem>>)
      %dma_wait3A_366 = arith.constant 0 : i32
      %dma_wait3A_367 = arith.constant 0 : i32
      %dma_wait3A_368 = tpu.memref_slice %arg2[%dma_wait3A_366, %dma_wait3A_367] : memref<10000x128xf32, #tpu.memory_space<hbm>> -> memref<10000x128xf32, #tpu.memory_space<hbm>>
      tpu.wait_indirect_dma semaphore(%arg17 : memref<!tpu.dma_semaphore, #tpu.memory_space<semaphore_mem>>) src(%dma_wait3A_368 : memref<10000x128xf32, #tpu.memory_space<hbm>>) dst(%arg10 : memref<128x128xf32, #tpu.memory_space<vmem>>)
      %add3A_369 = arith.constant 1792 : i32
      %add3A_370 = arith.addi %add3A_29, %add3A_369 : i32
      %dma_wait3A_371 = tpu.memref_slice %arg3[%add3A_370] : memref<327680xi32, #tpu.memory_space<hbm>> -> memref<128xi32, #tpu.memory_space<hbm>>
      %dma_wait3A_372 = tpu.memref_slice %arg3[%add3A_370] : memref<327680xi32, #tpu.memory_space<hbm>> -> memref<128xi32, #tpu.memory_space<hbm>>
      tpu.wait_dma2 semaphore(%arg15 : memref<!tpu.dma_semaphore, #tpu.memory_space<semaphore_mem>>) src(%dma_wait3A_372 : memref<128xi32, #tpu.memory_space<hbm>>) dst(%arg8 : memref<128xi32, #tpu.memory_space<vmem>>)
      "tpu.region"() ({
        %run_scoped3A = tpu.sem_alloc : memref<!tpu.dma_semaphore, #tpu.memory_space<semaphore_mem>>
        %dma_start3A_380 = arith.constant 0 : i32
        %dma_start3A_381 = arith.constant 0 : i32
        %dma_start3A_382 = tpu.memref_slice %arg12[%dma_start3A_380, %dma_start3A_381] : memref<10240x128xf32, #tpu.memory_space<vmem_shared>> -> memref<10240x128xf32, #tpu.memory_space<vmem_shared>>
        tpu.enqueue_indirect_dma source(%arg10 : memref<128x128xf32, #tpu.memory_space<vmem>>) target(%dma_start3A_382 : memref<10240x128xf32, #tpu.memory_space<vmem_shared>>) offsets(%arg8 : memref<128xi32, #tpu.memory_space<vmem>>) semaphore(%run_scoped3A : memref<!tpu.dma_semaphore, #tpu.memory_space<semaphore_mem>>) {add = true}
        %dma_wait3A_383 = arith.constant 0 : i32
        %dma_wait3A_384 = arith.constant 0 : i32
        %dma_wait3A_385 = tpu.memref_slice %arg12[%dma_wait3A_383, %dma_wait3A_384] : memref<10240x128xf32, #tpu.memory_space<vmem_shared>> -> memref<10240x128xf32, #tpu.memory_space<vmem_shared>>
        tpu.wait_indirect_dma semaphore(%run_scoped3A : memref<!tpu.dma_semaphore, #tpu.memory_space<semaphore_mem>>) src(%arg10 : memref<128x128xf32, #tpu.memory_space<vmem>>) dst(%dma_wait3A_385 : memref<10240x128xf32, #tpu.memory_space<vmem_shared>>)
        tpu.yield
      }) : () -> ()
      %dma_wait3A_373 = arith.constant 0 : i32
      %dma_wait3A_374 = arith.constant 0 : i32
      %dma_wait3A_375 = tpu.memref_slice %arg2[%dma_wait3A_373, %dma_wait3A_374] : memref<10000x128xf32, #tpu.memory_space<hbm>> -> memref<10000x128xf32, #tpu.memory_space<hbm>>
      tpu.wait_indirect_dma semaphore(%arg18 : memref<!tpu.dma_semaphore, #tpu.memory_space<semaphore_mem>>) src(%dma_wait3A_375 : memref<10000x128xf32, #tpu.memory_space<hbm>>) dst(%arg11 : memref<128x128xf32, #tpu.memory_space<vmem>>)
      %add3A_376 = arith.constant 1920 : i32
      %add3A_377 = arith.addi %add3A_29, %add3A_376 : i32
      %dma_wait3A_378 = tpu.memref_slice %arg3[%add3A_377] : memref<327680xi32, #tpu.memory_space<hbm>> -> memref<128xi32, #tpu.memory_space<hbm>>
      %dma_wait3A_379 = tpu.memref_slice %arg3[%add3A_377] : memref<327680xi32, #tpu.memory_space<hbm>> -> memref<128xi32, #tpu.memory_space<hbm>>
      tpu.wait_dma2 semaphore(%arg16 : memref<!tpu.dma_semaphore, #tpu.memory_space<semaphore_mem>>) src(%dma_wait3A_379 : memref<128xi32, #tpu.memory_space<hbm>>) dst(%arg9 : memref<128xi32, #tpu.memory_space<vmem>>)
      "tpu.region"() ({
        %run_scoped3A = tpu.sem_alloc : memref<!tpu.dma_semaphore, #tpu.memory_space<semaphore_mem>>
        %dma_start3A_380 = arith.constant 0 : i32
        %dma_start3A_381 = arith.constant 0 : i32
        %dma_start3A_382 = tpu.memref_slice %arg12[%dma_start3A_380, %dma_start3A_381] : memref<10240x128xf32, #tpu.memory_space<vmem_shared>> -> memref<10240x128xf32, #tpu.memory_space<vmem_shared>>
        tpu.enqueue_indirect_dma source(%arg11 : memref<128x128xf32, #tpu.memory_space<vmem>>) target(%dma_start3A_382 : memref<10240x128xf32, #tpu.memory_space<vmem_shared>>) offsets(%arg9 : memref<128xi32, #tpu.memory_space<vmem>>) semaphore(%run_scoped3A : memref<!tpu.dma_semaphore, #tpu.memory_space<semaphore_mem>>) {add = true}
        %dma_wait3A_383 = arith.constant 0 : i32
        %dma_wait3A_384 = arith.constant 0 : i32
        %dma_wait3A_385 = tpu.memref_slice %arg12[%dma_wait3A_383, %dma_wait3A_384] : memref<10240x128xf32, #tpu.memory_space<vmem_shared>> -> memref<10240x128xf32, #tpu.memory_space<vmem_shared>>
        tpu.wait_indirect_dma semaphore(%run_scoped3A : memref<!tpu.dma_semaphore, #tpu.memory_space<semaphore_mem>>) src(%arg11 : memref<128x128xf32, #tpu.memory_space<vmem>>) dst(%dma_wait3A_385 : memref<10240x128xf32, #tpu.memory_space<vmem_shared>>)
        tpu.yield
      }) : () -> ()
    }
    %scan3A_16 = arith.constant 5 : i32
    %barrier3A_17 = arith.constant 0 : index
    tpu.barrier barrier_id(%barrier3A_17)
    %mul3A_18 = arith.constant 640 : i32
    %mul3A_19 = arith.muli %arg1, %mul3A_18 : i32
    %mul3A_20 = arith.constant 640 : i32
    %mul3A_21 = arith.muli %arg1, %mul3A_20 : i32
    "tpu.region"() ({
      %run_scoped3A = tpu.sem_alloc : memref<!tpu.dma_semaphore, #tpu.memory_space<semaphore_mem>>
      %dma_start3A = arith.constant 0 : i32
      %dma_start3A_22 = tpu.memref_slice %arg5[%arg0, %mul3A_21, %dma_start3A] : memref<2x10240x128xf32, #tpu.memory_space<hbm>> -> memref<1x640x128xf32, #tpu.memory_space<hbm>>
      %dma_start3A_23 = tpu.memref_squeeze %dma_start3A_22 : memref<1x640x128xf32, #tpu.memory_space<hbm>> -> memref<640x128xf32, #tpu.memory_space<hbm>>
      %dma_start3A_24 = arith.constant 0 : i32
      %dma_start3A_25 = tpu.memref_slice %arg12[%mul3A_19, %dma_start3A_24] : memref<10240x128xf32, #tpu.memory_space<vmem_shared>> -> memref<640x128xf32, #tpu.memory_space<vmem_shared>>
      tpu.enqueue_dma source(%dma_start3A_25 : memref<640x128xf32, #tpu.memory_space<vmem_shared>>) target(%dma_start3A_23 : memref<640x128xf32, #tpu.memory_space<hbm>>) target_semaphore(%run_scoped3A : memref<!tpu.dma_semaphore, #tpu.memory_space<semaphore_mem>>)
      %dma_wait3A = arith.constant 0 : i32
      %dma_wait3A_26 = tpu.memref_slice %arg5[%arg0, %mul3A_21, %dma_wait3A] : memref<2x10240x128xf32, #tpu.memory_space<hbm>> -> memref<1x640x128xf32, #tpu.memory_space<hbm>>
      %dma_wait3A_27 = tpu.memref_squeeze %dma_wait3A_26 : memref<1x640x128xf32, #tpu.memory_space<hbm>> -> memref<640x128xf32, #tpu.memory_space<hbm>>
      %dma_wait3A_28 = arith.constant 0 : i32
      %dma_wait3A_29 = tpu.memref_slice %arg12[%mul3A_19, %dma_wait3A_28] : memref<10240x128xf32, #tpu.memory_space<vmem_shared>> -> memref<640x128xf32, #tpu.memory_space<vmem_shared>>
      tpu.wait_dma2 semaphore(%run_scoped3A : memref<!tpu.dma_semaphore, #tpu.memory_space<semaphore_mem>>) src(%dma_wait3A_29 : memref<640x128xf32, #tpu.memory_space<vmem_shared>>) dst(%dma_wait3A_27 : memref<640x128xf32, #tpu.memory_space<hbm>>)
      tpu.yield
    }) : () -> ()
    return
  }
}

module attributes {stable_mosaic.version = 14 : i64} {
  func.func @_stage_a_body(%arg0: i32, %arg1: memref<1000x128xf32, #tpu.memory_space<vmem>>, %arg2: memref<128x128xf32, #tpu.memory_space<vmem>>, %arg3: memref<1x128xf32, #tpu.memory_space<vmem>>, %arg4: memref<128x128xf32, #tpu.memory_space<vmem>>, %arg5: memref<1000x128xf32, #tpu.memory_space<vmem>>, %arg6: memref<1000x128xf32, #tpu.memory_space<vmem>>) attributes {dimension_semantics = [#tpu.dimension_semantics<arbitrary>], iteration_bounds = array<i64: 10>, scalar_prefetch = 0 : i64, scratch_operands = 0 : i64, tpu.core_type = #tpu.core_type<tc>, window_params = [{transform_indices = @transform_0, window_bounds = array<i64: 1000, 128>}, {pipeline_mode = #tpu.pipeline_mode<synchronous>, transform_indices = @transform_1, window_bounds = array<i64: 128, 128>}, {pipeline_mode = #tpu.pipeline_mode<synchronous>, transform_indices = @transform_2, window_bounds = array<i64: 1, 128>}, {pipeline_mode = #tpu.pipeline_mode<synchronous>, transform_indices = @transform_3, window_bounds = array<i64: 128, 128>}, {transform_indices = @transform_4, window_bounds = array<i64: 1000, 128>}, {transform_indices = @transform_5, window_bounds = array<i64: 1000, 128>}]} {
    %get3A = arith.constant 0 : index
    %get3A_0 = arith.constant 0 : index
    %get3A_1 = vector.load %arg1[%get3A, %get3A_0] : memref<1000x128xf32, #tpu.memory_space<vmem>>, vector<1000x128xf32>
    %get3A_2 = arith.constant 0 : index
    %get3A_3 = arith.constant 0 : index
    %get3A_4 = vector.load %arg2[%get3A_2, %get3A_3] : memref<128x128xf32, #tpu.memory_space<vmem>>, vector<128x128xf32>
    %dot_general3A = arith.constant dense<0.000000e+00> : vector<1000x128xf32>
    %dot_general3A_5 = tpu.matmul %get3A_1, %get3A_4, %dot_general3A {dimension_numbers = #tpu.dot_dimension_numbers<[1], [0], [0], [1], [0, 0, 1, 1], [], []>, precision = #tpu.contract_precision<fp32>, transpose_lhs_hint = false} : vector<1000x128xf32>, vector<128x128xf32>, vector<1000x128xf32> -> vector<1000x128xf32>
    %get3A_6 = arith.constant 0 : index
    %get3A_7 = arith.constant 0 : index
    %get3A_8 = vector.load %arg3[%get3A_6, %get3A_7] : memref<1x128xf32, #tpu.memory_space<vmem>>, vector<1x128xf32>
    %add3A = vector.broadcast %get3A_8 : vector<1x128xf32> to vector<1000x128xf32>
    %add3A_9 = arith.addf %dot_general3A_5, %add3A : vector<1000x128xf32>
    %swap3A = arith.constant 0 : index
    %swap3A_10 = arith.constant 0 : index
    %swap3A_11 = vector.load %arg5[%swap3A, %swap3A_10] : memref<1000x128xf32, #tpu.memory_space<vmem>>, vector<1000x128xf32>
    tpu.vector_store %arg5[%swap3A, %swap3A_10], %add3A_9 {strides = array<i32>} : memref<1000x128xf32, #tpu.memory_space<vmem>>, vector<1000x128xf32>,
    %get3A_12 = arith.constant 0 : index
    %get3A_13 = arith.constant 0 : index
    %get3A_14 = vector.load %arg4[%get3A_12, %get3A_13] : memref<128x128xf32, #tpu.memory_space<vmem>>, vector<128x128xf32>
    %dot_general3A_15 = arith.constant dense<0.000000e+00> : vector<1000x128xf32>
    %dot_general3A_16 = tpu.matmul %add3A_9, %get3A_14, %dot_general3A_15 {dimension_numbers = #tpu.dot_dimension_numbers<[1], [0], [0], [1], [0, 0, 1, 1], [], []>, precision = #tpu.contract_precision<fp32>, transpose_lhs_hint = false} : vector<1000x128xf32>, vector<128x128xf32>, vector<1000x128xf32> -> vector<1000x128xf32>
    %swap3A_17 = arith.constant 0 : index
    %swap3A_18 = arith.constant 0 : index
    %swap3A_19 = vector.load %arg6[%swap3A_17, %swap3A_18] : memref<1000x128xf32, #tpu.memory_space<vmem>>, vector<1000x128xf32>
    tpu.vector_store %arg6[%swap3A_17, %swap3A_18], %dot_general3A_16 {strides = array<i32>} : memref<1000x128xf32, #tpu.memory_space<vmem>>, vector<1000x128xf32>,
    return
  }
  func.func @transform_0(%arg0: i32) -> (i32, i32) {
    %c0_i32 = arith.constant 0 : i32
    %c0_i32_0 = arith.constant 0 : i32
    return %arg0, %c0_i32 : i32, i32
  }
  func.func @transform_1(%arg0: i32) -> (i32, i32) {
    %c0_i32 = arith.constant 0 : i32
    %c0_i32_0 = arith.constant 0 : i32
    %c0_i32_1 = arith.constant 0 : i32
    return %c0_i32, %c0_i32_0 : i32, i32
  }
  func.func @transform_2(%arg0: i32) -> (i32, i32) {
    %c0_i32 = arith.constant 0 : i32
    %c0_i32_0 = arith.constant 0 : i32
    %c0_i32_1 = arith.constant 0 : i32
    return %c0_i32, %c0_i32_0 : i32, i32
  }
  func.func @transform_3(%arg0: i32) -> (i32, i32) {
    %c0_i32 = arith.constant 0 : i32
    %c0_i32_0 = arith.constant 0 : i32
    %c0_i32_1 = arith.constant 0 : i32
    return %c0_i32, %c0_i32_0 : i32, i32
  }
  func.func @transform_4(%arg0: i32) -> (i32, i32) {
    %c0_i32 = arith.constant 0 : i32
    %c0_i32_0 = arith.constant 0 : i32
    return %arg0, %c0_i32 : i32, i32
  }
  func.func @transform_5(%arg0: i32) -> (i32, i32) {
    %c0_i32 = arith.constant 0 : i32
    %c0_i32_0 = arith.constant 0 : i32
    return %arg0, %c0_i32 : i32, i32
  }
}

module attributes {stable_mosaic.version = 14 : i64} {
  func.func @_stage_mid_body(%arg0: i32, %arg1: memref<1000x128xf32, #tpu.memory_space<vmem>>, %arg2: memref<2x1000x128xf32, #tpu.memory_space<vmem>>, %arg3: memref<1x128xf32, #tpu.memory_space<vmem>>, %arg4: memref<128x128xf32, #tpu.memory_space<vmem>>, %arg5: memref<1000x128xf32, #tpu.memory_space<vmem>>, %arg6: memref<1000x128xf32, #tpu.memory_space<vmem>>) attributes {dimension_semantics = [#tpu.dimension_semantics<arbitrary>], iteration_bounds = array<i64: 10>, scalar_prefetch = 0 : i64, scratch_operands = 0 : i64, tpu.core_type = #tpu.core_type<tc>, window_params = [{transform_indices = @transform_0, window_bounds = array<i64: 1000, 128>}, {transform_indices = @transform_1, window_bounds = array<i64: 2, 1000, 128>}, {pipeline_mode = #tpu.pipeline_mode<synchronous>, transform_indices = @transform_2, window_bounds = array<i64: 1, 128>}, {pipeline_mode = #tpu.pipeline_mode<synchronous>, transform_indices = @transform_3, window_bounds = array<i64: 128, 128>}, {transform_indices = @transform_4, window_bounds = array<i64: 1000, 128>}, {transform_indices = @transform_5, window_bounds = array<i64: 1000, 128>}]} {
    %get3A = arith.constant 0 : index
    %get3A_0 = arith.constant 0 : index
    %get3A_1 = arith.constant 0 : index
    %get3A_2 = vector.load %arg2[%get3A, %get3A_0, %get3A_1] : memref<2x1000x128xf32, #tpu.memory_space<vmem>>, vector<1x1000x128xf32>
    %get3A_3 = vector.shape_cast %get3A_2 : vector<1x1000x128xf32> to vector<1000x128xf32>
    %get3A_4 = arith.constant 1 : index
    %get3A_5 = arith.constant 0 : index
    %get3A_6 = arith.constant 0 : index
    %get3A_7 = vector.load %arg2[%get3A_4, %get3A_5, %get3A_6] : memref<2x1000x128xf32, #tpu.memory_space<vmem>>, vector<1x1000x128xf32>
    %get3A_8 = vector.shape_cast %get3A_7 : vector<1x1000x128xf32> to vector<1000x128xf32>
    %add3A = arith.addf %get3A_3, %get3A_8 : vector<1000x128xf32>
    %get3A_9 = arith.constant 0 : index
    %get3A_10 = arith.constant 0 : index
    %get3A_11 = vector.load %arg3[%get3A_9, %get3A_10] : memref<1x128xf32, #tpu.memory_space<vmem>>, vector<1x128xf32>
    %add3A_12 = vector.broadcast %get3A_11 : vector<1x128xf32> to vector<1000x128xf32>
    %add3A_13 = arith.addf %add3A, %add3A_12 : vector<1000x128xf32>
    %get3A_14 = arith.constant 0 : index
    %get3A_15 = arith.constant 0 : index
    %get3A_16 = vector.load %arg1[%get3A_14, %get3A_15] : memref<1000x128xf32, #tpu.memory_space<vmem>>, vector<1000x128xf32>
    %max3A = arith.constant 0.000000e+00 : f32
    %max3A_17 = vector.broadcast %max3A : f32 to vector<1000x128xf32>
    %max3A_18 = arith.maximumf %add3A_13, %max3A_17 : vector<1000x128xf32>
    %add3A_19 = arith.addf %get3A_16, %max3A_18 : vector<1000x128xf32>
    %swap3A = arith.constant 0 : index
    %swap3A_20 = arith.constant 0 : index
    %swap3A_21 = vector.load %arg5[%swap3A, %swap3A_20] : memref<1000x128xf32, #tpu.memory_space<vmem>>, vector<1000x128xf32>
    tpu.vector_store %arg5[%swap3A, %swap3A_20], %add3A_19 {strides = array<i32>} : memref<1000x128xf32, #tpu.memory_space<vmem>>, vector<1000x128xf32>,
    %get3A_22 = arith.constant 0 : index
    %get3A_23 = arith.constant 0 : index
    %get3A_24 = vector.load %arg4[%get3A_22, %get3A_23] : memref<128x128xf32, #tpu.memory_space<vmem>>, vector<128x128xf32>
    %dot_general3A = arith.constant dense<0.000000e+00> : vector<1000x128xf32>
    %dot_general3A_25 = tpu.matmul %add3A_19, %get3A_24, %dot_general3A {dimension_numbers = #tpu.dot_dimension_numbers<[1], [0], [0], [1], [0, 0, 1, 1], [], []>, precision = #tpu.contract_precision<fp32>, transpose_lhs_hint = false} : vector<1000x128xf32>, vector<128x128xf32>, vector<1000x128xf32> -> vector<1000x128xf32>
    %swap3A_26 = arith.constant 0 : index
    %swap3A_27 = arith.constant 0 : index
    %swap3A_28 = vector.load %arg6[%swap3A_26, %swap3A_27] : memref<1000x128xf32, #tpu.memory_space<vmem>>, vector<1000x128xf32>
    tpu.vector_store %arg6[%swap3A_26, %swap3A_27], %dot_general3A_25 {strides = array<i32>} : memref<1000x128xf32, #tpu.memory_space<vmem>>, vector<1000x128xf32>,
    return
  }
  func.func @transform_0(%arg0: i32) -> (i32, i32) {
    %c0_i32 = arith.constant 0 : i32
    %c0_i32_0 = arith.constant 0 : i32
    return %arg0, %c0_i32 : i32, i32
  }
  func.func @transform_1(%arg0: i32) -> (i32, i32, i32) {
    %c0_i32 = arith.constant 0 : i32
    %c0_i32_0 = arith.constant 0 : i32
    %c0_i32_1 = arith.constant 0 : i32
    return %c0_i32, %arg0, %c0_i32_0 : i32, i32, i32
  }
  func.func @transform_2(%arg0: i32) -> (i32, i32) {
    %c0_i32 = arith.constant 0 : i32
    %c0_i32_0 = arith.constant 0 : i32
    %c0_i32_1 = arith.constant 0 : i32
    return %c0_i32, %c0_i32_0 : i32, i32
  }
  func.func @transform_3(%arg0: i32) -> (i32, i32) {
    %c0_i32 = arith.constant 0 : i32
    %c0_i32_0 = arith.constant 0 : i32
    %c0_i32_1 = arith.constant 0 : i32
    return %c0_i32, %c0_i32_0 : i32, i32
  }
  func.func @transform_4(%arg0: i32) -> (i32, i32) {
    %c0_i32 = arith.constant 0 : i32
    %c0_i32_0 = arith.constant 0 : i32
    return %arg0, %c0_i32 : i32, i32
  }
  func.func @transform_5(%arg0: i32) -> (i32, i32) {
    %c0_i32 = arith.constant 0 : i32
    %c0_i32_0 = arith.constant 0 : i32
    return %arg0, %c0_i32 : i32, i32
  }
}

module attributes {stable_mosaic.version = 14 : i64} {
  func.func @_stage_out_body(%arg0: i32, %arg1: memref<1000x128xf32, #tpu.memory_space<vmem>>, %arg2: memref<2x1000x128xf32, #tpu.memory_space<vmem>>, %arg3: memref<1x128xf32, #tpu.memory_space<vmem>>, %arg4: memref<1000x128xf32, #tpu.memory_space<vmem>>) attributes {dimension_semantics = [#tpu.dimension_semantics<arbitrary>], iteration_bounds = array<i64: 10>, scalar_prefetch = 0 : i64, scratch_operands = 0 : i64, tpu.core_type = #tpu.core_type<tc>, window_params = [{transform_indices = @transform_0, window_bounds = array<i64: 1000, 128>}, {transform_indices = @transform_1, window_bounds = array<i64: 2, 1000, 128>}, {pipeline_mode = #tpu.pipeline_mode<synchronous>, transform_indices = @transform_2, window_bounds = array<i64: 1, 128>}, {transform_indices = @transform_3, window_bounds = array<i64: 1000, 128>}]} {
    %get3A = arith.constant 0 : index
    %get3A_0 = arith.constant 0 : index
    %get3A_1 = arith.constant 0 : index
    %get3A_2 = vector.load %arg2[%get3A, %get3A_0, %get3A_1] : memref<2x1000x128xf32, #tpu.memory_space<vmem>>, vector<1x1000x128xf32>
    %get3A_3 = vector.shape_cast %get3A_2 : vector<1x1000x128xf32> to vector<1000x128xf32>
    %get3A_4 = arith.constant 1 : index
    %get3A_5 = arith.constant 0 : index
    %get3A_6 = arith.constant 0 : index
    %get3A_7 = vector.load %arg2[%get3A_4, %get3A_5, %get3A_6] : memref<2x1000x128xf32, #tpu.memory_space<vmem>>, vector<1x1000x128xf32>
    %get3A_8 = vector.shape_cast %get3A_7 : vector<1x1000x128xf32> to vector<1000x128xf32>
    %add3A = arith.addf %get3A_3, %get3A_8 : vector<1000x128xf32>
    %get3A_9 = arith.constant 0 : index
    %get3A_10 = arith.constant 0 : index
    %get3A_11 = vector.load %arg3[%get3A_9, %get3A_10] : memref<1x128xf32, #tpu.memory_space<vmem>>, vector<1x128xf32>
    %add3A_12 = vector.broadcast %get3A_11 : vector<1x128xf32> to vector<1000x128xf32>
    %add3A_13 = arith.addf %add3A, %add3A_12 : vector<1000x128xf32>
    %get3A_14 = arith.constant 0 : index
    %get3A_15 = arith.constant 0 : index
    %get3A_16 = vector.load %arg1[%get3A_14, %get3A_15] : memref<1000x128xf32, #tpu.memory_space<vmem>>, vector<1000x128xf32>
    %max3A = arith.constant 0.000000e+00 : f32
    %max3A_17 = vector.broadcast %max3A : f32 to vector<1000x128xf32>
    %max3A_18 = arith.maximumf %add3A_13, %max3A_17 : vector<1000x128xf32>
    %add3A_19 = arith.addf %get3A_16, %max3A_18 : vector<1000x128xf32>
    %swap3A = arith.constant 0 : index
    %swap3A_20 = arith.constant 0 : index
    %swap3A_21 = vector.load %arg4[%swap3A, %swap3A_20] : memref<1000x128xf32, #tpu.memory_space<vmem>>, vector<1000x128xf32>
    tpu.vector_store %arg4[%swap3A, %swap3A_20], %add3A_19 {strides = array<i32>} : memref<1000x128xf32, #tpu.memory_space<vmem>>, vector<1000x128xf32>,
    return
  }
  func.func @transform_0(%arg0: i32) -> (i32, i32) {
    %c0_i32 = arith.constant 0 : i32
    %c0_i32_0 = arith.constant 0 : i32
    return %arg0, %c0_i32 : i32, i32
  }
  func.func @transform_1(%arg0: i32) -> (i32, i32, i32) {
    %c0_i32 = arith.constant 0 : i32
    %c0_i32_0 = arith.constant 0 : i32
    %c0_i32_1 = arith.constant 0 : i32
    return %c0_i32, %arg0, %c0_i32_0 : i32, i32, i32
  }
  func.func @transform_2(%arg0: i32) -> (i32, i32) {
    %c0_i32 = arith.constant 0 : i32
    %c0_i32_0 = arith.constant 0 : i32
    %c0_i32_1 = arith.constant 0 : i32
    return %c0_i32, %c0_i32_0 : i32, i32
  }
  func.func @transform_3(%arg0: i32) -> (i32, i32) {
    %c0_i32 = arith.constant 0 : i32
    %c0_i32_0 = arith.constant 0 : i32
    return %arg0, %c0_i32 : i32, i32
  }
}

</mosaic_0001>

<sc_bundles>
// kernel: kernel.10.cloned.1.call-start
scs
__scs_entry_jumppad:
0x0: {  	(pc) =	sbr.rel $0x88, $3  }
0x1: {  	(tag) =	ssettag $0x0;
	lr =	simm.s32 $0x1  }
0x2: {  	[smem:$0x3F99] =	sst lr;
	_ =	strace $0xD0000000  }
0x3: {  	_ = 	snop  }
0x4: {  	_ = 	snop  }
0x5: {  	_ = 	snop  }
0x6: {  	_ = 	snop  }
0x7: {  	_ = 	snop  }
__scs_overlays_trampoline_lowered:
0x8: {  	[smem:$0x3FA8] =	sst s0  }
0x9: {  	[smem:$0x3FA9] =	sst s1  }
0xa: {  	[smem:$0x3FAA] =	sst s2  }
0xb: {  	[smem:$0x3FAB] =	sst s3  }
0xc: {  	[smem:$0x3FAC] =	sst s4  }
0xd: {  	[smem:$0x3FAD] =	sst s5  }
0xe: {  	[smem:$0x3FAE] =	sst s6  }
0xf: {  	[smem:$0x3FAF] =	sst s7  }
0x10: {  	[smem:$0x3FB0] =	sst s8  }
0x11: {  	[smem:$0x3FB1] =	sst s9;
	s0 =	simm.s32 @!p0 $0x0  }
0x12: {  	s1 =	sld [smem:$0x3F97];
	s0 =	simm.s32 @p0 $0x1  }
0x13: {  	[smem:$0x3FB2] =	sst s0;
	s0 =	simm.s32 @!p1 $0x0  }
0x14: {  	s2 =	sld [smem:$0x3F96];
	s0 =	simm.s32 @p1 $0x1  }
0x15: {  	[smem:$0x3FB3] =	sst s0;
	s0 =	simm.s32 @!p2 $0x0  }
0x16: {  	s3 =	sld [smem:$0x3FDB];
	s0 =	simm.s32 @p2 $0x1  }
0x17: {  	s4 =	simm.s32 $0x1BF5;
	[smem:$0x3FB5] =	sst s0  }
0x18: {  	s0 =	sld [smem:$0x3F98];
	_ =	swait.ge [sflag:s4], $0x0  }
0x19: {  	s7 =	sld [smem:$0x3F99]  }
0x1a: {  	s8 =	sadd.s32 $0xFFFFE003, lr  }
0x1b: {  	s9 =	sadd.s32 $0xFFFFFEF7, lr;
	s5 =	simm.s32 $0xFFFFFFFF;
	p2 =	slt.u32 s8, $0xFFFFF086  }
0x1c: {  	p1 =	slt.u32 s9, $0xF7A;
	s5 =	simm.s32 @!p2 $0x0  }
0x1d: {  	s5 =	simm.s32 @p1 $0x1;
	p0 =	seq.s32 s7, s2  }
0x1e: {  	s7 =	smul.u32 @!p0 $0xF7A, s2;
	p2 =	seq.s32 @!p0 s5, $0x0  }
0x1f: {  	s9 =	smul.u32 $0xF7A, s1;
	s8 =	simm.s32 @!p0 $0x1BF5;
	p2 =	por !p2, p0  }
0x20: {  	[sflag:s8] =	ssyncset.s32 @!p0 $0xFFFFF086;
	s6 =	sadd.s32 @!p0 s3, s7;
	s7 =	simm.s32 @!p0 $0x108  }
0x21: {  	s3 =	sadd.s32 s3, s9;
	s6 =	sadd.s32 @!p0 $0x88, s6;
	s7 =	simm.s32 @p2 $0x1082  }
0x22: {  	[simem:s7], [sflag:s8] =	dma.local @!p0 [hbm:s6], $0xF7A  }
0x23: {  	s9 =	sor.u32 $0xD0000000, s2;
	s6 =	simm.s32 $0x108;
	_ =	swait.ge @!p0 [sflag:s8], $0x0  }
0x24: {  	s3 =	sadd.s32 $0x88, s3;
	s6 =	simm.s32 @!p1 $0x1082;
	[sflag:s4] =	ssyncset.s32 $0xFFFFF086  }
0x25: {  	[simem:s6], [sflag:s4] =	dma.local [hbm:s3], $0xF7A  }
0x26: {  	[smem:$0x3F99] =	sst s1;
	(tag) =	ssettag s2;
	_ =	strace s9  }
0x27: {  	s1 =	sld [smem:$0x3FA9]  }
0x28: {  	s2 =	sld [smem:$0x3FAA]  }
0x29: {  	s4 =	sld [smem:$0x3FAC]  }
0x2a: {  	p0 =	seq.s32 s5, $0x0;
	s5 =	sld [smem:$0x3FAD]  }
0x2b: {  	s6 =	sld [smem:$0x3FAE]  }
0x2c: {  	s7 =	sld [smem:$0x3FAF]  }
0x2d: {  	s3 =	simm.s32 $0x108;
	s8 =	sld [smem:$0x3FB0]  }
0x2e: {  	s3 =	simm.s32 @!p0 $0x1082;
	s9 =	sld [smem:$0x3FB1]  }
0x2f: {  	lr =	sadd.s32 s0, s3;
	s0 =	sld [smem:$0x3FA8]  }
0x30: {  	s3 =	sld [smem:$0x3FAB]  }
0x31: {  	[smem:$0x3FB4] =	sst s10  }
0x32: {  	s10 =	sld [smem:$0x3FB2];
	_ =	sdelay $0x3  }
0x33: {  	p0 =	seq.s32 s10, $0x1;
	s10 =	sld [smem:$0x3FB4];
	_ =	sdelay $0x3  }
0x34: {  	[smem:$0x3FB4] =	sst s10  }
0x35: {  	s10 =	sld [smem:$0x3FB3];
	_ =	sdelay $0x3  }
0x36: {  	p1 =	seq.s32 s10, $0x1;
	s10 =	sld [smem:$0x3FB4];
	_ =	sdelay $0x3  }
0x37: {  	[smem:$0x3FB4] =	sst s10  }
0x38: {  	s10 =	sld [smem:$0x3FB5]  }
0x39: {  	_ = 	snop;
	(pc) =	sbr.ind lr, $3  }
0x3a: {  	_ = 	snop  }
0x3b: {  	_ = 	snop  }
0x3c: {  	p2 =	seq.s32 s10, $0x1;
	s10 =	sld [smem:$0x3FB4]  }
0x3d: {  	_ =	shalt  }
0x3e: {  	_ =	shalt  }
0x3f: {  	_ =	shalt  }
0x40: {  	_ =	shalt  }
0x41: {  	_ =	shalt  }
0x42: {  	_ =	shalt  }
0x43: {  	_ =	shalt  }
0x44: {  	_ =	shalt  }
0x45: {  	_ =	shalt  }
0x46: {  	_ =	shalt  }
0x47: {  	_ =	shalt  }
0x48: {  	_ =	shalt  }
0x49: {  	_ =	shalt  }
0x4a: {  	_ =	shalt  }
0x4b: {  	_ =	shalt  }
0x4c: {  	_ =	shalt  }
0x4d: {  	_ =	shalt  }
0x4e: {  	_ =	shalt  }
0x4f: {  	_ =	shalt  }
0x50: {  	_ =	shalt  }
0x51: {  	_ =	shalt  }
0x52: {  	_ =	shalt  }
0x53: {  	_ =	shalt  }
0x54: {  	_ =	shalt  }
0x55: {  	_ =	shalt  }
0x56: {  	_ =	shalt  }
0x57: {  	_ =	shalt  }
0x58: {  	_ =	shalt  }
0x59: {  	_ =	shalt  }
0x5a: {  	_ =	shalt  }
0x5b: {  	_ =	shalt  }
0x5c: {  	_ =	shalt  }
0x5d: {  	_ =	shalt  }
0x5e: {  	_ =	shalt  }
0x5f: {  	_ =	shalt  }
0x60: {  	_ =	shalt  }
0x61: {  	_ =	shalt  }
0x62: {  	_ =	shalt  }
0x63: {  	_ =	shalt  }
0x64: {  	_ =	shalt  }
0x65: {  	_ =	shalt  }
0x66: {  	_ =	shalt  }
0x67: {  	_ =	shalt  }
0x68: {  	_ =	shalt  }
0x69: {  	_ =	shalt  }
0x6a: {  	_ =	shalt  }
0x6b: {  	_ =	shalt  }
0x6c: {  	_ =	shalt  }
0x6d: {  	_ =	shalt  }
0x6e: {  	_ =	shalt  }
0x6f: {  	_ =	shalt  }
0x70: {  	_ =	shalt  }
0x71: {  	_ =	shalt  }
0x72: {  	_ =	shalt  }
0x73: {  	_ =	shalt  }
0x74: {  	_ =	shalt  }
0x75: {  	_ =	shalt  }
0x76: {  	_ =	shalt  }
0x77: {  	_ =	shalt  }
0x78: {  	_ =	shalt  }
0x79: {  	_ =	shalt  }
0x7a: {  	_ =	shalt  }
0x7b: {  	_ =	shalt  }
0x7c: {  	_ =	shalt  }
0x7d: {  	_ =	shalt  }
0x7e: {  	_ =	shalt  }
0x7f: {  	_ =	shalt  }
0x80: {  	_ =	shalt  }
0x81: {  	_ =	shalt  }
0x82: {  	_ =	shalt  }
0x83: {  	_ =	shalt  }
0x84: {  	_ =	shalt  }
0x85: {  	_ =	shalt  }
0x86: {  	_ =	shalt  }
0x87: {  	_ =	shalt  }
.Lfunc_end0:
.L_simem_size_0:
called_computation.1_lowered:
.L_overlay_start_0:
0x88: {  	s2 =	sld [smem:$0x3FD9]  }
0x89: {  	s3 =	sld [smem:$0x3FFE];
	_ =	sdelay $0x1  }
0x8a: {  	s1 =	srdreg.scid  }
0x8b: {  	s0 =	sand.u32 $0x1, s1  }
0x8c: {  	s14 =	sshll.u32 s0, $0xA;
	s2 =	sadd.s32 s3, s2  }
0x8d: {  	s2 =	sadd.s32 s2, s14  }
0x8e: {  	[smem:$0x3FC0] =	sst s2  }
0x8f: {  	_ = 	snop  }
0x90: {  	s2 =	sld [smem:$0x3FD0];
	_ =	sdelay $0x2  }
0x91: {  	s15 =	simm.s32 $0xA;
	s4 =	simm.s32 $0x10  }
0x92: {  	[smem:s4], [sflag:s15] =	dma.local [hbm:s2], $0x1  }
0x93: {  	_ =	swait.eq [sflag:s15], $0x1  }
0x94: {  	[sflag:s15] =	ssyncset.done $0x0  }
0x95: {  	[sflag:s15] =	ssyncadd.s32 $0xFFFFFFFF  }
0x96: {  	s16 =	sld [smem:$0x10];
	(tm) =	ssettm $0x1  }
0x97: {  	s17 =	sld [smem:$0x3FFB];
	_ =	sdelay $0x3  }
0x98: {  	_ =	strace s17  }
0x99: {  	s3 =	sld [smem:$0x3FFC];
	_ =	sdelay $0x3  }
0x9a: {  	_ =	strace s3  }
0x9b: {  	s3 =	sld [smem:$0x3FFD];
	_ =	sdelay $0x3  }
0x9c: {  	_ =	strace s3  }
0x9d: {  	_ =	strace $0x8FFFFFFF  }
0x9e: {  	s18 =	sld [smem:$0x3FDB];
	_ =	sdelay $0x1  }
0x9f: {  	s19 =	simm.s32 $_scs_section_size  }
0xa0: {  	s5 =	simm.s32 $_size__tile_overlayer_lowered;
	s6 =	simm.s32 $_tile_overlayer_lowered  }
0xa1: {  	s22 =	simm.s32 $0x1BFF;
	s21 =	sshll.u32 s6, $0x1;
	s3 =	sadd.s32 s19, s18  }
0xa2: {  	s7 =	simm.s32 $0x0;
	s20 =	sshll.u32 s5, $0x1;
	s5 =	sadd.s32 s21, s3  }
0xa3: {  	[timem:s7], [sflag:s22] =	dma.local [hbm:s5], s20  }
0xa4: {  	_ =	swait.ge [sflag:s22], s20  }
0xa5: {  	s4 =	ssub.s32 $0x0, s20;
	[sflag:s22] =	ssyncset.done $0x0  }
0xa6: {  	[sflag:s22] =	ssyncadd.s32 s4;
	_ =	sdelay $0x1  }
0xa7: {  	s23 =	simm.s32 $0x1B8B  }
0xa8: {  	_ =	swait.ge [sflag:s23], $0x1  }
0xa9: {  	[sflag:s23] =	ssyncset.done $0x0  }
0xaa: {  	s25 =	simm.s32 $0x1B8E;
	s24 =	sld [smem:$0x3FFE];
	[sflag:s23] =	ssyncadd.s32 $0xFFFFFFFF  }
0xab: {  	s26 =	simm.s32 $execute0_lowered;
	[smem:$0x3FD2] =	sst s25  }
0xac: {  	s5 =	sshll.u32 s26, $0x1;
	_ =	strace $0x80000049;
	[dreg:$0x1] =	wrdreg $0xFFFFFFFF  }
0xad: {  	s28 =	simm.s32 $_size_execute0_lowered;
	s3 =	sadd.s32 s3, s5;
	[dreg:$0x0] =	wrdreg $0x0  }
0xae: {  	s5 =	sshll.u32 s28, $0x1;
	[dreg:$0x2] =	wrdreg s3  }
0xaf: {  	[dreg:$0x3] =	wrdreg s5  }
0xb0: {  	[dreg:$0x4] =	wrdreg $0xC0  }
0xb1: {  	_ =	task [dreg:s7], $0x5FFFF  }
0xb2: {  	[dreg:$0x1] =	wrdreg $0xFFFFFFFF  }
0xb3: {  	[dreg:$0x0] =	wrdreg $0x60  }
0xb4: {  	[dreg:$0x2] =	wrdreg s16  }
0xb5: {  	[dreg:$0x3] =	wrdreg s24  }
0xb6: {  	[dreg:$0x4] =	wrdreg $0x82000  }
0xb7: {  	[dreg:$0x5] =	wrdreg $0x9  }
0xb8: {  	_ =	task.clear_ibuf [dreg:s7], $0x6FFFF;
	_ =	strace $0x90000049  }
0xb9: {  	s29 =	simm.s32 $0x9;
	_ =	strace $0x8000004B  }
0xba: {  	_ =	swait.ge [sflag:s29], $0x1  }
0xbb: {  	[sflag:s29] =	ssyncadd.s32 $0xFFFFFFFF  }
0xbc: {  	_ =	strace $0x9000004B  }
0xbd: {  	_ =	sfence  }
0xbe: {  	s30 =	sld [smem:$0x0];
	_ =	sdelay $0x2  }
0xbf: {  	s31 =	sshll.u32 s1, $0xD;
	s1 =	sshrl.u32 s1, $0x2  }
0xc0: {  	s3 =	sand.u32 $0x4000, s31;
	s1 =	sadd.s32 s1, s30  }
0xc1: {  	s0 =	sor.u32 s3, s0;
	s1 =	sshll.u32 s1, $0x11  }
0xc2: {  	s0 =	sor.u32 s1, s0  }
0xc3: {  	s0 =	sadd.s32 $0x8F2B, s0  }
0xc4: {  	[sflag:s0] =	ssyncadd.remote.s32 $0x1  }
0xc5: {  	_ =	sfence.sel $0xFFFF  }
0xc6: {  	[dreg:$0x0] =	wrdreg $0xFFFFFFFF;
	(pc) =	sbr.abs _section_cstart, $3  }
0xc7: {  	[dreg:$0x1] =	wrdreg $0xFFFFFFFF  }
0xc8: {  	_ =	task.clear_ibuf [dreg:s7], $0x2FFFF;
	_ =	strace $0x9FFFFFFF  }
0xc9: {  	(tm) =	ssettm $0x7FFFFFFF  }
tec
execute0_lowered:
.L_overlay_start_1:
0x0: {  	(tag) =	ssettag $0x1  }
0x1: {  	s1 =	rddreg [dreg:$0x0]  }
0x2: {  	s5 =	rddreg [dreg:$0x1]  }
0x3: {  	s0 =	srdreg.scid;
	s3 =	rddreg [dreg:$0x2]  }
0x4: {  	s2 =	rddreg [dreg:$0x3];
	s4 =	simm.s32 $0x0;
	s13 =	simm.s32 $0x7  }
0x5: {  	s14 =	simm.s32 $0x100;
	s15 =	simm.s32 $0x80;
	s16 =	simm.s32 $0x180  }
0x6: {  	s17 =	simm.s32 $0x1;
	s18 =	simm.s32 $0x2;
	s6 =	sand.u32 $0x1, s0  }
0x7: {  	s19 =	simm.s32 $0x4200;
	s0 =	stileid.u32;
	s7 =	smul.u32 $0x28000, s6  }
0x8: {  	s20 =	simm.s32 $0x5;
	s21 =	simm.s32 $0x3;
	s8 =	smul.u32 $0x2800, s0  }
0x9: {  	s22 =	simm.s32 $0x6;
	s23 =	simm.s32 $0x4;
	s9 =	smul.u32 $0x140000, s6  }
0xa: {  	s24 =	simm.s32 $0x0;
	[smem:$0x7FF] =	sst s4;
	s25 =	smul.u32 $0x14000, s0  }
0xb: {  	_ =	strace $0x8000004A;
	s6 =	ssub.s32 $0x2, s6;
	s26 =	smul.u32 $0x50000, s0  }
0xc: {  	s29 =	sshrl.u32 s6, $0x1;
	s7 =	sadd.s32 s8, s7;
	s8 =	sadd.s32 s25, s9  }
0xd: {  	s30 =	sshrl.u32 s26, $0x2;
	s7 =	sshrl.u32 s7, $0x3;
	s28 =	sshrl.u32 s8, $0x3  }
0xe: {  	s8 =	ssub.s32 s6, s29;
	s11 =	sadd.s32 s7, s5;
	s7 =	sadd.s32 s28, s5  }
0xf: {  	s5 =	sadd.s32 s30, s3;
	s6 =	sadd.s32 $0x15800, s7;
	s7 =	smax.u32 s8, $0x1  }
0x10: {  	s8 =	sadd.s32 $0x4000, s5;
	s9 =	sadd.s32 $0x8000, s5;
	s12 =	sadd.s32 $0xB800, s11  }
0x11: {  	s10 =	sadd.s32 $0xC000, s5;
	s31 =	sadd.s32 $0x1800, s11;
	[dreg:$0x4] =	wrdreg s12  }
0x12: {  	v0 =	vimm.f32 $0.0e+00;
	s11 =	sadd.s32 $0x10000, s5;
	[dreg:$0x5] =	wrdreg s31;
	s12 =	simm.s32 $0x200  }
.LBB2_1:
0x13: {  	s25 =	simm.s32 $0x0;
	s26 =	simm.s32 $0x200  }
.LBB2_2:
0x14: {  	p0 =	sne.s32 s26, $0xFE00;
	[tilespmem:s25+$0x270] =	vst v0  }
0x15: {  	[tilespmem:s25+$0x200] =	vst v0  }
0x16: {  	[tilespmem:s25+$0x210] =	vst v0  }
.Ltmp0:
0x17: {  	[tilespmem:s25+$0x220] =	vst v0;
	(pc) =	sbr.rel @p0 .LBB2_2-.Ltmp0, $4  }
0x18: {  	[tilespmem:s25+$0x230] =	vst v0  }
0x19: {  	[tilespmem:s25+$0x240] =	vst v0  }
0x1a: {  	[tilespmem:s25+$0x250] =	vst v0  }
0x1b: {  	[tilespmem:s25+$0x260] =	vst v0;
	s25 =	sshra.s32 s26, $0x2;
	s26 =	sadd.s32 $0x200, s26  }
0x1c: {  	[tilespmem:s25+$0x270] =	vst v0  }
0x1d: {  	[tilespmem:s25+$0x200] =	vst v0  }
0x1e: {  	[tilespmem:s25+$0x210] =	vst v0  }
0x1f: {  	[tilespmem:s25+$0x220] =	vst v0  }
0x20: {  	[tilespmem:s25+$0x230] =	vst v0  }
0x21: {  	[tilespmem:s25+$0x240] =	vst v0  }
0x22: {  	[tilespmem:s25+$0x250] =	vst v0  }
0x23: {  	[tilespmem:s25+$0x260] =	vst v0  }
0x24: {  	[spmem:s5] =	stream.linear.scatter [tilespmem:s12], [sflag:$0x7], $0x4000, $0x38;
	[tilespmem:$0x1C200] =	vst v63  }
0x25: {  	_ =	swait.ge [sflag:s13], $0x4000  }
0x26: {  	[sflag:s13] =	ssyncset.done $0x0  }
0x27: {  	[sflag:s13] =	ssyncadd.s32 $0xFFFFC000  }
0x28: {  	[spmem:s8] =	stream.linear.scatter [tilespmem:s12], [sflag:$0x7], $0x4000, $0x38;
	[tilespmem:$0x1C200] =	vst v63  }
0x29: {  	_ =	swait.ge [sflag:s13], $0x4000  }
0x2a: {  	[sflag:s13] =	ssyncset.done $0x0  }
0x2b: {  	[sflag:s13] =	ssyncadd.s32 $0xFFFFC000  }
0x2c: {  	[spmem:s9] =	stream.linear.scatter [tilespmem:s12], [sflag:$0x7], $0x4000, $0x38;
	[tilespmem:$0x1C200] =	vst v63  }
0x2d: {  	_ =	swait.ge [sflag:s13], $0x4000  }
0x2e: {  	[sflag:s13] =	ssyncset.done $0x0  }
0x2f: {  	[sflag:s13] =	ssyncadd.s32 $0xFFFFC000  }
0x30: {  	[spmem:s10] =	stream.linear.scatter [tilespmem:s12], [sflag:$0x7], $0x4000, $0x38;
	[tilespmem:$0x1C200] =	vst v63  }
0x31: {  	_ =	swait.ge [sflag:s13], $0x4000  }
0x32: {  	[sflag:s13] =	ssyncset.done $0x0  }
0x33: {  	[sflag:s13] =	ssyncadd.s32 $0xFFFFC000  }
0x34: {  	[spmem:s11] =	stream.linear.scatter [tilespmem:s12], [sflag:$0x7], $0x4000, $0x38;
	[tilespmem:$0x1C200] =	vst v63  }
0x35: {  	_ =	swait.ge [sflag:s13], $0x4000  }
0x36: {  	[sflag:s13] =	ssyncset.done $0x0  }
0x37: {  	[sflag:s13] =	ssyncadd.s32 $0xFFFFC000  }
0x38: {  	[bflag:$0x0] =	sbarrier.arrive $0xFFFF  }
0x39: {  	s30 =	rddreg [dreg:$0x4]  }
0x3a: {  	s28 =	rddreg [dreg:$0x5];
	s26 =	sadd.s32 $0x0, s30  }
0x3b: {  	[tilespmem:s4], [sflag:$0x1] =	stream.linear.gather [hbm4b:s26+s4], $0x80, $0x38;
	[tilespmem:$0x1C200] =	vst v63  }
0x3c: {  	s25 =	sadd.s32 $0x0, s28  }
0x3d: {  	[tilespmem:s14], [sflag:$0x3] =	stream.linear.gather [hbm4b:s25+s4], $0x80, $0x38;
	[tilespmem:$0x1C200] =	vst v63  }
0x3e: {  	s31 =	sadd.s32 $0x10, s26  }
0x3f: {  	[tilespmem:s15], [sflag:$0x2] =	stream.linear.gather [hbm4b:s31+s4], $0x80, $0x38;
	[tilespmem:$0x1C200] =	vst v63  }
0x40: {  	s29 =	sadd.s32 $0x10, s25  }
0x41: {  	[tilespmem:s16], [sflag:$0x4] =	stream.linear.gather [hbm4b:s29+s4], $0x80, $0x38;
	[tilespmem:$0x1C200] =	vst v63  }
0x42: {  	_ =	swait.ge [sflag:s17], $0x80  }
0x43: {  	[sflag:s17] =	ssyncset.done $0x0  }
0x44: {  	[sflag:s17] =	ssyncadd.s32 $0xFFFFFF80  }
0x45: {  	[tilespmem:s12], [sflag:$0x5] =	stream.indirect.gather [hbm4b:s1+s15], $0x80, s4, s15, $0xb8;
	[tilespmem:$0x1C200] =	vst v63  }
0x46: {  	_ =	swait.ge [sflag:s18], $0x80  }
0x47: {  	[sflag:s18] =	ssyncset.done $0x0  }
0x48: {  	[sflag:s18] =	ssyncadd.s32 $0xFFFFFF80  }
0x49: {  	[tilespmem:s19], [sflag:$0x6] =	stream.indirect.gather [hbm4b:s1+s15], $0x80, s15, s15, $0xb8;
	[tilespmem:$0x1C200] =	vst v63  }
0x4a: {  	_ =	swait.ge [sflag:s20], $0x4000  }
0x4b: {  	[sflag:s20] =	ssyncset.done $0x0  }
0x4c: {  	s30 =	sadd.s32 $0x20, s26;
	[sflag:s20] =	ssyncadd.s32 $0xFFFFC000  }
0x4d: {  	[tilespmem:s4], [sflag:$0x1] =	stream.linear.gather [hbm4b:s30+s4], $0x80, $0x38;
	[tilespmem:$0x1C200] =	vst v63  }
0x4e: {  	_ =	swait.ge [sflag:s21], $0x80  }
0x4f: {  	[sflag:s21] =	ssyncset.done $0x0  }
0x50: {  	[sflag:s21] =	ssyncadd.s32 $0xFFFFFF80  }
0x51: {  	[spmem:s3] =	stream.indirect.scatter.add.f32 [tilespmem:s12], [sflag:$0x7], $0x80, s14, s15, $0xb8;
	[tilespmem:$0x1C200] =	vst v63  }
0x52: {  	_ =	swait.ge [sflag:s13], $0x4000  }
0x53: {  	[sflag:s13] =	ssyncset.done $0x0  }
0x54: {  	s31 =	sadd.s32 $0x20, s25;
	[sflag:s13] =	ssyncadd.s32 $0xFFFFC000  }
0x55: {  	[tilespmem:s14], [sflag:$0x3] =	stream.linear.gather [hbm4b:s31+s4], $0x80, $0x38;
	[tilespmem:$0x1C200] =	vst v63  }
0x56: {  	_ =	swait.ge [sflag:s17], $0x80  }
0x57: {  	[sflag:s17] =	ssyncset.done $0x0  }
0x58: {  	[sflag:s17] =	ssyncadd.s32 $0xFFFFFF80  }
0x59: {  	[tilespmem:s12], [sflag:$0x5] =	stream.indirect.gather [hbm4b:s1+s15], $0x80, s4, s15, $0xb8;
	[tilespmem:$0x1C200] =	vst v63  }
0x5a: {  	_ =	swait.ge [sflag:s22], $0x4000  }
0x5b: {  	[sflag:s22] =	ssyncset.done $0x0  }
0x5c: {  	s29 =	sadd.s32 $0x30, s26;
	[sflag:s22] =	ssyncadd.s32 $0xFFFFC000  }
0x5d: {  	[tilespmem:s15], [sflag:$0x2] =	stream.linear.gather [hbm4b:s29+s4], $0x80, $0x38;
	[tilespmem:$0x1C200] =	vst v63  }
0x5e: {  	_ =	swait.ge [sflag:s23], $0x80  }
0x5f: {  	[sflag:s23] =	ssyncset.done $0x0  }
0x60: {  	[sflag:s23] =	ssyncadd.s32 $0xFFFFFF80  }
0x61: {  	[spmem:s3] =	stream.indirect.scatter.add.f32 [tilespmem:s19], [sflag:$0x7], $0x80, s16, s15, $0xb8;
	[tilespmem:$0x1C200] =	vst v63  }
0x62: {  	_ =	swait.ge [sflag:s13], $0x4000  }
0x63: {  	[sflag:s13] =	ssyncset.done $0x0  }
0x64: {  	s30 =	sadd.s32 $0x30, s25;
	[sflag:s13] =	ssyncadd.s32 $0xFFFFC000  }
0x65: {  	[tilespmem:s16], [sflag:$0x4] =	stream.linear.gather [hbm4b:s30+s4], $0x80, $0x38;
	[tilespmem:$0x1C200] =	vst v63  }
0x66: {  	_ =	swait.ge [sflag:s18], $0x80  }
0x67: {  	[sflag:s18] =	ssyncset.done $0x0  }
0x68: {  	[sflag:s18] =	ssyncadd.s32 $0xFFFFFF80  }
0x69: {  	[tilespmem:s19], [sflag:$0x6] =	stream.indirect.gather [hbm4b:s1+s15], $0x80, s15, s15, $0xb8;
	[tilespmem:$0x1C200] =	vst v63  }
0x6a: {  	_ =	swait.ge [sflag:s20], $0x4000  }
0x6b: {  	[sflag:s20] =	ssyncset.done $0x0  }
0x6c: {  	s31 =	sadd.s32 $0x40, s26;
	[sflag:s20] =	ssyncadd.s32 $0xFFFFC000  }
0x6d: {  	[tilespmem:s4], [sflag:$0x1] =	stream.linear.gather [hbm4b:s31+s4], $0x80, $0x38;
	[tilespmem:$0x1C200] =	vst v63  }
0x6e: {  	_ =	swait.ge [sflag:s21], $0x80  }
0x6f: {  	[sflag:s21] =	ssyncset.done $0x0  }
0x70: {  	[sflag:s21] =	ssyncadd.s32 $0xFFFFFF80  }
0x71: {  	[spmem:s3] =	stream.indirect.scatter.add.f32 [tilespmem:s12], [sflag:$0x7], $0x80, s14, s15, $0xb8;
	[tilespmem:$0x1C200] =	vst v63  }
0x72: {  	_ =	swait.ge [sflag:s13], $0x4000  }
0x73: {  	[sflag:s13] =	ssyncset.done $0x0  }
0x74: {  	s29 =	sadd.s32 $0x40, s25;
	[sflag:s13] =	ssyncadd.s32 $0xFFFFC000  }
0x75: {  	[tilespmem:s14], [sflag:$0x3] =	stream.linear.gather [hbm4b:s29+s4], $0x80, $0x38;
	[tilespmem:$0x1C200] =	vst v63  }
0x76: {  	_ =	swait.ge [sflag:s17], $0x80  }
0x77: {  	[sflag:s17] =	ssyncset.done $0x0  }
0x78: {  	[sflag:s17] =	ssyncadd.s32 $0xFFFFFF80  }
0x79: {  	[tilespmem:s12], [sflag:$0x5] =	stream.indirect.gather [hbm4b:s1+s15], $0x80, s4, s15, $0xb8;
	[tilespmem:$0x1C200] =	vst v63  }
0x7a: {  	_ =	swait.ge [sflag:s22], $0x4000  }
0x7b: {  	[sflag:s22] =	ssyncset.done $0x0  }
0x7c: {  	s30 =	sadd.s32 $0x50, s26;
	[sflag:s22] =	ssyncadd.s32 $0xFFFFC000  }
0x7d: {  	[tilespmem:s15], [sflag:$0x2] =	stream.linear.gather [hbm4b:s30+s4], $0x80, $0x38;
	[tilespmem:$0x1C200] =	vst v63  }
0x7e: {  	_ =	swait.ge [sflag:s23], $0x80  }
0x7f: {  	[sflag:s23] =	ssyncset.done $0x0  }
0x80: {  	[sflag:s23] =	ssyncadd.s32 $0xFFFFFF80  }
0x81: {  	[spmem:s3] =	stream.indirect.scatter.add.f32 [tilespmem:s19], [sflag:$0x7], $0x80, s16, s15, $0xb8;
	[tilespmem:$0x1C200] =	vst v63  }
0x82: {  	_ =	swait.ge [sflag:s13], $0x4000  }
0x83: {  	[sflag:s13] =	ssyncset.done $0x0  }
0x84: {  	s31 =	sadd.s32 $0x50, s25;
	[sflag:s13] =	ssyncadd.s32 $0xFFFFC000  }
0x85: {  	[tilespmem:s16], [sflag:$0x4] =	stream.linear.gather [hbm4b:s31+s4], $0x80, $0x38;
	[tilespmem:$0x1C200] =	vst v63  }
0x86: {  	_ =	swait.ge [sflag:s18], $0x80  }
0x87: {  	[sflag:s18] =	ssyncset.done $0x0  }
0x88: {  	[sflag:s18] =	ssyncadd.s32 $0xFFFFFF80  }
0x89: {  	[tilespmem:s19], [sflag:$0x6] =	stream.indirect.gather [hbm4b:s1+s15], $0x80, s15, s15, $0xb8;
	[tilespmem:$0x1C200] =	vst v63  }
0x8a: {  	_ =	swait.ge [sflag:s20], $0x4000  }
0x8b: {  	[sflag:s20] =	ssyncset.done $0x0  }
0x8c: {  	s29 =	sadd.s32 $0x60, s26;
	[sflag:s20] =	ssyncadd.s32 $0xFFFFC000  }
0x8d: {  	[tilespmem:s4], [sflag:$0x1] =	stream.linear.gather [hbm4b:s29+s4], $0x80, $0x38;
	[tilespmem:$0x1C200] =	vst v63  }
0x8e: {  	_ =	swait.ge [sflag:s21], $0x80  }
0x8f: {  	[sflag:s21] =	ssyncset.done $0x0  }
0x90: {  	[sflag:s21] =	ssyncadd.s32 $0xFFFFFF80  }
0x91: {  	[spmem:s3] =	stream.indirect.scatter.add.f32 [tilespmem:s12], [sflag:$0x7], $0x80, s14, s15, $0xb8;
	[tilespmem:$0x1C200] =	vst v63  }
0x92: {  	_ =	swait.ge [sflag:s13], $0x4000  }
0x93: {  	[sflag:s13] =	ssyncset.done $0x0  }
0x94: {  	s30 =	sadd.s32 $0x60, s25;
	[sflag:s13] =	ssyncadd.s32 $0xFFFFC000  }
0x95: {  	[tilespmem:s14], [sflag:$0x3] =	stream.linear.gather [hbm4b:s30+s4], $0x80, $0x38;
	[tilespmem:$0x1C200] =	vst v63  }
0x96: {  	_ =	swait.ge [sflag:s17], $0x80  }
0x97: {  	[sflag:s17] =	ssyncset.done $0x0  }
0x98: {  	[sflag:s17] =	ssyncadd.s32 $0xFFFFFF80  }
0x99: {  	[tilespmem:s12], [sflag:$0x5] =	stream.indirect.gather [hbm4b:s1+s15], $0x80, s4, s15, $0xb8;
	[tilespmem:$0x1C200] =	vst v63  }
0x9a: {  	_ =	swait.ge [sflag:s22], $0x4000  }
0x9b: {  	[sflag:s22] =	ssyncset.done $0x0  }
0x9c: {  	s31 =	sadd.s32 $0x70, s26;
	[sflag:s22] =	ssyncadd.s32 $0xFFFFC000  }
0x9d: {  	[tilespmem:s15], [sflag:$0x2] =	stream.linear.gather [hbm4b:s31+s4], $0x80, $0x38;
	[tilespmem:$0x1C200] =	vst v63  }
0x9e: {  	_ =	swait.ge [sflag:s23], $0x80  }
0x9f: {  	[sflag:s23] =	ssyncset.done $0x0  }
0xa0: {  	[sflag:s23] =	ssyncadd.s32 $0xFFFFFF80  }
0xa1: {  	[spmem:s3] =	stream.indirect.scatter.add.f32 [tilespmem:s19], [sflag:$0x7], $0x80, s16, s15, $0xb8;
	[tilespmem:$0x1C200] =	vst v63  }
0xa2: {  	_ =	swait.ge [sflag:s13], $0x4000  }
0xa3: {  	[sflag:s13] =	ssyncset.done $0x0  }
0xa4: {  	s29 =	sadd.s32 $0x70, s25;
	[sflag:s13] =	ssyncadd.s32 $0xFFFFC000  }
0xa5: {  	[tilespmem:s16], [sflag:$0x4] =	stream.linear.gather [hbm4b:s29+s4], $0x80, $0x38;
	[tilespmem:$0x1C200] =	vst v63  }
0xa6: {  	_ =	swait.ge [sflag:s18], $0x80  }
0xa7: {  	[sflag:s18] =	ssyncset.done $0x0  }
0xa8: {  	[sflag:s18] =	ssyncadd.s32 $0xFFFFFF80  }
0xa9: {  	[tilespmem:s19], [sflag:$0x6] =	stream.indirect.gather [hbm4b:s1+s15], $0x80, s15, s15, $0xb8;
	[tilespmem:$0x1C200] =	vst v63  }
0xaa: {  	_ =	swait.ge [sflag:s20], $0x4000  }
0xab: {  	[sflag:s20] =	ssyncset.done $0x0  }
0xac: {  	s30 =	sadd.s32 $0x80, s26;
	[sflag:s20] =	ssyncadd.s32 $0xFFFFC000  }
0xad: {  	[tilespmem:s4], [sflag:$0x1] =	stream.linear.gather [hbm4b:s30+s4], $0x80, $0x38;
	[tilespmem:$0x1C200] =	vst v63  }
0xae: {  	_ =	swait.ge [sflag:s21], $0x80  }
0xaf: {  	[sflag:s21] =	ssyncset.done $0x0  }
0xb0: {  	[sflag:s21] =	ssyncadd.s32 $0xFFFFFF80  }
0xb1: {  	[spmem:s3] =	stream.indirect.scatter.add.f32 [tilespmem:s12], [sflag:$0x7], $0x80, s14, s15, $0xb8;
	[tilespmem:$0x1C200] =	vst v63  }
0xb2: {  	_ =	swait.ge [sflag:s13], $0x4000  }
0xb3: {  	[sflag:s13] =	ssyncset.done $0x0  }
0xb4: {  	s31 =	sadd.s32 $0x80, s25;
	[sflag:s13] =	ssyncadd.s32 $0xFFFFC000  }
0xb5: {  	[tilespmem:s14], [sflag:$0x3] =	stream.linear.gather [hbm4b:s31+s4], $0x80, $0x38;
	[tilespmem:$0x1C200] =	vst v63  }
0xb6: {  	_ =	swait.ge [sflag:s17], $0x80  }
0xb7: {  	[sflag:s17] =	ssyncset.done $0x0  }
0xb8: {  	[sflag:s17] =	ssyncadd.s32 $0xFFFFFF80  }
0xb9: {  	[tilespmem:s12], [sflag:$0x5] =	stream.indirect.gather [hbm4b:s1+s15], $0x80, s4, s15, $0xb8;
	[tilespmem:$0x1C200] =	vst v63  }
0xba: {  	_ =	swait.ge [sflag:s22], $0x4000  }
0xbb: {  	[sflag:s22] =	ssyncset.done $0x0  }
0xbc: {  	s29 =	sadd.s32 $0x90, s26;
	[sflag:s22] =	ssyncadd.s32 $0xFFFFC000  }
0xbd: {  	[tilespmem:s15], [sflag:$0x2] =	stream.linear.gather [hbm4b:s29+s4], $0x80, $0x38;
	[tilespmem:$0x1C200] =	vst v63  }
0xbe: {  	_ =	swait.ge [sflag:s23], $0x80  }
0xbf: {  	[sflag:s23] =	ssyncset.done $0x0  }
0xc0: {  	[sflag:s23] =	ssyncadd.s32 $0xFFFFFF80  }
0xc1: {  	[spmem:s3] =	stream.indirect.scatter.add.f32 [tilespmem:s19], [sflag:$0x7], $0x80, s16, s15, $0xb8;
	[tilespmem:$0x1C200] =	vst v63  }
0xc2: {  	_ =	swait.ge [sflag:s13], $0x4000  }
0xc3: {  	[sflag:s13] =	ssyncset.done $0x0  }
0xc4: {  	s30 =	sadd.s32 $0x90, s25;
	[sflag:s13] =	ssyncadd.s32 $0xFFFFC000  }
0xc5: {  	[tilespmem:s16], [sflag:$0x4] =	stream.linear.gather [hbm4b:s30+s4], $0x80, $0x38;
	[tilespmem:$0x1C200] =	vst v63  }
0xc6: {  	_ =	swait.ge [sflag:s18], $0x80  }
0xc7: {  	[sflag:s18] =	ssyncset.done $0x0  }
0xc8: {  	[sflag:s18] =	ssyncadd.s32 $0xFFFFFF80  }
0xc9: {  	[tilespmem:s19], [sflag:$0x6] =	stream.indirect.gather [hbm4b:s1+s15], $0x80, s15, s15, $0xb8;
	[tilespmem:$0x1C200] =	vst v63  }
0xca: {  	_ =	swait.ge [sflag:s20], $0x4000  }
0xcb: {  	[sflag:s20] =	ssyncset.done $0x0  }
0xcc: {  	s31 =	sadd.s32 $0xA0, s26;
	[sflag:s20] =	ssyncadd.s32 $0xFFFFC000  }
0xcd: {  	[tilespmem:s4], [sflag:$0x1] =	stream.linear.gather [hbm4b:s31+s4], $0x80, $0x38;
	[tilespmem:$0x1C200] =	vst v63  }
0xce: {  	_ =	swait.ge [sflag:s21], $0x80  }
0xcf: {  	[sflag:s21] =	ssyncset.done $0x0  }
0xd0: {  	[sflag:s21] =	ssyncadd.s32 $0xFFFFFF80  }
0xd1: {  	[spmem:s3] =	stream.indirect.scatter.add.f32 [tilespmem:s12], [sflag:$0x7], $0x80, s14, s15, $0xb8;
	[tilespmem:$0x1C200] =	vst v63  }
0xd2: {  	_ =	swait.ge [sflag:s13], $0x4000  }
0xd3: {  	[sflag:s13] =	ssyncset.done $0x0  }
0xd4: {  	s29 =	sadd.s32 $0xA0, s25;
	[sflag:s13] =	ssyncadd.s32 $0xFFFFC000  }
0xd5: {  	[tilespmem:s14], [sflag:$0x3] =	stream.linear.gather [hbm4b:s29+s4], $0x80, $0x38;
	[tilespmem:$0x1C200] =	vst v63  }
0xd6: {  	_ =	swait.ge [sflag:s17], $0x80  }
0xd7: {  	[sflag:s17] =	ssyncset.done $0x0  }
0xd8: {  	[sflag:s17] =	ssyncadd.s32 $0xFFFFFF80  }
0xd9: {  	[tilespmem:s12], [sflag:$0x5] =	stream.indirect.gather [hbm4b:s1+s15], $0x80, s4, s15, $0xb8;
	[tilespmem:$0x1C200] =	vst v63  }
0xda: {  	_ =	swait.ge [sflag:s22], $0x4000  }
0xdb: {  	[sflag:s22] =	ssyncset.done $0x0  }
0xdc: {  	s30 =	sadd.s32 $0xB0, s26;
	[sflag:s22] =	ssyncadd.s32 $0xFFFFC000  }
0xdd: {  	[tilespmem:s15], [sflag:$0x2] =	stream.linear.gather [hbm4b:s30+s4], $0x80, $0x38;
	[tilespmem:$0x1C200] =	vst v63  }
0xde: {  	_ =	swait.ge [sflag:s23], $0x80  }
0xdf: {  	[sflag:s23] =	ssyncset.done $0x0  }
0xe0: {  	[sflag:s23] =	ssyncadd.s32 $0xFFFFFF80  }
0xe1: {  	[spmem:s3] =	stream.indirect.scatter.add.f32 [tilespmem:s19], [sflag:$0x7], $0x80, s16, s15, $0xb8;
	[tilespmem:$0x1C200] =	vst v63  }
0xe2: {  	_ =	swait.ge [sflag:s13], $0x4000  }
0xe3: {  	[sflag:s13] =	ssyncset.done $0x0  }
0xe4: {  	s31 =	sadd.s32 $0xB0, s25;
	[sflag:s13] =	ssyncadd.s32 $0xFFFFC000  }
0xe5: {  	[tilespmem:s16], [sflag:$0x4] =	stream.linear.gather [hbm4b:s31+s4], $0x80, $0x38;
	[tilespmem:$0x1C200] =	vst v63  }
0xe6: {  	_ =	swait.ge [sflag:s18], $0x80  }
0xe7: {  	[sflag:s18] =	ssyncset.done $0x0  }
0xe8: {  	[sflag:s18] =	ssyncadd.s32 $0xFFFFFF80  }
0xe9: {  	[tilespmem:s19], [sflag:$0x6] =	stream.indirect.gather [hbm4b:s1+s15], $0x80, s15, s15, $0xb8;
	[tilespmem:$0x1C200] =	vst v63  }
0xea: {  	_ =	swait.ge [sflag:s20], $0x4000  }
0xeb: {  	[sflag:s20] =	ssyncset.done $0x0  }
0xec: {  	s29 =	sadd.s32 $0xC0, s26;
	[sflag:s20] =	ssyncadd.s32 $0xFFFFC000  }
0xed: {  	[tilespmem:s4], [sflag:$0x1] =	stream.linear.gather [hbm4b:s29+s4], $0x80, $0x38;
	[tilespmem:$0x1C200] =	vst v63  }
0xee: {  	_ =	swait.ge [sflag:s21], $0x80  }
0xef: {  	[sflag:s21] =	ssyncset.done $0x0  }
0xf0: {  	[sflag:s21] =	ssyncadd.s32 $0xFFFFFF80  }
0xf1: {  	[spmem:s3] =	stream.indirect.scatter.add.f32 [tilespmem:s12], [sflag:$0x7], $0x80, s14, s15, $0xb8;
	[tilespmem:$0x1C200] =	vst v63  }
0xf2: {  	_ =	swait.ge [sflag:s13], $0x4000  }
0xf3: {  	[sflag:s13] =	ssyncset.done $0x0  }
0xf4: {  	s30 =	sadd.s32 $0xC0, s25;
	[sflag:s13] =	ssyncadd.s32 $0xFFFFC000  }
0xf5: {  	[tilespmem:s14], [sflag:$0x3] =	stream.linear.gather [hbm4b:s30+s4], $0x80, $0x38;
	[tilespmem:$0x1C200] =	vst v63  }
0xf6: {  	_ =	swait.ge [sflag:s17], $0x80  }
0xf7: {  	[sflag:s17] =	ssyncset.done $0x0  }
0xf8: {  	[sflag:s17] =	ssyncadd.s32 $0xFFFFFF80  }
0xf9: {  	[tilespmem:s12], [sflag:$0x5] =	stream.indirect.gather [hbm4b:s1+s15], $0x80, s4, s15, $0xb8;
	[tilespmem:$0x1C200] =	vst v63  }
0xfa: {  	_ =	swait.ge [sflag:s22], $0x4000  }
0xfb: {  	[sflag:s22] =	ssyncset.done $0x0  }
0xfc: {  	s31 =	sadd.s32 $0xD0, s26;
	[sflag:s22] =	ssyncadd.s32 $0xFFFFC000  }
0xfd: {  	[tilespmem:s15], [sflag:$0x2] =	stream.linear.gather [hbm4b:s31+s4], $0x80, $0x38;
	[tilespmem:$0x1C200] =	vst v63  }
0xfe: {  	_ =	swait.ge [sflag:s23], $0x80  }
0xff: {  	[sflag:s23] =	ssyncset.done $0x0  }
0x100: {  	[sflag:s23] =	ssyncadd.s32 $0xFFFFFF80  }
0x101: {  	[spmem:s3] =	stream.indirect.scatter.add.f32 [tilespmem:s19], [sflag:$0x7], $0x80, s16, s15, $0xb8;
	[tilespmem:$0x1C200] =	vst v63  }
0x102: {  	_ =	swait.ge [sflag:s13], $0x4000  }
0x103: {  	[sflag:s13] =	ssyncset.done $0x0  }
0x104: {  	s29 =	sadd.s32 $0xD0, s25;
	[sflag:s13] =	ssyncadd.s32 $0xFFFFC000  }
0x105: {  	[tilespmem:s16], [sflag:$0x4] =	stream.linear.gather [hbm4b:s29+s4], $0x80, $0x38;
	[tilespmem:$0x1C200] =	vst v63  }
0x106: {  	_ =	swait.ge [sflag:s18], $0x80  }
0x107: {  	[sflag:s18] =	ssyncset.done $0x0  }
0x108: {  	[sflag:s18] =	ssyncadd.s32 $0xFFFFFF80  }
0x109: {  	[tilespmem:s19], [sflag:$0x6] =	stream.indirect.gather [hbm4b:s1+s15], $0x80, s15, s15, $0xb8;
	[tilespmem:$0x1C200] =	vst v63  }
0x10a: {  	_ =	swait.ge [sflag:s20], $0x4000  }
0x10b: {  	[sflag:s20] =	ssyncset.done $0x0  }
0x10c: {  	s30 =	sadd.s32 $0xE0, s26;
	[sflag:s20] =	ssyncadd.s32 $0xFFFFC000  }
0x10d: {  	[tilespmem:s4], [sflag:$0x1] =	stream.linear.gather [hbm4b:s30+s4], $0x80, $0x38;
	[tilespmem:$0x1C200] =	vst v63  }
0x10e: {  	_ =	swait.ge [sflag:s21], $0x80  }
0x10f: {  	[sflag:s21] =	ssyncset.done $0x0  }
0x110: {  	[sflag:s21] =	ssyncadd.s32 $0xFFFFFF80  }
0x111: {  	[spmem:s3] =	stream.indirect.scatter.add.f32 [tilespmem:s12], [sflag:$0x7], $0x80, s14, s15, $0xb8;
	[tilespmem:$0x1C200] =	vst v63  }
0x112: {  	_ =	swait.ge [sflag:s13], $0x4000  }
0x113: {  	[sflag:s13] =	ssyncset.done $0x0  }
0x114: {  	s31 =	sadd.s32 $0xE0, s25;
	[sflag:s13] =	ssyncadd.s32 $0xFFFFC000  }
0x115: {  	[tilespmem:s14], [sflag:$0x3] =	stream.linear.gather [hbm4b:s31+s4], $0x80, $0x38;
	[tilespmem:$0x1C200] =	vst v63  }
0x116: {  	_ =	swait.ge [sflag:s17], $0x80  }
0x117: {  	[sflag:s17] =	ssyncset.done $0x0  }
0x118: {  	[sflag:s17] =	ssyncadd.s32 $0xFFFFFF80  }
0x119: {  	[tilespmem:s12], [sflag:$0x5] =	stream.indirect.gather [hbm4b:s1+s15], $0x80, s4, s15, $0xb8;
	[tilespmem:$0x1C200] =	vst v63  }
0x11a: {  	_ =	swait.ge [sflag:s22], $0x4000  }
0x11b: {  	[sflag:s22] =	ssyncset.done $0x0  }
0x11c: {  	s26 =	sadd.s32 $0xF0, s26;
	[sflag:s22] =	ssyncadd.s32 $0xFFFFC000  }
0x11d: {  	[tilespmem:s15], [sflag:$0x2] =	stream.linear.gather [hbm4b:s26+s4], $0x80, $0x38;
	[tilespmem:$0x1C200] =	vst v63  }
0x11e: {  	_ =	swait.ge [sflag:s23], $0x80  }
0x11f: {  	[sflag:s23] =	ssyncset.done $0x0  }
0x120: {  	[sflag:s23] =	ssyncadd.s32 $0xFFFFFF80  }
0x121: {  	[spmem:s3] =	stream.indirect.scatter.add.f32 [tilespmem:s19], [sflag:$0x7], $0x80, s16, s15, $0xb8;
	[tilespmem:$0x1C200] =	vst v63  }
0x122: {  	_ =	swait.ge [sflag:s13], $0x4000  }
0x123: {  	[sflag:s13] =	ssyncset.done $0x0  }
0x124: {  	s25 =	sadd.s32 $0xF0, s25;
	[sflag:s13] =	ssyncadd.s32 $0xFFFFC000  }
0x125: {  	[tilespmem:s16], [sflag:$0x4] =	stream.linear.gather [hbm4b:s25+s4], $0x80, $0x38;
	[tilespmem:$0x1C200] =	vst v63  }
0x126: {  	_ =	swait.ge [sflag:s18], $0x80  }
0x127: {  	[sflag:s18] =	ssyncset.done $0x0  }
0x128: {  	[sflag:s18] =	ssyncadd.s32 $0xFFFFFF80  }
0x129: {  	[tilespmem:s19], [sflag:$0x6] =	stream.indirect.gather [hbm4b:s1+s15], $0x80, s15, s15, $0xb8;
	[tilespmem:$0x1C200] =	vst v63  }
0x12a: {  	_ =	swait.ge [sflag:s20], $0x4000  }
0x12b: {  	[sflag:s20] =	ssyncset.done $0x0  }
0x12c: {  	[sflag:s20] =	ssyncadd.s32 $0xFFFFC000  }
0x12d: {  	_ =	swait.ge [sflag:s21], $0x80  }
0x12e: {  	[sflag:s21] =	ssyncset.done $0x0  }
0x12f: {  	[sflag:s21] =	ssyncadd.s32 $0xFFFFFF80  }
0x130: {  	[spmem:s3] =	stream.indirect.scatter.add.f32 [tilespmem:s12], [sflag:$0x7], $0x80, s14, s15, $0xb8;
	[tilespmem:$0x1C200] =	vst v63  }
0x131: {  	_ =	swait.ge [sflag:s13], $0x4000  }
0x132: {  	[sflag:s13] =	ssyncset.done $0x0  }
0x133: {  	[sflag:s13] =	ssyncadd.s32 $0xFFFFC000  }
0x134: {  	_ =	swait.ge [sflag:s22], $0x4000  }
0x135: {  	[sflag:s22] =	ssyncset.done $0x0  }
0x136: {  	[sflag:s22] =	ssyncadd.s32 $0xFFFFC000  }
0x137: {  	_ =	swait.ge [sflag:s23], $0x80  }
0x138: {  	[sflag:s23] =	ssyncset.done $0x0  }
0x139: {  	[sflag:s23] =	ssyncadd.s32 $0xFFFFFF80  }
0x13a: {  	[spmem:s3] =	stream.indirect.scatter.add.f32 [tilespmem:s19], [sflag:$0x7], $0x80, s16, s15, $0xb8;
	[tilespmem:$0x1C200] =	vst v63  }
0x13b: {  	s25 =	simm.s32 $0x100;
	_ =	swait.ge [sflag:s13], $0x4000  }
.LBB2_4:
0x13c: {  	s26 =	rddreg [dreg:$0x4];
	s29 =	smov.u32 s25;
	[sflag:s13] =	ssyncset.done $0x0  }
0x13d: {  	s30 =	rddreg [dreg:$0x5];
	s28 =	sadd.s32 s29, s26;
	[sflag:s13] =	ssyncadd.s32 $0xFFFFC000  }
0x13e: {  	[tilespmem:s4], [sflag:$0x1] =	stream.linear.gather [hbm4b:s28+s4], $0x80, $0x38;
	[tilespmem:$0x1C200] =	vst v63  }
0x13f: {  	s26 =	sadd.s32 s29, s30  }
0x140: {  	[tilespmem:s14], [sflag:$0x3] =	stream.linear.gather [hbm4b:s26+s4], $0x80, $0x38;
	[tilespmem:$0x1C200] =	vst v63  }
0x141: {  	s30 =	sadd.s32 $0x10, s28  }
0x142: {  	[tilespmem:s15], [sflag:$0x2] =	stream.linear.gather [hbm4b:s30+s4], $0x80, $0x38;
	[tilespmem:$0x1C200] =	vst v63  }
0x143: {  	s31 =	sadd.s32 $0x10, s26  }
0x144: {  	[tilespmem:s16], [sflag:$0x4] =	stream.linear.gather [hbm4b:s31+s4], $0x80, $0x38;
	[tilespmem:$0x1C200] =	vst v63  }
0x145: {  	_ =	swait.ge [sflag:s17], $0x80  }
0x146: {  	[sflag:s17] =	ssyncset.done $0x0  }
0x147: {  	[sflag:s17] =	ssyncadd.s32 $0xFFFFFF80  }
0x148: {  	[tilespmem:s12], [sflag:$0x5] =	stream.indirect.gather [hbm4b:s1+s15], $0x80, s4, s15, $0xb8;
	[tilespmem:$0x1C200] =	vst v63  }
0x149: {  	_ =	swait.ge [sflag:s18], $0x80  }
0x14a: {  	[sflag:s18] =	ssyncset.done $0x0  }
0x14b: {  	[sflag:s18] =	ssyncadd.s32 $0xFFFFFF80  }
0x14c: {  	[tilespmem:s19], [sflag:$0x6] =	stream.indirect.gather [hbm4b:s1+s15], $0x80, s15, s15, $0xb8;
	[tilespmem:$0x1C200] =	vst v63  }
0x14d: {  	_ =	swait.ge [sflag:s20], $0x4000  }
0x14e: {  	[sflag:s20] =	ssyncset.done $0x0  }
0x14f: {  	s30 =	sadd.s32 $0x20, s28;
	[sflag:s20] =	ssyncadd.s32 $0xFFFFC000  }
0x150: {  	[tilespmem:s4], [sflag:$0x1] =	stream.linear.gather [hbm4b:s30+s4], $0x80, $0x38;
	[tilespmem:$0x1C200] =	vst v63  }
0x151: {  	_ =	swait.ge [sflag:s21], $0x80  }
0x152: {  	[sflag:s21] =	ssyncset.done $0x0  }
0x153: {  	[sflag:s21] =	ssyncadd.s32 $0xFFFFFF80  }
0x154: {  	[spmem:s3] =	stream.indirect.scatter.add.f32 [tilespmem:s12], [sflag:$0x7], $0x80, s14, s15, $0xb8;
	[tilespmem:$0x1C200] =	vst v63  }
0x155: {  	_ =	swait.ge [sflag:s13], $0x4000  }
0x156: {  	[sflag:s13] =	ssyncset.done $0x0  }
0x157: {  	s31 =	sadd.s32 $0x20, s26;
	[sflag:s13] =	ssyncadd.s32 $0xFFFFC000  }
0x158: {  	[tilespmem:s14], [sflag:$0x3] =	stream.linear.gather [hbm4b:s31+s4], $0x80, $0x38;
	[tilespmem:$0x1C200] =	vst v63  }
0x159: {  	_ =	swait.ge [sflag:s17], $0x80  }
0x15a: {  	[sflag:s17] =	ssyncset.done $0x0  }
0x15b: {  	[sflag:s17] =	ssyncadd.s32 $0xFFFFFF80  }
0x15c: {  	[tilespmem:s12], [sflag:$0x5] =	stream.indirect.gather [hbm4b:s1+s15], $0x80, s4, s15, $0xb8;
	[tilespmem:$0x1C200] =	vst v63  }
0x15d: {  	_ =	swait.ge [sflag:s22], $0x4000  }
0x15e: {  	[sflag:s22] =	ssyncset.done $0x0  }
0x15f: {  	s30 =	sadd.s32 $0x30, s28;
	[sflag:s22] =	ssyncadd.s32 $0xFFFFC000  }
0x160: {  	[tilespmem:s15], [sflag:$0x2] =	stream.linear.gather [hbm4b:s30+s4], $0x80, $0x38;
	[tilespmem:$0x1C200] =	vst v63  }
0x161: {  	_ =	swait.ge [sflag:s23], $0x80  }
0x162: {  	[sflag:s23] =	ssyncset.done $0x0  }
0x163: {  	[sflag:s23] =	ssyncadd.s32 $0xFFFFFF80  }
0x164: {  	[spmem:s3] =	stream.indirect.scatter.add.f32 [tilespmem:s19], [sflag:$0x7], $0x80, s16, s15, $0xb8;
	[tilespmem:$0x1C200] =	vst v63  }
0x165: {  	_ =	swait.ge [sflag:s13], $0x4000  }
0x166: {  	[sflag:s13] =	ssyncset.done $0x0  }
0x167: {  	s31 =	sadd.s32 $0x30, s26;
	[sflag:s13] =	ssyncadd.s32 $0xFFFFC000  }
0x168: {  	[tilespmem:s16], [sflag:$0x4] =	stream.linear.gather [hbm4b:s31+s4], $0x80, $0x38;
	[tilespmem:$0x1C200] =	vst v63  }
0x169: {  	_ =	swait.ge [sflag:s18], $0x80  }
0x16a: {  	[sflag:s18] =	ssyncset.done $0x0  }
0x16b: {  	[sflag:s18] =	ssyncadd.s32 $0xFFFFFF80  }
0x16c: {  	[tilespmem:s19], [sflag:$0x6] =	stream.indirect.gather [hbm4b:s1+s15], $0x80, s15, s15, $0xb8;
	[tilespmem:$0x1C200] =	vst v63  }
0x16d: {  	_ =	swait.ge [sflag:s20], $0x4000  }
0x16e: {  	[sflag:s20] =	ssyncset.done $0x0  }
0x16f: {  	s30 =	sadd.s32 $0x40, s28;
	[sflag:s20] =	ssyncadd.s32 $0xFFFFC000  }
0x170: {  	[tilespmem:s4], [sflag:$0x1] =	stream.linear.gather [hbm4b:s30+s4], $0x80, $0x38;
	[tilespmem:$0x1C200] =	vst v63  }
0x171: {  	_ =	swait.ge [sflag:s21], $0x80  }
0x172: {  	[sflag:s21] =	ssyncset.done $0x0  }
0x173: {  	[sflag:s21] =	ssyncadd.s32 $0xFFFFFF80  }
0x174: {  	[spmem:s3] =	stream.indirect.scatter.add.f32 [tilespmem:s12], [sflag:$0x7], $0x80, s14, s15, $0xb8;
	[tilespmem:$0x1C200] =	vst v63  }
0x175: {  	_ =	swait.ge [sflag:s13], $0x4000  }
0x176: {  	[sflag:s13] =	ssyncset.done $0x0  }
0x177: {  	s31 =	sadd.s32 $0x40, s26;
	[sflag:s13] =	ssyncadd.s32 $0xFFFFC000  }
0x178: {  	[tilespmem:s14], [sflag:$0x3] =	stream.linear.gather [hbm4b:s31+s4], $0x80, $0x38;
	[tilespmem:$0x1C200] =	vst v63  }
0x179: {  	_ =	swait.ge [sflag:s17], $0x80  }
0x17a: {  	[sflag:s17] =	ssyncset.done $0x0  }
0x17b: {  	[sflag:s17] =	ssyncadd.s32 $0xFFFFFF80  }
0x17c: {  	[tilespmem:s12], [sflag:$0x5] =	stream.indirect.gather [hbm4b:s1+s15], $0x80, s4, s15, $0xb8;
	[tilespmem:$0x1C200] =	vst v63  }
0x17d: {  	_ =	swait.ge [sflag:s22], $0x4000  }
0x17e: {  	[sflag:s22] =	ssyncset.done $0x0  }
0x17f: {  	s30 =	sadd.s32 $0x50, s28;
	[sflag:s22] =	ssyncadd.s32 $0xFFFFC000  }
0x180: {  	[tilespmem:s15], [sflag:$0x2] =	stream.linear.gather [hbm4b:s30+s4], $0x80, $0x38;
	[tilespmem:$0x1C200] =	vst v63  }
0x181: {  	_ =	swait.ge [sflag:s23], $0x80  }
0x182: {  	[sflag:s23] =	ssyncset.done $0x0  }
0x183: {  	[sflag:s23] =	ssyncadd.s32 $0xFFFFFF80  }
0x184: {  	[spmem:s3] =	stream.indirect.scatter.add.f32 [tilespmem:s19], [sflag:$0x7], $0x80, s16, s15, $0xb8;
	[tilespmem:$0x1C200] =	vst v63  }
0x185: {  	_ =	swait.ge [sflag:s13], $0x4000  }
0x186: {  	[sflag:s13] =	ssyncset.done $0x0  }
0x187: {  	s31 =	sadd.s32 $0x50, s26;
	[sflag:s13] =	ssyncadd.s32 $0xFFFFC000  }
0x188: {  	[tilespmem:s16], [sflag:$0x4] =	stream.linear.gather [hbm4b:s31+s4], $0x80, $0x38;
	[tilespmem:$0x1C200] =	vst v63  }
0x189: {  	_ =	swait.ge [sflag:s18], $0x80  }
0x18a: {  	[sflag:s18] =	ssyncset.done $0x0  }
0x18b: {  	[sflag:s18] =	ssyncadd.s32 $0xFFFFFF80  }
0x18c: {  	[tilespmem:s19], [sflag:$0x6] =	stream.indirect.gather [hbm4b:s1+s15], $0x80, s15, s15, $0xb8;
	[tilespmem:$0x1C200] =	vst v63  }
0x18d: {  	_ =	swait.ge [sflag:s20], $0x4000  }
0x18e: {  	[sflag:s20] =	ssyncset.done $0x0  }
0x18f: {  	s30 =	sadd.s32 $0x60, s28;
	[sflag:s20] =	ssyncadd.s32 $0xFFFFC000  }
0x190: {  	[tilespmem:s4], [sflag:$0x1] =	stream.linear.gather [hbm4b:s30+s4], $0x80, $0x38;
	[tilespmem:$0x1C200] =	vst v63  }
0x191: {  	_ =	swait.ge [sflag:s21], $0x80  }
0x192: {  	[sflag:s21] =	ssyncset.done $0x0  }
0x193: {  	[sflag:s21] =	ssyncadd.s32 $0xFFFFFF80  }
0x194: {  	[spmem:s3] =	stream.indirect.scatter.add.f32 [tilespmem:s12], [sflag:$0x7], $0x80, s14, s15, $0xb8;
	[tilespmem:$0x1C200] =	vst v63  }
0x195: {  	_ =	swait.ge [sflag:s13], $0x4000  }
0x196: {  	[sflag:s13] =	ssyncset.done $0x0  }
0x197: {  	s31 =	sadd.s32 $0x60, s26;
	[sflag:s13] =	ssyncadd.s32 $0xFFFFC000  }
0x198: {  	[tilespmem:s14], [sflag:$0x3] =	stream.linear.gather [hbm4b:s31+s4], $0x80, $0x38;
	[tilespmem:$0x1C200] =	vst v63  }
0x199: {  	_ =	swait.ge [sflag:s17], $0x80  }
0x19a: {  	[sflag:s17] =	ssyncset.done $0x0  }
0x19b: {  	[sflag:s17] =	ssyncadd.s32 $0xFFFFFF80  }
0x19c: {  	[tilespmem:s12], [sflag:$0x5] =	stream.indirect.gather [hbm4b:s1+s15], $0x80, s4, s15, $0xb8;
	[tilespmem:$0x1C200] =	vst v63  }
0x19d: {  	_ =	swait.ge [sflag:s22], $0x4000  }
0x19e: {  	[sflag:s22] =	ssyncset.done $0x0  }
0x19f: {  	s30 =	sadd.s32 $0x70, s28;
	[sflag:s22] =	ssyncadd.s32 $0xFFFFC000  }
0x1a0: {  	[tilespmem:s15], [sflag:$0x2] =	stream.linear.gather [hbm4b:s30+s4], $0x80, $0x38;
	[tilespmem:$0x1C200] =	vst v63  }
0x1a1: {  	_ =	swait.ge [sflag:s23], $0x80  }
0x1a2: {  	[sflag:s23] =	ssyncset.done $0x0  }
0x1a3: {  	[sflag:s23] =	ssyncadd.s32 $0xFFFFFF80  }
0x1a4: {  	[spmem:s3] =	stream.indirect.scatter.add.f32 [tilespmem:s19], [sflag:$0x7], $0x80, s16, s15, $0xb8;
	[tilespmem:$0x1C200] =	vst v63  }
0x1a5: {  	_ =	swait.ge [sflag:s13], $0x4000  }
0x1a6: {  	[sflag:s13] =	ssyncset.done $0x0  }
0x1a7: {  	s31 =	sadd.s32 $0x70, s26;
	[sflag:s13] =	ssyncadd.s32 $0xFFFFC000  }
0x1a8: {  	[tilespmem:s16], [sflag:$0x4] =	stream.linear.gather [hbm4b:s31+s4], $0x80, $0x38;
	[tilespmem:$0x1C200] =	vst v63  }
0x1a9: {  	_ =	swait.ge [sflag:s18], $0x80  }
0x1aa: {  	[sflag:s18] =	ssyncset.done $0x0  }
0x1ab: {  	[sflag:s18] =	ssyncadd.s32 $0xFFFFFF80  }
0x1ac: {  	[tilespmem:s19], [sflag:$0x6] =	stream.indirect.gather [hbm4b:s1+s15], $0x80, s15, s15, $0xb8;
	[tilespmem:$0x1C200] =	vst v63  }
0x1ad: {  	_ =	swait.ge [sflag:s20], $0x4000  }
0x1ae: {  	[sflag:s20] =	ssyncset.done $0x0  }
0x1af: {  	s30 =	sadd.s32 $0x80, s28;
	[sflag:s20] =	ssyncadd.s32 $0xFFFFC000  }
0x1b0: {  	[tilespmem:s4], [sflag:$0x1] =	stream.linear.gather [hbm4b:s30+s4], $0x80, $0x38;
	[tilespmem:$0x1C200] =	vst v63  }
0x1b1: {  	_ =	swait.ge [sflag:s21], $0x80  }
0x1b2: {  	[sflag:s21] =	ssyncset.done $0x0  }
0x1b3: {  	[sflag:s21] =	ssyncadd.s32 $0xFFFFFF80  }
0x1b4: {  	[spmem:s3] =	stream.indirect.scatter.add.f32 [tilespmem:s12], [sflag:$0x7], $0x80, s14, s15, $0xb8;
	[tilespmem:$0x1C200] =	vst v63  }
0x1b5: {  	_ =	swait.ge [sflag:s13], $0x4000  }
0x1b6: {  	[sflag:s13] =	ssyncset.done $0x0  }
0x1b7: {  	s31 =	sadd.s32 $0x80, s26;
	[sflag:s13] =	ssyncadd.s32 $0xFFFFC000  }
0x1b8: {  	[tilespmem:s14], [sflag:$0x3] =	stream.linear.gather [hbm4b:s31+s4], $0x80, $0x38;
	[tilespmem:$0x1C200] =	vst v63  }
0x1b9: {  	_ =	swait.ge [sflag:s17], $0x80  }
0x1ba: {  	[sflag:s17] =	ssyncset.done $0x0  }
0x1bb: {  	[sflag:s17] =	ssyncadd.s32 $0xFFFFFF80  }
0x1bc: {  	[tilespmem:s12], [sflag:$0x5] =	stream.indirect.gather [hbm4b:s1+s15], $0x80, s4, s15, $0xb8;
	[tilespmem:$0x1C200] =	vst v63  }
0x1bd: {  	_ =	swait.ge [sflag:s22], $0x4000  }
0x1be: {  	[sflag:s22] =	ssyncset.done $0x0  }
0x1bf: {  	s30 =	sadd.s32 $0x90, s28;
	[sflag:s22] =	ssyncadd.s32 $0xFFFFC000  }
0x1c0: {  	[tilespmem:s15], [sflag:$0x2] =	stream.linear.gather [hbm4b:s30+s4], $0x80, $0x38;
	[tilespmem:$0x1C200] =	vst v63  }
0x1c1: {  	_ =	swait.ge [sflag:s23], $0x80  }
0x1c2: {  	[sflag:s23] =	ssyncset.done $0x0  }
0x1c3: {  	[sflag:s23] =	ssyncadd.s32 $0xFFFFFF80  }
0x1c4: {  	[spmem:s3] =	stream.indirect.scatter.add.f32 [tilespmem:s19], [sflag:$0x7], $0x80, s16, s15, $0xb8;
	[tilespmem:$0x1C200] =	vst v63  }
0x1c5: {  	_ =	swait.ge [sflag:s13], $0x4000  }
0x1c6: {  	[sflag:s13] =	ssyncset.done $0x0  }
0x1c7: {  	s31 =	sadd.s32 $0x90, s26;
	[sflag:s13] =	ssyncadd.s32 $0xFFFFC000  }
0x1c8: {  	[tilespmem:s16], [sflag:$0x4] =	stream.linear.gather [hbm4b:s31+s4], $0x80, $0x38;
	[tilespmem:$0x1C200] =	vst v63  }
0x1c9: {  	_ =	swait.ge [sflag:s18], $0x80  }
0x1ca: {  	[sflag:s18] =	ssyncset.done $0x0  }
0x1cb: {  	[sflag:s18] =	ssyncadd.s32 $0xFFFFFF80  }
0x1cc: {  	[tilespmem:s19], [sflag:$0x6] =	stream.indirect.gather [hbm4b:s1+s15], $0x80, s15, s15, $0xb8;
	[tilespmem:$0x1C200] =	vst v63  }
0x1cd: {  	_ =	swait.ge [sflag:s20], $0x4000  }
0x1ce: {  	[sflag:s20] =	ssyncset.done $0x0  }
0x1cf: {  	s30 =	sadd.s32 $0xA0, s28;
	[sflag:s20] =	ssyncadd.s32 $0xFFFFC000  }
0x1d0: {  	[tilespmem:s4], [sflag:$0x1] =	stream.linear.gather [hbm4b:s30+s4], $0x80, $0x38;
	[tilespmem:$0x1C200] =	vst v63  }
0x1d1: {  	_ =	swait.ge [sflag:s21], $0x80  }
0x1d2: {  	[sflag:s21] =	ssyncset.done $0x0  }
0x1d3: {  	[sflag:s21] =	ssyncadd.s32 $0xFFFFFF80  }
0x1d4: {  	[spmem:s3] =	stream.indirect.scatter.add.f32 [tilespmem:s12], [sflag:$0x7], $0x80, s14, s15, $0xb8;
	[tilespmem:$0x1C200] =	vst v63  }
0x1d5: {  	_ =	swait.ge [sflag:s13], $0x4000  }
0x1d6: {  	[sflag:s13] =	ssyncset.done $0x0  }
0x1d7: {  	s31 =	sadd.s32 $0xA0, s26;
	[sflag:s13] =	ssyncadd.s32 $0xFFFFC000  }
0x1d8: {  	[tilespmem:s14], [sflag:$0x3] =	stream.linear.gather [hbm4b:s31+s4], $0x80, $0x38;
	[tilespmem:$0x1C200] =	vst v63  }
0x1d9: {  	_ =	swait.ge [sflag:s17], $0x80  }
0x1da: {  	[sflag:s17] =	ssyncset.done $0x0  }
0x1db: {  	[sflag:s17] =	ssyncadd.s32 $0xFFFFFF80  }
0x1dc: {  	[tilespmem:s12], [sflag:$0x5] =	stream.indirect.gather [hbm4b:s1+s15], $0x80, s4, s15, $0xb8;
	[tilespmem:$0x1C200] =	vst v63  }
0x1dd: {  	_ =	swait.ge [sflag:s22], $0x4000  }
0x1de: {  	[sflag:s22] =	ssyncset.done $0x0  }
0x1df: {  	s30 =	sadd.s32 $0xB0, s28;
	[sflag:s22] =	ssyncadd.s32 $0xFFFFC000  }
0x1e0: {  	[tilespmem:s15], [sflag:$0x2] =	stream.linear.gather [hbm4b:s30+s4], $0x80, $0x38;
	[tilespmem:$0x1C200] =	vst v63  }
0x1e1: {  	_ =	swait.ge [sflag:s23], $0x80  }
0x1e2: {  	[sflag:s23] =	ssyncset.done $0x0  }
0x1e3: {  	[sflag:s23] =	ssyncadd.s32 $0xFFFFFF80  }
0x1e4: {  	[spmem:s3] =	stream.indirect.scatter.add.f32 [tilespmem:s19], [sflag:$0x7], $0x80, s16, s15, $0xb8;
	[tilespmem:$0x1C200] =	vst v63  }
0x1e5: {  	_ =	swait.ge [sflag:s13], $0x4000  }
0x1e6: {  	[sflag:s13] =	ssyncset.done $0x0  }
0x1e7: {  	s31 =	sadd.s32 $0xB0, s26;
	[sflag:s13] =	ssyncadd.s32 $0xFFFFC000  }
0x1e8: {  	[tilespmem:s16], [sflag:$0x4] =	stream.linear.gather [hbm4b:s31+s4], $0x80, $0x38;
	[tilespmem:$0x1C200] =	vst v63  }
0x1e9: {  	_ =	swait.ge [sflag:s18], $0x80  }
0x1ea: {  	[sflag:s18] =	ssyncset.done $0x0  }
0x1eb: {  	[sflag:s18] =	ssyncadd.s32 $0xFFFFFF80  }
0x1ec: {  	[tilespmem:s19], [sflag:$0x6] =	stream.indirect.gather [hbm4b:s1+s15], $0x80, s15, s15, $0xb8;
	[tilespmem:$0x1C200] =	vst v63  }
0x1ed: {  	_ =	swait.ge [sflag:s20], $0x4000  }
0x1ee: {  	[sflag:s20] =	ssyncset.done $0x0  }
0x1ef: {  	s30 =	sadd.s32 $0xC0, s28;
	[sflag:s20] =	ssyncadd.s32 $0xFFFFC000  }
0x1f0: {  	[tilespmem:s4], [sflag:$0x1] =	stream.linear.gather [hbm4b:s30+s4], $0x80, $0x38;
	[tilespmem:$0x1C200] =	vst v63  }
0x1f1: {  	_ =	swait.ge [sflag:s21], $0x80  }
0x1f2: {  	[sflag:s21] =	ssyncset.done $0x0  }
0x1f3: {  	[sflag:s21] =	ssyncadd.s32 $0xFFFFFF80  }
0x1f4: {  	[spmem:s3] =	stream.indirect.scatter.add.f32 [tilespmem:s12], [sflag:$0x7], $0x80, s14, s15, $0xb8;
	[tilespmem:$0x1C200] =	vst v63  }
0x1f5: {  	_ =	swait.ge [sflag:s13], $0x4000  }
0x1f6: {  	[sflag:s13] =	ssyncset.done $0x0  }
0x1f7: {  	s31 =	sadd.s32 $0xC0, s26;
	[sflag:s13] =	ssyncadd.s32 $0xFFFFC000  }
0x1f8: {  	[tilespmem:s14], [sflag:$0x3] =	stream.linear.gather [hbm4b:s31+s4], $0x80, $0x38;
	[tilespmem:$0x1C200] =	vst v63  }
0x1f9: {  	_ =	swait.ge [sflag:s17], $0x80  }
0x1fa: {  	[sflag:s17] =	ssyncset.done $0x0  }
0x1fb: {  	[sflag:s17] =	ssyncadd.s32 $0xFFFFFF80  }
0x1fc: {  	[tilespmem:s12], [sflag:$0x5] =	stream.indirect.gather [hbm4b:s1+s15], $0x80, s4, s15, $0xb8;
	[tilespmem:$0x1C200] =	vst v63  }
0x1fd: {  	_ =	swait.ge [sflag:s22], $0x4000  }
0x1fe: {  	[sflag:s22] =	ssyncset.done $0x0  }
0x1ff: {  	s30 =	sadd.s32 $0xD0, s28;
	[sflag:s22] =	ssyncadd.s32 $0xFFFFC000  }
0x200: {  	[tilespmem:s15], [sflag:$0x2] =	stream.linear.gather [hbm4b:s30+s4], $0x80, $0x38;
	[tilespmem:$0x1C200] =	vst v63  }
0x201: {  	_ =	swait.ge [sflag:s23], $0x80  }
0x202: {  	[sflag:s23] =	ssyncset.done $0x0  }
0x203: {  	[sflag:s23] =	ssyncadd.s32 $0xFFFFFF80  }
0x204: {  	[spmem:s3] =	stream.indirect.scatter.add.f32 [tilespmem:s19], [sflag:$0x7], $0x80, s16, s15, $0xb8;
	[tilespmem:$0x1C200] =	vst v63  }
0x205: {  	_ =	swait.ge [sflag:s13], $0x4000  }
0x206: {  	[sflag:s13] =	ssyncset.done $0x0  }
0x207: {  	s31 =	sadd.s32 $0xD0, s26;
	[sflag:s13] =	ssyncadd.s32 $0xFFFFC000  }
0x208: {  	[tilespmem:s16], [sflag:$0x4] =	stream.linear.gather [hbm4b:s31+s4], $0x80, $0x38;
	[tilespmem:$0x1C200] =	vst v63  }
0x209: {  	_ =	swait.ge [sflag:s18], $0x80  }
0x20a: {  	[sflag:s18] =	ssyncset.done $0x0  }
0x20b: {  	[sflag:s18] =	ssyncadd.s32 $0xFFFFFF80  }
0x20c: {  	[tilespmem:s19], [sflag:$0x6] =	stream.indirect.gather [hbm4b:s1+s15], $0x80, s15, s15, $0xb8;
	[tilespmem:$0x1C200] =	vst v63  }
0x20d: {  	_ =	swait.ge [sflag:s20], $0x4000  }
0x20e: {  	[sflag:s20] =	ssyncset.done $0x0  }
0x20f: {  	s30 =	sadd.s32 $0xE0, s28;
	[sflag:s20] =	ssyncadd.s32 $0xFFFFC000  }
0x210: {  	[tilespmem:s4], [sflag:$0x1] =	stream.linear.gather [hbm4b:s30+s4], $0x80, $0x38;
	[tilespmem:$0x1C200] =	vst v63  }
0x211: {  	_ =	swait.ge [sflag:s21], $0x80  }
0x212: {  	[sflag:s21] =	ssyncset.done $0x0  }
0x213: {  	[sflag:s21] =	ssyncadd.s32 $0xFFFFFF80  }
0x214: {  	[spmem:s3] =	stream.indirect.scatter.add.f32 [tilespmem:s12], [sflag:$0x7], $0x80, s14, s15, $0xb8;
	[tilespmem:$0x1C200] =	vst v63  }
0x215: {  	_ =	swait.ge [sflag:s13], $0x4000  }
0x216: {  	[sflag:s13] =	ssyncset.done $0x0  }
0x217: {  	s31 =	sadd.s32 $0xE0, s26;
	[sflag:s13] =	ssyncadd.s32 $0xFFFFC000  }
0x218: {  	[tilespmem:s14], [sflag:$0x3] =	stream.linear.gather [hbm4b:s31+s4], $0x80, $0x38;
	[tilespmem:$0x1C200] =	vst v63  }
0x219: {  	_ =	swait.ge [sflag:s17], $0x80  }
0x21a: {  	[sflag:s17] =	ssyncset.done $0x0  }
0x21b: {  	[sflag:s17] =	ssyncadd.s32 $0xFFFFFF80  }
0x21c: {  	[tilespmem:s12], [sflag:$0x5] =	stream.indirect.gather [hbm4b:s1+s15], $0x80, s4, s15, $0xb8;
	[tilespmem:$0x1C200] =	vst v63  }
0x21d: {  	_ =	swait.ge [sflag:s22], $0x4000  }
0x21e: {  	[sflag:s22] =	ssyncset.done $0x0  }
0x21f: {  	s28 =	sadd.s32 $0xF0, s28;
	[sflag:s22] =	ssyncadd.s32 $0xFFFFC000  }
0x220: {  	[tilespmem:s15], [sflag:$0x2] =	stream.linear.gather [hbm4b:s28+s4], $0x80, $0x38;
	[tilespmem:$0x1C200] =	vst v63  }
0x221: {  	_ =	swait.ge [sflag:s23], $0x80  }
0x222: {  	[sflag:s23] =	ssyncset.done $0x0  }
0x223: {  	[sflag:s23] =	ssyncadd.s32 $0xFFFFFF80  }
0x224: {  	[spmem:s3] =	stream.indirect.scatter.add.f32 [tilespmem:s19], [sflag:$0x7], $0x80, s16, s15, $0xb8;
	[tilespmem:$0x1C200] =	vst v63  }
0x225: {  	_ =	swait.ge [sflag:s13], $0x4000  }
0x226: {  	[sflag:s13] =	ssyncset.done $0x0  }
0x227: {  	s26 =	sadd.s32 $0xF0, s26;
	[sflag:s13] =	ssyncadd.s32 $0xFFFFC000  }
0x228: {  	[tilespmem:s16], [sflag:$0x4] =	stream.linear.gather [hbm4b:s26+s4], $0x80, $0x38;
	[tilespmem:$0x1C200] =	vst v63  }
0x229: {  	_ =	swait.ge [sflag:s18], $0x80  }
0x22a: {  	[sflag:s18] =	ssyncset.done $0x0  }
0x22b: {  	[sflag:s18] =	ssyncadd.s32 $0xFFFFFF80  }
0x22c: {  	[tilespmem:s19], [sflag:$0x6] =	stream.indirect.gather [hbm4b:s1+s15], $0x80, s15, s15, $0xb8;
	[tilespmem:$0x1C200] =	vst v63  }
0x22d: {  	_ =	swait.ge [sflag:s20], $0x4000  }
0x22e: {  	[sflag:s20] =	ssyncset.done $0x0  }
0x22f: {  	[sflag:s20] =	ssyncadd.s32 $0xFFFFC000  }
0x230: {  	_ =	swait.ge [sflag:s21], $0x80  }
0x231: {  	[sflag:s21] =	ssyncset.done $0x0  }
0x232: {  	[sflag:s21] =	ssyncadd.s32 $0xFFFFFF80  }
0x233: {  	[spmem:s3] =	stream.indirect.scatter.add.f32 [tilespmem:s12], [sflag:$0x7], $0x80, s14, s15, $0xb8;
	[tilespmem:$0x1C200] =	vst v63  }
0x234: {  	_ =	swait.ge [sflag:s13], $0x4000  }
0x235: {  	[sflag:s13] =	ssyncset.done $0x0  }
0x236: {  	[sflag:s13] =	ssyncadd.s32 $0xFFFFC000  }
0x237: {  	_ =	swait.ge [sflag:s22], $0x4000  }
0x238: {  	[sflag:s22] =	ssyncset.done $0x0  }
0x239: {  	p0 =	sne.s32 s25, $0x400;
	[sflag:s22] =	ssyncadd.s32 $0xFFFFC000  }
.Ltmp1:
0x23a: {  	_ =	swait.ge [sflag:s23], $0x80;
	(pc) =	sbr.rel @p0 .LBB2_4-.Ltmp1, $4  }
0x23b: {  	[sflag:s23] =	ssyncset.done $0x0  }
0x23c: {  	[sflag:s23] =	ssyncadd.s32 $0xFFFFFF80  }
0x23d: {  	[spmem:s3] =	stream.indirect.scatter.add.f32 [tilespmem:s19], [sflag:$0x7], $0x80, s16, s15, $0xb8;
	[tilespmem:$0x1C200] =	vst v63  }
0x23e: {  	s25 =	sadd.s32 $0x100, s25;
	_ =	swait.ge [sflag:s13], $0x4000  }
0x23f: {  	[sflag:s13] =	ssyncset.done $0x0;
	s25 =	sshll.u32 s0, $0x6;
	s24 =	sadd.s32 $0x1, s24  }
0x240: {  	s26 =	sshrl.u32 s5, $0x3;
	[sflag:s13] =	ssyncadd.s32 $0xFFFFC000;
	p0 =	sne.s32 s24, s7  }
.Ltmp2:
0x241: {  	s25 =	sor.u32 $0x1C07, s25;
	[bflag:$0x0] =	sbarrier.arrive $0xFFFF;
	(pc) =	sbr.rel @p0 .LBB2_1-.Ltmp2, $4  }
0x242: {  	[hbm:s6], [sflag:s25] =	dma.local [spmem:s26], $0x2800  }
0x243: {  	_ =	swait.ge [sflag:s13], $0x2800  }
0x244: {  	[sflag:s13] =	ssyncset.done $0x0  }
0x245: {  	[sflag:s13] =	ssyncadd.s32 $0xFFFFD800  }
0x246: {  	_ =	sfence.sel $0x180000  }
0x247: {  	[bflag:$0x0] =	sbarrier.arrive $0xFFFF  }
0x248: {  	p0 =	sne.s32 s0, $0x0;
	_ =	strace $0x9000004A  }
0x249: {  	s0 =	sadd.s32 @!p0 $0x100000, s2;
	[bflag:$0x2] =	sbarrier.arrive $0xFFFF  }
0x24a: {  	[sflag:s0] =	ssyncadd.tile.s32 @!p0 $0x1;
	_ =	shalt  }
.Lfunc_end2:
_tile_overlayer_lowered:
.L_overlay_start_2:
0x24b: {  	(tag) =	ssettag $0x2  }
0x24c: {  	s0 =	rddreg [dreg:$0x0];
	s2 =	stileid.u32  }
0x24d: {  	s1 =	rddreg [dreg:$0x1];
	p0 =	sne.s32 s2, $0x0  }
0x24e: {  	s3 =	rddreg [dreg:$0x2];
	[bflag:$0x3] =	sbarrier.arrive $0xFFFF;
	s2 =	simm.s32 @!p0 $0x1C07  }
0x24f: {  	[timem:s3], [sflag:s2] =	dma.local @!p0 [hbm:s0], s1  }
0x250: {  	s0 =	simm.s32 @!p0 $0x7  }
0x251: {  	_ =	swait.ge @!p0 [sflag:s0], s1  }
0x252: {  	s1 =	ssub.s32 @!p0 $0x0, s1;
	[sflag:s0] =	ssyncset.done @!p0 $0x0  }
0x253: {  	[sflag:s0] =	ssyncadd.s32 @!p0 s1  }
0x254: {  	[bflag:$0x3] =	sbarrier.arrive $0xFFFF  }
0x255: {  	_ =	shalt  }

// kernel: kernel.7.cloned.1.call-start
scs
__scs_entry_jumppad:
0x0: {  	(pc) =	sbr.rel $0x88, $3  }
0x1: {  	(tag) =	ssettag $0x0;
	lr =	simm.s32 $0x1  }
0x2: {  	[smem:$0x3F99] =	sst lr;
	_ =	strace $0xD0000000  }
0x3: {  	_ = 	snop  }
0x4: {  	_ = 	snop  }
0x5: {  	_ = 	snop  }
0x6: {  	_ = 	snop  }
0x7: {  	_ = 	snop  }
__scs_overlays_trampoline_lowered:
0x8: {  	[smem:$0x3FA8] =	sst s0  }
0x9: {  	[smem:$0x3FA9] =	sst s1  }
0xa: {  	[smem:$0x3FAA] =	sst s2  }
0xb: {  	[smem:$0x3FAB] =	sst s3  }
0xc: {  	[smem:$0x3FAC] =	sst s4  }
0xd: {  	[smem:$0x3FAD] =	sst s5  }
0xe: {  	[smem:$0x3FAE] =	sst s6  }
0xf: {  	[smem:$0x3FAF] =	sst s7  }
0x10: {  	[smem:$0x3FB0] =	sst s8  }
0x11: {  	[smem:$0x3FB1] =	sst s9;
	s0 =	simm.s32 @!p0 $0x0  }
0x12: {  	s1 =	sld [smem:$0x3F97];
	s0 =	simm.s32 @p0 $0x1  }
0x13: {  	[smem:$0x3FB2] =	sst s0;
	s0 =	simm.s32 @!p1 $0x0  }
0x14: {  	s2 =	sld [smem:$0x3F96];
	s0 =	simm.s32 @p1 $0x1  }
0x15: {  	[smem:$0x3FB3] =	sst s0;
	s0 =	simm.s32 @!p2 $0x0  }
0x16: {  	s3 =	sld [smem:$0x3FDB];
	s0 =	simm.s32 @p2 $0x1  }
0x17: {  	s4 =	simm.s32 $0x1BF5;
	[smem:$0x3FB5] =	sst s0  }
0x18: {  	s0 =	sld [smem:$0x3F98];
	_ =	swait.ge [sflag:s4], $0x0  }
0x19: {  	s7 =	sld [smem:$0x3F99]  }
0x1a: {  	s8 =	sadd.s32 $0xFFFFE003, lr  }
0x1b: {  	s9 =	sadd.s32 $0xFFFFFEF7, lr;
	s5 =	simm.s32 $0xFFFFFFFF;
	p2 =	slt.u32 s8, $0xFFFFF086  }
0x1c: {  	p1 =	slt.u32 s9, $0xF7A;
	s5 =	simm.s32 @!p2 $0x0  }
0x1d: {  	s5 =	simm.s32 @p1 $0x1;
	p0 =	seq.s32 s7, s2  }
0x1e: {  	s7 =	smul.u32 @!p0 $0xF7A, s2;
	p2 =	seq.s32 @!p0 s5, $0x0  }
0x1f: {  	s9 =	smul.u32 $0xF7A, s1;
	s8 =	simm.s32 @!p0 $0x1BF5;
	p2 =	por !p2, p0  }
0x20: {  	[sflag:s8] =	ssyncset.s32 @!p0 $0xFFFFF086;
	s6 =	sadd.s32 @!p0 s3, s7;
	s7 =	simm.s32 @!p0 $0x108  }
0x21: {  	s3 =	sadd.s32 s3, s9;
	s6 =	sadd.s32 @!p0 $0x88, s6;
	s7 =	simm.s32 @p2 $0x1082  }
0x22: {  	[simem:s7], [sflag:s8] =	dma.local @!p0 [hbm:s6], $0xF7A  }
0x23: {  	s9 =	sor.u32 $0xD0000000, s2;
	s6 =	simm.s32 $0x108;
	_ =	swait.ge @!p0 [sflag:s8], $0x0  }
0x24: {  	s3 =	sadd.s32 $0x88, s3;
	s6 =	simm.s32 @!p1 $0x1082;
	[sflag:s4] =	ssyncset.s32 $0xFFFFF086  }
0x25: {  	[simem:s6], [sflag:s4] =	dma.local [hbm:s3], $0xF7A  }
0x26: {  	[smem:$0x3F99] =	sst s1;
	(tag) =	ssettag s2;
	_ =	strace s9  }
0x27: {  	s1 =	sld [smem:$0x3FA9]  }
0x28: {  	s2 =	sld [smem:$0x3FAA]  }
0x29: {  	s4 =	sld [smem:$0x3FAC]  }
0x2a: {  	p0 =	seq.s32 s5, $0x0;
	s5 =	sld [smem:$0x3FAD]  }
0x2b: {  	s6 =	sld [smem:$0x3FAE]  }
0x2c: {  	s7 =	sld [smem:$0x3FAF]  }
0x2d: {  	s3 =	simm.s32 $0x108;
	s8 =	sld [smem:$0x3FB0]  }
0x2e: {  	s3 =	simm.s32 @!p0 $0x1082;
	s9 =	sld [smem:$0x3FB1]  }
0x2f: {  	lr =	sadd.s32 s0, s3;
	s0 =	sld [smem:$0x3FA8]  }
0x30: {  	s3 =	sld [smem:$0x3FAB]  }
0x31: {  	[smem:$0x3FB4] =	sst s10  }
0x32: {  	s10 =	sld [smem:$0x3FB2];
	_ =	sdelay $0x3  }
0x33: {  	p0 =	seq.s32 s10, $0x1;
	s10 =	sld [smem:$0x3FB4];
	_ =	sdelay $0x3  }
0x34: {  	[smem:$0x3FB4] =	sst s10  }
0x35: {  	s10 =	sld [smem:$0x3FB3];
	_ =	sdelay $0x3  }
0x36: {  	p1 =	seq.s32 s10, $0x1;
	s10 =	sld [smem:$0x3FB4];
	_ =	sdelay $0x3  }
0x37: {  	[smem:$0x3FB4] =	sst s10  }
0x38: {  	s10 =	sld [smem:$0x3FB5]  }
0x39: {  	_ = 	snop;
	(pc) =	sbr.ind lr, $3  }
0x3a: {  	_ = 	snop  }
0x3b: {  	_ = 	snop  }
0x3c: {  	p2 =	seq.s32 s10, $0x1;
	s10 =	sld [smem:$0x3FB4]  }
0x3d: {  	_ =	shalt  }
0x3e: {  	_ =	shalt  }
0x3f: {  	_ =	shalt  }
0x40: {  	_ =	shalt  }
0x41: {  	_ =	shalt  }
0x42: {  	_ =	shalt  }
0x43: {  	_ =	shalt  }
0x44: {  	_ =	shalt  }
0x45: {  	_ =	shalt  }
0x46: {  	_ =	shalt  }
0x47: {  	_ =	shalt  }
0x48: {  	_ =	shalt  }
0x49: {  	_ =	shalt  }
0x4a: {  	_ =	shalt  }
0x4b: {  	_ =	shalt  }
0x4c: {  	_ =	shalt  }
0x4d: {  	_ =	shalt  }
0x4e: {  	_ =	shalt  }
0x4f: {  	_ =	shalt  }
0x50: {  	_ =	shalt  }
0x51: {  	_ =	shalt  }
0x52: {  	_ =	shalt  }
0x53: {  	_ =	shalt  }
0x54: {  	_ =	shalt  }
0x55: {  	_ =	shalt  }
0x56: {  	_ =	shalt  }
0x57: {  	_ =	shalt  }
0x58: {  	_ =	shalt  }
0x59: {  	_ =	shalt  }
0x5a: {  	_ =	shalt  }
0x5b: {  	_ =	shalt  }
0x5c: {  	_ =	shalt  }
0x5d: {  	_ =	shalt  }
0x5e: {  	_ =	shalt  }
0x5f: {  	_ =	shalt  }
0x60: {  	_ =	shalt  }
0x61: {  	_ =	shalt  }
0x62: {  	_ =	shalt  }
0x63: {  	_ =	shalt  }
0x64: {  	_ =	shalt  }
0x65: {  	_ =	shalt  }
0x66: {  	_ =	shalt  }
0x67: {  	_ =	shalt  }
0x68: {  	_ =	shalt  }
0x69: {  	_ =	shalt  }
0x6a: {  	_ =	shalt  }
0x6b: {  	_ =	shalt  }
0x6c: {  	_ =	shalt  }
0x6d: {  	_ =	shalt  }
0x6e: {  	_ =	shalt  }
0x6f: {  	_ =	shalt  }
0x70: {  	_ =	shalt  }
0x71: {  	_ =	shalt  }
0x72: {  	_ =	shalt  }
0x73: {  	_ =	shalt  }
0x74: {  	_ =	shalt  }
0x75: {  	_ =	shalt  }
0x76: {  	_ =	shalt  }
0x77: {  	_ =	shalt  }
0x78: {  	_ =	shalt  }
0x79: {  	_ =	shalt  }
0x7a: {  	_ =	shalt  }
0x7b: {  	_ =	shalt  }
0x7c: {  	_ =	shalt  }
0x7d: {  	_ =	shalt  }
0x7e: {  	_ =	shalt  }
0x7f: {  	_ =	shalt  }
0x80: {  	_ =	shalt  }
0x81: {  	_ =	shalt  }
0x82: {  	_ =	shalt  }
0x83: {  	_ =	shalt  }
0x84: {  	_ =	shalt  }
0x85: {  	_ =	shalt  }
0x86: {  	_ =	shalt  }
0x87: {  	_ =	shalt  }
.Lfunc_end0:
.L_simem_size_0:
called_computation_lowered:
.L_overlay_start_0:
0x88: {  	s2 =	sld [smem:$0x3FD9]  }
0x89: {  	s3 =	sld [smem:$0x3FFE];
	_ =	sdelay $0x1  }
0x8a: {  	s1 =	srdreg.scid  }
0x8b: {  	s0 =	sand.u32 $0x1, s1  }
0x8c: {  	s14 =	sshll.u32 s0, $0xA;
	s2 =	sadd.s32 s3, s2  }
0x8d: {  	s2 =	sadd.s32 s2, s14  }
0x8e: {  	[smem:$0x3FC0] =	sst s2  }
0x8f: {  	_ = 	snop  }
0x90: {  	s2 =	sld [smem:$0x3FD0];
	_ =	sdelay $0x2  }
0x91: {  	s15 =	simm.s32 $0xA;
	s4 =	simm.s32 $0x10  }
0x92: {  	[smem:s4], [sflag:s15] =	dma.local [hbm:s2], $0x1  }
0x93: {  	_ =	swait.eq [sflag:s15], $0x1  }
0x94: {  	[sflag:s15] =	ssyncset.done $0x0  }
0x95: {  	[sflag:s15] =	ssyncadd.s32 $0xFFFFFFFF  }
0x96: {  	s16 =	sld [smem:$0x10];
	(tm) =	ssettm $0x1  }
0x97: {  	s17 =	sld [smem:$0x3FFB];
	_ =	sdelay $0x3  }
0x98: {  	_ =	strace s17  }
0x99: {  	s3 =	sld [smem:$0x3FFC];
	_ =	sdelay $0x3  }
0x9a: {  	_ =	strace s3  }
0x9b: {  	s3 =	sld [smem:$0x3FFD];
	_ =	sdelay $0x3  }
0x9c: {  	_ =	strace s3  }
0x9d: {  	_ =	strace $0x8FFFFFFF  }
0x9e: {  	s18 =	sld [smem:$0x3FDB];
	_ =	sdelay $0x1  }
0x9f: {  	s19 =	simm.s32 $_scs_section_size  }
0xa0: {  	s5 =	simm.s32 $_size__tile_overlayer_lowered;
	s6 =	simm.s32 $_tile_overlayer_lowered  }
0xa1: {  	s22 =	simm.s32 $0x1BFF;
	s21 =	sshll.u32 s6, $0x1;
	s3 =	sadd.s32 s19, s18  }
0xa2: {  	s7 =	simm.s32 $0x0;
	s20 =	sshll.u32 s5, $0x1;
	s5 =	sadd.s32 s21, s3  }
0xa3: {  	[timem:s7], [sflag:s22] =	dma.local [hbm:s5], s20  }
0xa4: {  	_ =	swait.ge [sflag:s22], s20  }
0xa5: {  	s4 =	ssub.s32 $0x0, s20;
	[sflag:s22] =	ssyncset.done $0x0  }
0xa6: {  	[sflag:s22] =	ssyncadd.s32 s4;
	_ =	sdelay $0x1  }
0xa7: {  	s23 =	simm.s32 $0x1B8B  }
0xa8: {  	_ =	swait.ge [sflag:s23], $0x1  }
0xa9: {  	[sflag:s23] =	ssyncset.done $0x0  }
0xaa: {  	s25 =	simm.s32 $0x1B8E;
	s24 =	sld [smem:$0x3FFE];
	[sflag:s23] =	ssyncadd.s32 $0xFFFFFFFF  }
0xab: {  	s26 =	simm.s32 $execute0_lowered;
	[smem:$0x3FD2] =	sst s25  }
0xac: {  	s5 =	sshll.u32 s26, $0x1;
	_ =	strace $0x80000046;
	[dreg:$0x1] =	wrdreg $0xFFFFFFFF  }
0xad: {  	s28 =	simm.s32 $_size_execute0_lowered;
	s3 =	sadd.s32 s3, s5;
	[dreg:$0x0] =	wrdreg $0x0  }
0xae: {  	s5 =	sshll.u32 s28, $0x1;
	[dreg:$0x2] =	wrdreg s3  }
0xaf: {  	[dreg:$0x3] =	wrdreg s5  }
0xb0: {  	[dreg:$0x4] =	wrdreg $0xC0  }
0xb1: {  	_ =	task [dreg:s7], $0x5FFFF  }
0xb2: {  	[dreg:$0x1] =	wrdreg $0xFFFFFFFF  }
0xb3: {  	[dreg:$0x0] =	wrdreg $0x60  }
0xb4: {  	[dreg:$0x2] =	wrdreg s16  }
0xb5: {  	[dreg:$0x3] =	wrdreg s24  }
0xb6: {  	[dreg:$0x4] =	wrdreg $0x82000  }
0xb7: {  	[dreg:$0x5] =	wrdreg $0x9  }
0xb8: {  	_ =	task.clear_ibuf [dreg:s7], $0x6FFFF;
	_ =	strace $0x90000046  }
0xb9: {  	s29 =	simm.s32 $0x9;
	_ =	strace $0x80000048  }
0xba: {  	_ =	swait.ge [sflag:s29], $0x1  }
0xbb: {  	[sflag:s29] =	ssyncadd.s32 $0xFFFFFFFF  }
0xbc: {  	_ =	strace $0x90000048  }
0xbd: {  	_ =	sfence  }
0xbe: {  	s30 =	sld [smem:$0x0];
	_ =	sdelay $0x2  }
0xbf: {  	s31 =	sshll.u32 s1, $0xD;
	s1 =	sshrl.u32 s1, $0x2  }
0xc0: {  	s3 =	sand.u32 $0x4000, s31;
	s1 =	sadd.s32 s1, s30  }
0xc1: {  	s0 =	sor.u32 s3, s0;
	s1 =	sshll.u32 s1, $0x11  }
0xc2: {  	s0 =	sor.u32 s1, s0  }
0xc3: {  	s0 =	sadd.s32 $0x8F2B, s0  }
0xc4: {  	[sflag:s0] =	ssyncadd.remote.s32 $0x1  }
0xc5: {  	_ =	sfence.sel $0xFFFF  }
0xc6: {  	[dreg:$0x0] =	wrdreg $0xFFFFFFFF;
	(pc) =	sbr.abs _section_cstart, $3  }
0xc7: {  	[dreg:$0x1] =	wrdreg $0xFFFFFFFF  }
0xc8: {  	_ =	task.clear_ibuf [dreg:s7], $0x2FFFF;
	_ =	strace $0x9FFFFFFF  }
0xc9: {  	(tm) =	ssettm $0x7FFFFFFF  }
tec
execute0_lowered:
.L_overlay_start_1:
0x0: {  	(tag) =	ssettag $0x1  }
0x1: {  	s1 =	rddreg [dreg:$0x0]  }
0x2: {  	s5 =	rddreg [dreg:$0x1]  }
0x3: {  	s0 =	srdreg.scid;
	s3 =	rddreg [dreg:$0x2]  }
0x4: {  	s2 =	rddreg [dreg:$0x3];
	s4 =	simm.s32 $0x0;
	s13 =	simm.s32 $0x7  }
0x5: {  	s14 =	simm.s32 $0x100;
	s15 =	simm.s32 $0x80;
	s16 =	simm.s32 $0x180  }
0x6: {  	s17 =	simm.s32 $0x1;
	s18 =	simm.s32 $0x2;
	s6 =	sand.u32 $0x1, s0  }
0x7: {  	s19 =	simm.s32 $0x4200;
	s0 =	stileid.u32;
	s7 =	smul.u32 $0x28000, s6  }
0x8: {  	s20 =	simm.s32 $0x5;
	s21 =	simm.s32 $0x3;
	s8 =	smul.u32 $0x2800, s0  }
0x9: {  	s22 =	simm.s32 $0x6;
	s23 =	simm.s32 $0x4;
	s9 =	smul.u32 $0x140000, s6  }
0xa: {  	s24 =	simm.s32 $0x0;
	[smem:$0x7FF] =	sst s4;
	s25 =	smul.u32 $0x14000, s0  }
0xb: {  	_ =	strace $0x80000047;
	s6 =	ssub.s32 $0x2, s6;
	s26 =	smul.u32 $0x50000, s0  }
0xc: {  	s29 =	sshrl.u32 s6, $0x1;
	s7 =	sadd.s32 s8, s7;
	s8 =	sadd.s32 s25, s9  }
0xd: {  	s30 =	sshrl.u32 s26, $0x2;
	s7 =	sshrl.u32 s7, $0x3;
	s28 =	sshrl.u32 s8, $0x3  }
0xe: {  	s8 =	ssub.s32 s6, s29;
	s11 =	sadd.s32 s7, s5;
	s7 =	sadd.s32 s28, s5  }
0xf: {  	s5 =	sadd.s32 s30, s3;
	s6 =	sadd.s32 $0x15800, s7;
	s7 =	smax.u32 s8, $0x1  }
0x10: {  	s8 =	sadd.s32 $0x4000, s5;
	s9 =	sadd.s32 $0x8000, s5;
	s12 =	sadd.s32 $0xB800, s11  }
0x11: {  	s10 =	sadd.s32 $0xC000, s5;
	s31 =	sadd.s32 $0x1800, s11;
	[dreg:$0x4] =	wrdreg s12  }
0x12: {  	v0 =	vimm.f32 $0.0e+00;
	s11 =	sadd.s32 $0x10000, s5;
	[dreg:$0x5] =	wrdreg s31;
	s12 =	simm.s32 $0x200  }
.LBB2_1:
0x13: {  	s25 =	simm.s32 $0x0;
	s26 =	simm.s32 $0x200  }
.LBB2_2:
0x14: {  	p0 =	sne.s32 s26, $0xFE00;
	[tilespmem:s25+$0x270] =	vst v0  }
0x15: {  	[tilespmem:s25+$0x200] =	vst v0  }
0x16: {  	[tilespmem:s25+$0x210] =	vst v0  }
.Ltmp0:
0x17: {  	[tilespmem:s25+$0x220] =	vst v0;
	(pc) =	sbr.rel @p0 .LBB2_2-.Ltmp0, $4  }
0x18: {  	[tilespmem:s25+$0x230] =	vst v0  }
0x19: {  	[tilespmem:s25+$0x240] =	vst v0  }
0x1a: {  	[tilespmem:s25+$0x250] =	vst v0  }
0x1b: {  	[tilespmem:s25+$0x260] =	vst v0;
	s25 =	sshra.s32 s26, $0x2;
	s26 =	sadd.s32 $0x200, s26  }
0x1c: {  	[tilespmem:s25+$0x270] =	vst v0  }
0x1d: {  	[tilespmem:s25+$0x200] =	vst v0  }
0x1e: {  	[tilespmem:s25+$0x210] =	vst v0  }
0x1f: {  	[tilespmem:s25+$0x220] =	vst v0  }
0x20: {  	[tilespmem:s25+$0x230] =	vst v0  }
0x21: {  	[tilespmem:s25+$0x240] =	vst v0  }
0x22: {  	[tilespmem:s25+$0x250] =	vst v0  }
0x23: {  	[tilespmem:s25+$0x260] =	vst v0  }
0x24: {  	[spmem:s5] =	stream.linear.scatter [tilespmem:s12], [sflag:$0x7], $0x4000, $0x38;
	[tilespmem:$0x1C200] =	vst v63  }
0x25: {  	_ =	swait.ge [sflag:s13], $0x4000  }
0x26: {  	[sflag:s13] =	ssyncset.done $0x0  }
0x27: {  	[sflag:s13] =	ssyncadd.s32 $0xFFFFC000  }
0x28: {  	[spmem:s8] =	stream.linear.scatter [tilespmem:s12], [sflag:$0x7], $0x4000, $0x38;
	[tilespmem:$0x1C200] =	vst v63  }
0x29: {  	_ =	swait.ge [sflag:s13], $0x4000  }
0x2a: {  	[sflag:s13] =	ssyncset.done $0x0  }
0x2b: {  	[sflag:s13] =	ssyncadd.s32 $0xFFFFC000  }
0x2c: {  	[spmem:s9] =	stream.linear.scatter [tilespmem:s12], [sflag:$0x7], $0x4000, $0x38;
	[tilespmem:$0x1C200] =	vst v63  }
0x2d: {  	_ =	swait.ge [sflag:s13], $0x4000  }
0x2e: {  	[sflag:s13] =	ssyncset.done $0x0  }
0x2f: {  	[sflag:s13] =	ssyncadd.s32 $0xFFFFC000  }
0x30: {  	[spmem:s10] =	stream.linear.scatter [tilespmem:s12], [sflag:$0x7], $0x4000, $0x38;
	[tilespmem:$0x1C200] =	vst v63  }
0x31: {  	_ =	swait.ge [sflag:s13], $0x4000  }
0x32: {  	[sflag:s13] =	ssyncset.done $0x0  }
0x33: {  	[sflag:s13] =	ssyncadd.s32 $0xFFFFC000  }
0x34: {  	[spmem:s11] =	stream.linear.scatter [tilespmem:s12], [sflag:$0x7], $0x4000, $0x38;
	[tilespmem:$0x1C200] =	vst v63  }
0x35: {  	_ =	swait.ge [sflag:s13], $0x4000  }
0x36: {  	[sflag:s13] =	ssyncset.done $0x0  }
0x37: {  	[sflag:s13] =	ssyncadd.s32 $0xFFFFC000  }
0x38: {  	[bflag:$0x0] =	sbarrier.arrive $0xFFFF  }
0x39: {  	s30 =	rddreg [dreg:$0x4]  }
0x3a: {  	s28 =	rddreg [dreg:$0x5];
	s26 =	sadd.s32 $0x0, s30  }
0x3b: {  	[tilespmem:s4], [sflag:$0x1] =	stream.linear.gather [hbm4b:s26+s4], $0x80, $0x38;
	[tilespmem:$0x1C200] =	vst v63  }
0x3c: {  	s25 =	sadd.s32 $0x0, s28  }
0x3d: {  	[tilespmem:s14], [sflag:$0x3] =	stream.linear.gather [hbm4b:s25+s4], $0x80, $0x38;
	[tilespmem:$0x1C200] =	vst v63  }
0x3e: {  	s31 =	sadd.s32 $0x10, s26  }
0x3f: {  	[tilespmem:s15], [sflag:$0x2] =	stream.linear.gather [hbm4b:s31+s4], $0x80, $0x38;
	[tilespmem:$0x1C200] =	vst v63  }
0x40: {  	s29 =	sadd.s32 $0x10, s25  }
0x41: {  	[tilespmem:s16], [sflag:$0x4] =	stream.linear.gather [hbm4b:s29+s4], $0x80, $0x38;
	[tilespmem:$0x1C200] =	vst v63  }
0x42: {  	_ =	swait.ge [sflag:s17], $0x80  }
0x43: {  	[sflag:s17] =	ssyncset.done $0x0  }
0x44: {  	[sflag:s17] =	ssyncadd.s32 $0xFFFFFF80  }
0x45: {  	[tilespmem:s12], [sflag:$0x5] =	stream.indirect.gather [hbm4b:s1+s15], $0x80, s4, s15, $0xb8;
	[tilespmem:$0x1C200] =	vst v63  }
0x46: {  	_ =	swait.ge [sflag:s18], $0x80  }
0x47: {  	[sflag:s18] =	ssyncset.done $0x0  }
0x48: {  	[sflag:s18] =	ssyncadd.s32 $0xFFFFFF80  }
0x49: {  	[tilespmem:s19], [sflag:$0x6] =	stream.indirect.gather [hbm4b:s1+s15], $0x80, s15, s15, $0xb8;
	[tilespmem:$0x1C200] =	vst v63  }
0x4a: {  	_ =	swait.ge [sflag:s20], $0x4000  }
0x4b: {  	[sflag:s20] =	ssyncset.done $0x0  }
0x4c: {  	s30 =	sadd.s32 $0x20, s26;
	[sflag:s20] =	ssyncadd.s32 $0xFFFFC000  }
0x4d: {  	[tilespmem:s4], [sflag:$0x1] =	stream.linear.gather [hbm4b:s30+s4], $0x80, $0x38;
	[tilespmem:$0x1C200] =	vst v63  }
0x4e: {  	_ =	swait.ge [sflag:s21], $0x80  }
0x4f: {  	[sflag:s21] =	ssyncset.done $0x0  }
0x50: {  	[sflag:s21] =	ssyncadd.s32 $0xFFFFFF80  }
0x51: {  	[spmem:s3] =	stream.indirect.scatter.add.f32 [tilespmem:s12], [sflag:$0x7], $0x80, s14, s15, $0xb8;
	[tilespmem:$0x1C200] =	vst v63  }
0x52: {  	_ =	swait.ge [sflag:s13], $0x4000  }
0x53: {  	[sflag:s13] =	ssyncset.done $0x0  }
0x54: {  	s31 =	sadd.s32 $0x20, s25;
	[sflag:s13] =	ssyncadd.s32 $0xFFFFC000  }
0x55: {  	[tilespmem:s14], [sflag:$0x3] =	stream.linear.gather [hbm4b:s31+s4], $0x80, $0x38;
	[tilespmem:$0x1C200] =	vst v63  }
0x56: {  	_ =	swait.ge [sflag:s17], $0x80  }
0x57: {  	[sflag:s17] =	ssyncset.done $0x0  }
0x58: {  	[sflag:s17] =	ssyncadd.s32 $0xFFFFFF80  }
0x59: {  	[tilespmem:s12], [sflag:$0x5] =	stream.indirect.gather [hbm4b:s1+s15], $0x80, s4, s15, $0xb8;
	[tilespmem:$0x1C200] =	vst v63  }
0x5a: {  	_ =	swait.ge [sflag:s22], $0x4000  }
0x5b: {  	[sflag:s22] =	ssyncset.done $0x0  }
0x5c: {  	s29 =	sadd.s32 $0x30, s26;
	[sflag:s22] =	ssyncadd.s32 $0xFFFFC000  }
0x5d: {  	[tilespmem:s15], [sflag:$0x2] =	stream.linear.gather [hbm4b:s29+s4], $0x80, $0x38;
	[tilespmem:$0x1C200] =	vst v63  }
0x5e: {  	_ =	swait.ge [sflag:s23], $0x80  }
0x5f: {  	[sflag:s23] =	ssyncset.done $0x0  }
0x60: {  	[sflag:s23] =	ssyncadd.s32 $0xFFFFFF80  }
0x61: {  	[spmem:s3] =	stream.indirect.scatter.add.f32 [tilespmem:s19], [sflag:$0x7], $0x80, s16, s15, $0xb8;
	[tilespmem:$0x1C200] =	vst v63  }
0x62: {  	_ =	swait.ge [sflag:s13], $0x4000  }
0x63: {  	[sflag:s13] =	ssyncset.done $0x0  }
0x64: {  	s30 =	sadd.s32 $0x30, s25;
	[sflag:s13] =	ssyncadd.s32 $0xFFFFC000  }
0x65: {  	[tilespmem:s16], [sflag:$0x4] =	stream.linear.gather [hbm4b:s30+s4], $0x80, $0x38;
	[tilespmem:$0x1C200] =	vst v63  }
0x66: {  	_ =	swait.ge [sflag:s18], $0x80  }
0x67: {  	[sflag:s18] =	ssyncset.done $0x0  }
0x68: {  	[sflag:s18] =	ssyncadd.s32 $0xFFFFFF80  }
0x69: {  	[tilespmem:s19], [sflag:$0x6] =	stream.indirect.gather [hbm4b:s1+s15], $0x80, s15, s15, $0xb8;
	[tilespmem:$0x1C200] =	vst v63  }
0x6a: {  	_ =	swait.ge [sflag:s20], $0x4000  }
0x6b: {  	[sflag:s20] =	ssyncset.done $0x0  }
0x6c: {  	s31 =	sadd.s32 $0x40, s26;
	[sflag:s20] =	ssyncadd.s32 $0xFFFFC000  }
0x6d: {  	[tilespmem:s4], [sflag:$0x1] =	stream.linear.gather [hbm4b:s31+s4], $0x80, $0x38;
	[tilespmem:$0x1C200] =	vst v63  }
0x6e: {  	_ =	swait.ge [sflag:s21], $0x80  }
0x6f: {  	[sflag:s21] =	ssyncset.done $0x0  }
0x70: {  	[sflag:s21] =	ssyncadd.s32 $0xFFFFFF80  }
0x71: {  	[spmem:s3] =	stream.indirect.scatter.add.f32 [tilespmem:s12], [sflag:$0x7], $0x80, s14, s15, $0xb8;
	[tilespmem:$0x1C200] =	vst v63  }
0x72: {  	_ =	swait.ge [sflag:s13], $0x4000  }
0x73: {  	[sflag:s13] =	ssyncset.done $0x0  }
0x74: {  	s29 =	sadd.s32 $0x40, s25;
	[sflag:s13] =	ssyncadd.s32 $0xFFFFC000  }
0x75: {  	[tilespmem:s14], [sflag:$0x3] =	stream.linear.gather [hbm4b:s29+s4], $0x80, $0x38;
	[tilespmem:$0x1C200] =	vst v63  }
0x76: {  	_ =	swait.ge [sflag:s17], $0x80  }
0x77: {  	[sflag:s17] =	ssyncset.done $0x0  }
0x78: {  	[sflag:s17] =	ssyncadd.s32 $0xFFFFFF80  }
0x79: {  	[tilespmem:s12], [sflag:$0x5] =	stream.indirect.gather [hbm4b:s1+s15], $0x80, s4, s15, $0xb8;
	[tilespmem:$0x1C200] =	vst v63  }
0x7a: {  	_ =	swait.ge [sflag:s22], $0x4000  }
0x7b: {  	[sflag:s22] =	ssyncset.done $0x0  }
0x7c: {  	s30 =	sadd.s32 $0x50, s26;
	[sflag:s22] =	ssyncadd.s32 $0xFFFFC000  }
0x7d: {  	[tilespmem:s15], [sflag:$0x2] =	stream.linear.gather [hbm4b:s30+s4], $0x80, $0x38;
	[tilespmem:$0x1C200] =	vst v63  }
0x7e: {  	_ =	swait.ge [sflag:s23], $0x80  }
0x7f: {  	[sflag:s23] =	ssyncset.done $0x0  }
0x80: {  	[sflag:s23] =	ssyncadd.s32 $0xFFFFFF80  }
0x81: {  	[spmem:s3] =	stream.indirect.scatter.add.f32 [tilespmem:s19], [sflag:$0x7], $0x80, s16, s15, $0xb8;
	[tilespmem:$0x1C200] =	vst v63  }
0x82: {  	_ =	swait.ge [sflag:s13], $0x4000  }
0x83: {  	[sflag:s13] =	ssyncset.done $0x0  }
0x84: {  	s31 =	sadd.s32 $0x50, s25;
	[sflag:s13] =	ssyncadd.s32 $0xFFFFC000  }
0x85: {  	[tilespmem:s16], [sflag:$0x4] =	stream.linear.gather [hbm4b:s31+s4], $0x80, $0x38;
	[tilespmem:$0x1C200] =	vst v63  }
0x86: {  	_ =	swait.ge [sflag:s18], $0x80  }
0x87: {  	[sflag:s18] =	ssyncset.done $0x0  }
0x88: {  	[sflag:s18] =	ssyncadd.s32 $0xFFFFFF80  }
0x89: {  	[tilespmem:s19], [sflag:$0x6] =	stream.indirect.gather [hbm4b:s1+s15], $0x80, s15, s15, $0xb8;
	[tilespmem:$0x1C200] =	vst v63  }
0x8a: {  	_ =	swait.ge [sflag:s20], $0x4000  }
0x8b: {  	[sflag:s20] =	ssyncset.done $0x0  }
0x8c: {  	s29 =	sadd.s32 $0x60, s26;
	[sflag:s20] =	ssyncadd.s32 $0xFFFFC000  }
0x8d: {  	[tilespmem:s4], [sflag:$0x1] =	stream.linear.gather [hbm4b:s29+s4], $0x80, $0x38;
	[tilespmem:$0x1C200] =	vst v63  }
0x8e: {  	_ =	swait.ge [sflag:s21], $0x80  }
0x8f: {  	[sflag:s21] =	ssyncset.done $0x0  }
0x90: {  	[sflag:s21] =	ssyncadd.s32 $0xFFFFFF80  }
0x91: {  	[spmem:s3] =	stream.indirect.scatter.add.f32 [tilespmem:s12], [sflag:$0x7], $0x80, s14, s15, $0xb8;
	[tilespmem:$0x1C200] =	vst v63  }
0x92: {  	_ =	swait.ge [sflag:s13], $0x4000  }
0x93: {  	[sflag:s13] =	ssyncset.done $0x0  }
0x94: {  	s30 =	sadd.s32 $0x60, s25;
	[sflag:s13] =	ssyncadd.s32 $0xFFFFC000  }
0x95: {  	[tilespmem:s14], [sflag:$0x3] =	stream.linear.gather [hbm4b:s30+s4], $0x80, $0x38;
	[tilespmem:$0x1C200] =	vst v63  }
0x96: {  	_ =	swait.ge [sflag:s17], $0x80  }
0x97: {  	[sflag:s17] =	ssyncset.done $0x0  }
0x98: {  	[sflag:s17] =	ssyncadd.s32 $0xFFFFFF80  }
0x99: {  	[tilespmem:s12], [sflag:$0x5] =	stream.indirect.gather [hbm4b:s1+s15], $0x80, s4, s15, $0xb8;
	[tilespmem:$0x1C200] =	vst v63  }
0x9a: {  	_ =	swait.ge [sflag:s22], $0x4000  }
0x9b: {  	[sflag:s22] =	ssyncset.done $0x0  }
0x9c: {  	s31 =	sadd.s32 $0x70, s26;
	[sflag:s22] =	ssyncadd.s32 $0xFFFFC000  }
0x9d: {  	[tilespmem:s15], [sflag:$0x2] =	stream.linear.gather [hbm4b:s31+s4], $0x80, $0x38;
	[tilespmem:$0x1C200] =	vst v63  }
0x9e: {  	_ =	swait.ge [sflag:s23], $0x80  }
0x9f: {  	[sflag:s23] =	ssyncset.done $0x0  }
0xa0: {  	[sflag:s23] =	ssyncadd.s32 $0xFFFFFF80  }
0xa1: {  	[spmem:s3] =	stream.indirect.scatter.add.f32 [tilespmem:s19], [sflag:$0x7], $0x80, s16, s15, $0xb8;
	[tilespmem:$0x1C200] =	vst v63  }
0xa2: {  	_ =	swait.ge [sflag:s13], $0x4000  }
0xa3: {  	[sflag:s13] =	ssyncset.done $0x0  }
0xa4: {  	s29 =	sadd.s32 $0x70, s25;
	[sflag:s13] =	ssyncadd.s32 $0xFFFFC000  }
0xa5: {  	[tilespmem:s16], [sflag:$0x4] =	stream.linear.gather [hbm4b:s29+s4], $0x80, $0x38;
	[tilespmem:$0x1C200] =	vst v63  }
0xa6: {  	_ =	swait.ge [sflag:s18], $0x80  }
0xa7: {  	[sflag:s18] =	ssyncset.done $0x0  }
0xa8: {  	[sflag:s18] =	ssyncadd.s32 $0xFFFFFF80  }
0xa9: {  	[tilespmem:s19], [sflag:$0x6] =	stream.indirect.gather [hbm4b:s1+s15], $0x80, s15, s15, $0xb8;
	[tilespmem:$0x1C200] =	vst v63  }
0xaa: {  	_ =	swait.ge [sflag:s20], $0x4000  }
0xab: {  	[sflag:s20] =	ssyncset.done $0x0  }
0xac: {  	s30 =	sadd.s32 $0x80, s26;
	[sflag:s20] =	ssyncadd.s32 $0xFFFFC000  }
0xad: {  	[tilespmem:s4], [sflag:$0x1] =	stream.linear.gather [hbm4b:s30+s4], $0x80, $0x38;
	[tilespmem:$0x1C200] =	vst v63  }
0xae: {  	_ =	swait.ge [sflag:s21], $0x80  }
0xaf: {  	[sflag:s21] =	ssyncset.done $0x0  }
0xb0: {  	[sflag:s21] =	ssyncadd.s32 $0xFFFFFF80  }
0xb1: {  	[spmem:s3] =	stream.indirect.scatter.add.f32 [tilespmem:s12], [sflag:$0x7], $0x80, s14, s15, $0xb8;
	[tilespmem:$0x1C200] =	vst v63  }
0xb2: {  	_ =	swait.ge [sflag:s13], $0x4000  }
0xb3: {  	[sflag:s13] =	ssyncset.done $0x0  }
0xb4: {  	s31 =	sadd.s32 $0x80, s25;
	[sflag:s13] =	ssyncadd.s32 $0xFFFFC000  }
0xb5: {  	[tilespmem:s14], [sflag:$0x3] =	stream.linear.gather [hbm4b:s31+s4], $0x80, $0x38;
	[tilespmem:$0x1C200] =	vst v63  }
0xb6: {  	_ =	swait.ge [sflag:s17], $0x80  }
0xb7: {  	[sflag:s17] =	ssyncset.done $0x0  }
0xb8: {  	[sflag:s17] =	ssyncadd.s32 $0xFFFFFF80  }
0xb9: {  	[tilespmem:s12], [sflag:$0x5] =	stream.indirect.gather [hbm4b:s1+s15], $0x80, s4, s15, $0xb8;
	[tilespmem:$0x1C200] =	vst v63  }
0xba: {  	_ =	swait.ge [sflag:s22], $0x4000  }
0xbb: {  	[sflag:s22] =	ssyncset.done $0x0  }
0xbc: {  	s29 =	sadd.s32 $0x90, s26;
	[sflag:s22] =	ssyncadd.s32 $0xFFFFC000  }
0xbd: {  	[tilespmem:s15], [sflag:$0x2] =	stream.linear.gather [hbm4b:s29+s4], $0x80, $0x38;
	[tilespmem:$0x1C200] =	vst v63  }
0xbe: {  	_ =	swait.ge [sflag:s23], $0x80  }
0xbf: {  	[sflag:s23] =	ssyncset.done $0x0  }
0xc0: {  	[sflag:s23] =	ssyncadd.s32 $0xFFFFFF80  }
0xc1: {  	[spmem:s3] =	stream.indirect.scatter.add.f32 [tilespmem:s19], [sflag:$0x7], $0x80, s16, s15, $0xb8;
	[tilespmem:$0x1C200] =	vst v63  }
0xc2: {  	_ =	swait.ge [sflag:s13], $0x4000  }
0xc3: {  	[sflag:s13] =	ssyncset.done $0x0  }
0xc4: {  	s30 =	sadd.s32 $0x90, s25;
	[sflag:s13] =	ssyncadd.s32 $0xFFFFC000  }
0xc5: {  	[tilespmem:s16], [sflag:$0x4] =	stream.linear.gather [hbm4b:s30+s4], $0x80, $0x38;
	[tilespmem:$0x1C200] =	vst v63  }
0xc6: {  	_ =	swait.ge [sflag:s18], $0x80  }
0xc7: {  	[sflag:s18] =	ssyncset.done $0x0  }
0xc8: {  	[sflag:s18] =	ssyncadd.s32 $0xFFFFFF80  }
0xc9: {  	[tilespmem:s19], [sflag:$0x6] =	stream.indirect.gather [hbm4b:s1+s15], $0x80, s15, s15, $0xb8;
	[tilespmem:$0x1C200] =	vst v63  }
0xca: {  	_ =	swait.ge [sflag:s20], $0x4000  }
0xcb: {  	[sflag:s20] =	ssyncset.done $0x0  }
0xcc: {  	s31 =	sadd.s32 $0xA0, s26;
	[sflag:s20] =	ssyncadd.s32 $0xFFFFC000  }
0xcd: {  	[tilespmem:s4], [sflag:$0x1] =	stream.linear.gather [hbm4b:s31+s4], $0x80, $0x38;
	[tilespmem:$0x1C200] =	vst v63  }
0xce: {  	_ =	swait.ge [sflag:s21], $0x80  }
0xcf: {  	[sflag:s21] =	ssyncset.done $0x0  }
0xd0: {  	[sflag:s21] =	ssyncadd.s32 $0xFFFFFF80  }
0xd1: {  	[spmem:s3] =	stream.indirect.scatter.add.f32 [tilespmem:s12], [sflag:$0x7], $0x80, s14, s15, $0xb8;
	[tilespmem:$0x1C200] =	vst v63  }
0xd2: {  	_ =	swait.ge [sflag:s13], $0x4000  }
0xd3: {  	[sflag:s13] =	ssyncset.done $0x0  }
0xd4: {  	s29 =	sadd.s32 $0xA0, s25;
	[sflag:s13] =	ssyncadd.s32 $0xFFFFC000  }
0xd5: {  	[tilespmem:s14], [sflag:$0x3] =	stream.linear.gather [hbm4b:s29+s4], $0x80, $0x38;
	[tilespmem:$0x1C200] =	vst v63  }
0xd6: {  	_ =	swait.ge [sflag:s17], $0x80  }
0xd7: {  	[sflag:s17] =	ssyncset.done $0x0  }
0xd8: {  	[sflag:s17] =	ssyncadd.s32 $0xFFFFFF80  }
0xd9: {  	[tilespmem:s12], [sflag:$0x5] =	stream.indirect.gather [hbm4b:s1+s15], $0x80, s4, s15, $0xb8;
	[tilespmem:$0x1C200] =	vst v63  }
0xda: {  	_ =	swait.ge [sflag:s22], $0x4000  }
0xdb: {  	[sflag:s22] =	ssyncset.done $0x0  }
0xdc: {  	s30 =	sadd.s32 $0xB0, s26;
	[sflag:s22] =	ssyncadd.s32 $0xFFFFC000  }
0xdd: {  	[tilespmem:s15], [sflag:$0x2] =	stream.linear.gather [hbm4b:s30+s4], $0x80, $0x38;
	[tilespmem:$0x1C200] =	vst v63  }
0xde: {  	_ =	swait.ge [sflag:s23], $0x80  }
0xdf: {  	[sflag:s23] =	ssyncset.done $0x0  }
0xe0: {  	[sflag:s23] =	ssyncadd.s32 $0xFFFFFF80  }
0xe1: {  	[spmem:s3] =	stream.indirect.scatter.add.f32 [tilespmem:s19], [sflag:$0x7], $0x80, s16, s15, $0xb8;
	[tilespmem:$0x1C200] =	vst v63  }
0xe2: {  	_ =	swait.ge [sflag:s13], $0x4000  }
0xe3: {  	[sflag:s13] =	ssyncset.done $0x0  }
0xe4: {  	s31 =	sadd.s32 $0xB0, s25;
	[sflag:s13] =	ssyncadd.s32 $0xFFFFC000  }
0xe5: {  	[tilespmem:s16], [sflag:$0x4] =	stream.linear.gather [hbm4b:s31+s4], $0x80, $0x38;
	[tilespmem:$0x1C200] =	vst v63  }
0xe6: {  	_ =	swait.ge [sflag:s18], $0x80  }
0xe7: {  	[sflag:s18] =	ssyncset.done $0x0  }
0xe8: {  	[sflag:s18] =	ssyncadd.s32 $0xFFFFFF80  }
0xe9: {  	[tilespmem:s19], [sflag:$0x6] =	stream.indirect.gather [hbm4b:s1+s15], $0x80, s15, s15, $0xb8;
	[tilespmem:$0x1C200] =	vst v63  }
0xea: {  	_ =	swait.ge [sflag:s20], $0x4000  }
0xeb: {  	[sflag:s20] =	ssyncset.done $0x0  }
0xec: {  	s29 =	sadd.s32 $0xC0, s26;
	[sflag:s20] =	ssyncadd.s32 $0xFFFFC000  }
0xed: {  	[tilespmem:s4], [sflag:$0x1] =	stream.linear.gather [hbm4b:s29+s4], $0x80, $0x38;
	[tilespmem:$0x1C200] =	vst v63  }
0xee: {  	_ =	swait.ge [sflag:s21], $0x80  }
0xef: {  	[sflag:s21] =	ssyncset.done $0x0  }
0xf0: {  	[sflag:s21] =	ssyncadd.s32 $0xFFFFFF80  }
0xf1: {  	[spmem:s3] =	stream.indirect.scatter.add.f32 [tilespmem:s12], [sflag:$0x7], $0x80, s14, s15, $0xb8;
	[tilespmem:$0x1C200] =	vst v63  }
0xf2: {  	_ =	swait.ge [sflag:s13], $0x4000  }
0xf3: {  	[sflag:s13] =	ssyncset.done $0x0  }
0xf4: {  	s30 =	sadd.s32 $0xC0, s25;
	[sflag:s13] =	ssyncadd.s32 $0xFFFFC000  }
0xf5: {  	[tilespmem:s14], [sflag:$0x3] =	stream.linear.gather [hbm4b:s30+s4], $0x80, $0x38;
	[tilespmem:$0x1C200] =	vst v63  }
0xf6: {  	_ =	swait.ge [sflag:s17], $0x80  }
0xf7: {  	[sflag:s17] =	ssyncset.done $0x0  }
0xf8: {  	[sflag:s17] =	ssyncadd.s32 $0xFFFFFF80  }
0xf9: {  	[tilespmem:s12], [sflag:$0x5] =	stream.indirect.gather [hbm4b:s1+s15], $0x80, s4, s15, $0xb8;
	[tilespmem:$0x1C200] =	vst v63  }
0xfa: {  	_ =	swait.ge [sflag:s22], $0x4000  }
0xfb: {  	[sflag:s22] =	ssyncset.done $0x0  }
0xfc: {  	s31 =	sadd.s32 $0xD0, s26;
	[sflag:s22] =	ssyncadd.s32 $0xFFFFC000  }
0xfd: {  	[tilespmem:s15], [sflag:$0x2] =	stream.linear.gather [hbm4b:s31+s4], $0x80, $0x38;
	[tilespmem:$0x1C200] =	vst v63  }
0xfe: {  	_ =	swait.ge [sflag:s23], $0x80  }
0xff: {  	[sflag:s23] =	ssyncset.done $0x0  }
0x100: {  	[sflag:s23] =	ssyncadd.s32 $0xFFFFFF80  }
0x101: {  	[spmem:s3] =	stream.indirect.scatter.add.f32 [tilespmem:s19], [sflag:$0x7], $0x80, s16, s15, $0xb8;
	[tilespmem:$0x1C200] =	vst v63  }
0x102: {  	_ =	swait.ge [sflag:s13], $0x4000  }
0x103: {  	[sflag:s13] =	ssyncset.done $0x0  }
0x104: {  	s29 =	sadd.s32 $0xD0, s25;
	[sflag:s13] =	ssyncadd.s32 $0xFFFFC000  }
0x105: {  	[tilespmem:s16], [sflag:$0x4] =	stream.linear.gather [hbm4b:s29+s4], $0x80, $0x38;
	[tilespmem:$0x1C200] =	vst v63  }
0x106: {  	_ =	swait.ge [sflag:s18], $0x80  }
0x107: {  	[sflag:s18] =	ssyncset.done $0x0  }
0x108: {  	[sflag:s18] =	ssyncadd.s32 $0xFFFFFF80  }
0x109: {  	[tilespmem:s19], [sflag:$0x6] =	stream.indirect.gather [hbm4b:s1+s15], $0x80, s15, s15, $0xb8;
	[tilespmem:$0x1C200] =	vst v63  }
0x10a: {  	_ =	swait.ge [sflag:s20], $0x4000  }
0x10b: {  	[sflag:s20] =	ssyncset.done $0x0  }
0x10c: {  	s30 =	sadd.s32 $0xE0, s26;
	[sflag:s20] =	ssyncadd.s32 $0xFFFFC000  }
0x10d: {  	[tilespmem:s4], [sflag:$0x1] =	stream.linear.gather [hbm4b:s30+s4], $0x80, $0x38;
	[tilespmem:$0x1C200] =	vst v63  }
0x10e: {  	_ =	swait.ge [sflag:s21], $0x80  }
0x10f: {  	[sflag:s21] =	ssyncset.done $0x0  }
0x110: {  	[sflag:s21] =	ssyncadd.s32 $0xFFFFFF80  }
0x111: {  	[spmem:s3] =	stream.indirect.scatter.add.f32 [tilespmem:s12], [sflag:$0x7], $0x80, s14, s15, $0xb8;
	[tilespmem:$0x1C200] =	vst v63  }
0x112: {  	_ =	swait.ge [sflag:s13], $0x4000  }
0x113: {  	[sflag:s13] =	ssyncset.done $0x0  }
0x114: {  	s31 =	sadd.s32 $0xE0, s25;
	[sflag:s13] =	ssyncadd.s32 $0xFFFFC000  }
0x115: {  	[tilespmem:s14], [sflag:$0x3] =	stream.linear.gather [hbm4b:s31+s4], $0x80, $0x38;
	[tilespmem:$0x1C200] =	vst v63  }
0x116: {  	_ =	swait.ge [sflag:s17], $0x80  }
0x117: {  	[sflag:s17] =	ssyncset.done $0x0  }
0x118: {  	[sflag:s17] =	ssyncadd.s32 $0xFFFFFF80  }
0x119: {  	[tilespmem:s12], [sflag:$0x5] =	stream.indirect.gather [hbm4b:s1+s15], $0x80, s4, s15, $0xb8;
	[tilespmem:$0x1C200] =	vst v63  }
0x11a: {  	_ =	swait.ge [sflag:s22], $0x4000  }
0x11b: {  	[sflag:s22] =	ssyncset.done $0x0  }
0x11c: {  	s26 =	sadd.s32 $0xF0, s26;
	[sflag:s22] =	ssyncadd.s32 $0xFFFFC000  }
0x11d: {  	[tilespmem:s15], [sflag:$0x2] =	stream.linear.gather [hbm4b:s26+s4], $0x80, $0x38;
	[tilespmem:$0x1C200] =	vst v63  }
0x11e: {  	_ =	swait.ge [sflag:s23], $0x80  }
0x11f: {  	[sflag:s23] =	ssyncset.done $0x0  }
0x120: {  	[sflag:s23] =	ssyncadd.s32 $0xFFFFFF80  }
0x121: {  	[spmem:s3] =	stream.indirect.scatter.add.f32 [tilespmem:s19], [sflag:$0x7], $0x80, s16, s15, $0xb8;
	[tilespmem:$0x1C200] =	vst v63  }
0x122: {  	_ =	swait.ge [sflag:s13], $0x4000  }
0x123: {  	[sflag:s13] =	ssyncset.done $0x0  }
0x124: {  	s25 =	sadd.s32 $0xF0, s25;
	[sflag:s13] =	ssyncadd.s32 $0xFFFFC000  }
0x125: {  	[tilespmem:s16], [sflag:$0x4] =	stream.linear.gather [hbm4b:s25+s4], $0x80, $0x38;
	[tilespmem:$0x1C200] =	vst v63  }
0x126: {  	_ =	swait.ge [sflag:s18], $0x80  }
0x127: {  	[sflag:s18] =	ssyncset.done $0x0  }
0x128: {  	[sflag:s18] =	ssyncadd.s32 $0xFFFFFF80  }
0x129: {  	[tilespmem:s19], [sflag:$0x6] =	stream.indirect.gather [hbm4b:s1+s15], $0x80, s15, s15, $0xb8;
	[tilespmem:$0x1C200] =	vst v63  }
0x12a: {  	_ =	swait.ge [sflag:s20], $0x4000  }
0x12b: {  	[sflag:s20] =	ssyncset.done $0x0  }
0x12c: {  	[sflag:s20] =	ssyncadd.s32 $0xFFFFC000  }
0x12d: {  	_ =	swait.ge [sflag:s21], $0x80  }
0x12e: {  	[sflag:s21] =	ssyncset.done $0x0  }
0x12f: {  	[sflag:s21] =	ssyncadd.s32 $0xFFFFFF80  }
0x130: {  	[spmem:s3] =	stream.indirect.scatter.add.f32 [tilespmem:s12], [sflag:$0x7], $0x80, s14, s15, $0xb8;
	[tilespmem:$0x1C200] =	vst v63  }
0x131: {  	_ =	swait.ge [sflag:s13], $0x4000  }
0x132: {  	[sflag:s13] =	ssyncset.done $0x0  }
0x133: {  	[sflag:s13] =	ssyncadd.s32 $0xFFFFC000  }
0x134: {  	_ =	swait.ge [sflag:s22], $0x4000  }
0x135: {  	[sflag:s22] =	ssyncset.done $0x0  }
0x136: {  	[sflag:s22] =	ssyncadd.s32 $0xFFFFC000  }
0x137: {  	_ =	swait.ge [sflag:s23], $0x80  }
0x138: {  	[sflag:s23] =	ssyncset.done $0x0  }
0x139: {  	[sflag:s23] =	ssyncadd.s32 $0xFFFFFF80  }
0x13a: {  	[spmem:s3] =	stream.indirect.scatter.add.f32 [tilespmem:s19], [sflag:$0x7], $0x80, s16, s15, $0xb8;
	[tilespmem:$0x1C200] =	vst v63  }
0x13b: {  	s25 =	simm.s32 $0x100;
	_ =	swait.ge [sflag:s13], $0x4000  }
.LBB2_4:
0x13c: {  	s26 =	rddreg [dreg:$0x4];
	s29 =	smov.u32 s25;
	[sflag:s13] =	ssyncset.done $0x0  }
0x13d: {  	s30 =	rddreg [dreg:$0x5];
	s28 =	sadd.s32 s29, s26;
	[sflag:s13] =	ssyncadd.s32 $0xFFFFC000  }
0x13e: {  	[tilespmem:s4], [sflag:$0x1] =	stream.linear.gather [hbm4b:s28+s4], $0x80, $0x38;
	[tilespmem:$0x1C200] =	vst v63  }
0x13f: {  	s26 =	sadd.s32 s29, s30  }
0x140: {  	[tilespmem:s14], [sflag:$0x3] =	stream.linear.gather [hbm4b:s26+s4], $0x80, $0x38;
	[tilespmem:$0x1C200] =	vst v63  }
0x141: {  	s30 =	sadd.s32 $0x10, s28  }
0x142: {  	[tilespmem:s15], [sflag:$0x2] =	stream.linear.gather [hbm4b:s30+s4], $0x80, $0x38;
	[tilespmem:$0x1C200] =	vst v63  }
0x143: {  	s31 =	sadd.s32 $0x10, s26  }
0x144: {  	[tilespmem:s16], [sflag:$0x4] =	stream.linear.gather [hbm4b:s31+s4], $0x80, $0x38;
	[tilespmem:$0x1C200] =	vst v63  }
0x145: {  	_ =	swait.ge [sflag:s17], $0x80  }
0x146: {  	[sflag:s17] =	ssyncset.done $0x0  }
0x147: {  	[sflag:s17] =	ssyncadd.s32 $0xFFFFFF80  }
0x148: {  	[tilespmem:s12], [sflag:$0x5] =	stream.indirect.gather [hbm4b:s1+s15], $0x80, s4, s15, $0xb8;
	[tilespmem:$0x1C200] =	vst v63  }
0x149: {  	_ =	swait.ge [sflag:s18], $0x80  }
0x14a: {  	[sflag:s18] =	ssyncset.done $0x0  }
0x14b: {  	[sflag:s18] =	ssyncadd.s32 $0xFFFFFF80  }
0x14c: {  	[tilespmem:s19], [sflag:$0x6] =	stream.indirect.gather [hbm4b:s1+s15], $0x80, s15, s15, $0xb8;
	[tilespmem:$0x1C200] =	vst v63  }
0x14d: {  	_ =	swait.ge [sflag:s20], $0x4000  }
0x14e: {  	[sflag:s20] =	ssyncset.done $0x0  }
0x14f: {  	s30 =	sadd.s32 $0x20, s28;
	[sflag:s20] =	ssyncadd.s32 $0xFFFFC000  }
0x150: {  	[tilespmem:s4], [sflag:$0x1] =	stream.linear.gather [hbm4b:s30+s4], $0x80, $0x38;
	[tilespmem:$0x1C200] =	vst v63  }
0x151: {  	_ =	swait.ge [sflag:s21], $0x80  }
0x152: {  	[sflag:s21] =	ssyncset.done $0x0  }
0x153: {  	[sflag:s21] =	ssyncadd.s32 $0xFFFFFF80  }
0x154: {  	[spmem:s3] =	stream.indirect.scatter.add.f32 [tilespmem:s12], [sflag:$0x7], $0x80, s14, s15, $0xb8;
	[tilespmem:$0x1C200] =	vst v63  }
0x155: {  	_ =	swait.ge [sflag:s13], $0x4000  }
0x156: {  	[sflag:s13] =	ssyncset.done $0x0  }
0x157: {  	s31 =	sadd.s32 $0x20, s26;
	[sflag:s13] =	ssyncadd.s32 $0xFFFFC000  }
0x158: {  	[tilespmem:s14], [sflag:$0x3] =	stream.linear.gather [hbm4b:s31+s4], $0x80, $0x38;
	[tilespmem:$0x1C200] =	vst v63  }
0x159: {  	_ =	swait.ge [sflag:s17], $0x80  }
0x15a: {  	[sflag:s17] =	ssyncset.done $0x0  }
0x15b: {  	[sflag:s17] =	ssyncadd.s32 $0xFFFFFF80  }
0x15c: {  	[tilespmem:s12], [sflag:$0x5] =	stream.indirect.gather [hbm4b:s1+s15], $0x80, s4, s15, $0xb8;
	[tilespmem:$0x1C200] =	vst v63  }
0x15d: {  	_ =	swait.ge [sflag:s22], $0x4000  }
0x15e: {  	[sflag:s22] =	ssyncset.done $0x0  }
0x15f: {  	s30 =	sadd.s32 $0x30, s28;
	[sflag:s22] =	ssyncadd.s32 $0xFFFFC000  }
0x160: {  	[tilespmem:s15], [sflag:$0x2] =	stream.linear.gather [hbm4b:s30+s4], $0x80, $0x38;
	[tilespmem:$0x1C200] =	vst v63  }
0x161: {  	_ =	swait.ge [sflag:s23], $0x80  }
0x162: {  	[sflag:s23] =	ssyncset.done $0x0  }
0x163: {  	[sflag:s23] =	ssyncadd.s32 $0xFFFFFF80  }
0x164: {  	[spmem:s3] =	stream.indirect.scatter.add.f32 [tilespmem:s19], [sflag:$0x7], $0x80, s16, s15, $0xb8;
	[tilespmem:$0x1C200] =	vst v63  }
0x165: {  	_ =	swait.ge [sflag:s13], $0x4000  }
0x166: {  	[sflag:s13] =	ssyncset.done $0x0  }
0x167: {  	s31 =	sadd.s32 $0x30, s26;
	[sflag:s13] =	ssyncadd.s32 $0xFFFFC000  }
0x168: {  	[tilespmem:s16], [sflag:$0x4] =	stream.linear.gather [hbm4b:s31+s4], $0x80, $0x38;
	[tilespmem:$0x1C200] =	vst v63  }
0x169: {  	_ =	swait.ge [sflag:s18], $0x80  }
0x16a: {  	[sflag:s18] =	ssyncset.done $0x0  }
0x16b: {  	[sflag:s18] =	ssyncadd.s32 $0xFFFFFF80  }
0x16c: {  	[tilespmem:s19], [sflag:$0x6] =	stream.indirect.gather [hbm4b:s1+s15], $0x80, s15, s15, $0xb8;
	[tilespmem:$0x1C200] =	vst v63  }
0x16d: {  	_ =	swait.ge [sflag:s20], $0x4000  }
0x16e: {  	[sflag:s20] =	ssyncset.done $0x0  }
0x16f: {  	s30 =	sadd.s32 $0x40, s28;
	[sflag:s20] =	ssyncadd.s32 $0xFFFFC000  }
0x170: {  	[tilespmem:s4], [sflag:$0x1] =	stream.linear.gather [hbm4b:s30+s4], $0x80, $0x38;
	[tilespmem:$0x1C200] =	vst v63  }
0x171: {  	_ =	swait.ge [sflag:s21], $0x80  }
0x172: {  	[sflag:s21] =	ssyncset.done $0x0  }
0x173: {  	[sflag:s21] =	ssyncadd.s32 $0xFFFFFF80  }
0x174: {  	[spmem:s3] =	stream.indirect.scatter.add.f32 [tilespmem:s12], [sflag:$0x7], $0x80, s14, s15, $0xb8;
	[tilespmem:$0x1C200] =	vst v63  }
0x175: {  	_ =	swait.ge [sflag:s13], $0x4000  }
0x176: {  	[sflag:s13] =	ssyncset.done $0x0  }
0x177: {  	s31 =	sadd.s32 $0x40, s26;
	[sflag:s13] =	ssyncadd.s32 $0xFFFFC000  }
0x178: {  	[tilespmem:s14], [sflag:$0x3] =	stream.linear.gather [hbm4b:s31+s4], $0x80, $0x38;
	[tilespmem:$0x1C200] =	vst v63  }
0x179: {  	_ =	swait.ge [sflag:s17], $0x80  }
0x17a: {  	[sflag:s17] =	ssyncset.done $0x0  }
0x17b: {  	[sflag:s17] =	ssyncadd.s32 $0xFFFFFF80  }
0x17c: {  	[tilespmem:s12], [sflag:$0x5] =	stream.indirect.gather [hbm4b:s1+s15], $0x80, s4, s15, $0xb8;
	[tilespmem:$0x1C200] =	vst v63  }
0x17d: {  	_ =	swait.ge [sflag:s22], $0x4000  }
0x17e: {  	[sflag:s22] =	ssyncset.done $0x0  }
0x17f: {  	s30 =	sadd.s32 $0x50, s28;
	[sflag:s22] =	ssyncadd.s32 $0xFFFFC000  }
0x180: {  	[tilespmem:s15], [sflag:$0x2] =	stream.linear.gather [hbm4b:s30+s4], $0x80, $0x38;
	[tilespmem:$0x1C200] =	vst v63  }
0x181: {  	_ =	swait.ge [sflag:s23], $0x80  }
0x182: {  	[sflag:s23] =	ssyncset.done $0x0  }
0x183: {  	[sflag:s23] =	ssyncadd.s32 $0xFFFFFF80  }
0x184: {  	[spmem:s3] =	stream.indirect.scatter.add.f32 [tilespmem:s19], [sflag:$0x7], $0x80, s16, s15, $0xb8;
	[tilespmem:$0x1C200] =	vst v63  }
0x185: {  	_ =	swait.ge [sflag:s13], $0x4000  }
0x186: {  	[sflag:s13] =	ssyncset.done $0x0  }
0x187: {  	s31 =	sadd.s32 $0x50, s26;
	[sflag:s13] =	ssyncadd.s32 $0xFFFFC000  }
0x188: {  	[tilespmem:s16], [sflag:$0x4] =	stream.linear.gather [hbm4b:s31+s4], $0x80, $0x38;
	[tilespmem:$0x1C200] =	vst v63  }
0x189: {  	_ =	swait.ge [sflag:s18], $0x80  }
0x18a: {  	[sflag:s18] =	ssyncset.done $0x0  }
0x18b: {  	[sflag:s18] =	ssyncadd.s32 $0xFFFFFF80  }
0x18c: {  	[tilespmem:s19], [sflag:$0x6] =	stream.indirect.gather [hbm4b:s1+s15], $0x80, s15, s15, $0xb8;
	[tilespmem:$0x1C200] =	vst v63  }
0x18d: {  	_ =	swait.ge [sflag:s20], $0x4000  }
0x18e: {  	[sflag:s20] =	ssyncset.done $0x0  }
0x18f: {  	s30 =	sadd.s32 $0x60, s28;
	[sflag:s20] =	ssyncadd.s32 $0xFFFFC000  }
0x190: {  	[tilespmem:s4], [sflag:$0x1] =	stream.linear.gather [hbm4b:s30+s4], $0x80, $0x38;
	[tilespmem:$0x1C200] =	vst v63  }
0x191: {  	_ =	swait.ge [sflag:s21], $0x80  }
0x192: {  	[sflag:s21] =	ssyncset.done $0x0  }
0x193: {  	[sflag:s21] =	ssyncadd.s32 $0xFFFFFF80  }
0x194: {  	[spmem:s3] =	stream.indirect.scatter.add.f32 [tilespmem:s12], [sflag:$0x7], $0x80, s14, s15, $0xb8;
	[tilespmem:$0x1C200] =	vst v63  }
0x195: {  	_ =	swait.ge [sflag:s13], $0x4000  }
0x196: {  	[sflag:s13] =	ssyncset.done $0x0  }
0x197: {  	s31 =	sadd.s32 $0x60, s26;
	[sflag:s13] =	ssyncadd.s32 $0xFFFFC000  }
0x198: {  	[tilespmem:s14], [sflag:$0x3] =	stream.linear.gather [hbm4b:s31+s4], $0x80, $0x38;
	[tilespmem:$0x1C200] =	vst v63  }
0x199: {  	_ =	swait.ge [sflag:s17], $0x80  }
0x19a: {  	[sflag:s17] =	ssyncset.done $0x0  }
0x19b: {  	[sflag:s17] =	ssyncadd.s32 $0xFFFFFF80  }
0x19c: {  	[tilespmem:s12], [sflag:$0x5] =	stream.indirect.gather [hbm4b:s1+s15], $0x80, s4, s15, $0xb8;
	[tilespmem:$0x1C200] =	vst v63  }
0x19d: {  	_ =	swait.ge [sflag:s22], $0x4000  }
0x19e: {  	[sflag:s22] =	ssyncset.done $0x0  }
0x19f: {  	s30 =	sadd.s32 $0x70, s28;
	[sflag:s22] =	ssyncadd.s32 $0xFFFFC000  }
0x1a0: {  	[tilespmem:s15], [sflag:$0x2] =	stream.linear.gather [hbm4b:s30+s4], $0x80, $0x38;
	[tilespmem:$0x1C200] =	vst v63  }
0x1a1: {  	_ =	swait.ge [sflag:s23], $0x80  }
0x1a2: {  	[sflag:s23] =	ssyncset.done $0x0  }
0x1a3: {  	[sflag:s23] =	ssyncadd.s32 $0xFFFFFF80  }
0x1a4: {  	[spmem:s3] =	stream.indirect.scatter.add.f32 [tilespmem:s19], [sflag:$0x7], $0x80, s16, s15, $0xb8;
	[tilespmem:$0x1C200] =	vst v63  }
0x1a5: {  	_ =	swait.ge [sflag:s13], $0x4000  }
0x1a6: {  	[sflag:s13] =	ssyncset.done $0x0  }
0x1a7: {  	s31 =	sadd.s32 $0x70, s26;
	[sflag:s13] =	ssyncadd.s32 $0xFFFFC000  }
0x1a8: {  	[tilespmem:s16], [sflag:$0x4] =	stream.linear.gather [hbm4b:s31+s4], $0x80, $0x38;
	[tilespmem:$0x1C200] =	vst v63  }
0x1a9: {  	_ =	swait.ge [sflag:s18], $0x80  }
0x1aa: {  	[sflag:s18] =	ssyncset.done $0x0  }
0x1ab: {  	[sflag:s18] =	ssyncadd.s32 $0xFFFFFF80  }
0x1ac: {  	[tilespmem:s19], [sflag:$0x6] =	stream.indirect.gather [hbm4b:s1+s15], $0x80, s15, s15, $0xb8;
	[tilespmem:$0x1C200] =	vst v63  }
0x1ad: {  	_ =	swait.ge [sflag:s20], $0x4000  }
0x1ae: {  	[sflag:s20] =	ssyncset.done $0x0  }
0x1af: {  	s30 =	sadd.s32 $0x80, s28;
	[sflag:s20] =	ssyncadd.s32 $0xFFFFC000  }
0x1b0: {  	[tilespmem:s4], [sflag:$0x1] =	stream.linear.gather [hbm4b:s30+s4], $0x80, $0x38;
	[tilespmem:$0x1C200] =	vst v63  }
0x1b1: {  	_ =	swait.ge [sflag:s21], $0x80  }
0x1b2: {  	[sflag:s21] =	ssyncset.done $0x0  }
0x1b3: {  	[sflag:s21] =	ssyncadd.s32 $0xFFFFFF80  }
0x1b4: {  	[spmem:s3] =	stream.indirect.scatter.add.f32 [tilespmem:s12], [sflag:$0x7], $0x80, s14, s15, $0xb8;
	[tilespmem:$0x1C200] =	vst v63  }
0x1b5: {  	_ =	swait.ge [sflag:s13], $0x4000  }
0x1b6: {  	[sflag:s13] =	ssyncset.done $0x0  }
0x1b7: {  	s31 =	sadd.s32 $0x80, s26;
	[sflag:s13] =	ssyncadd.s32 $0xFFFFC000  }
0x1b8: {  	[tilespmem:s14], [sflag:$0x3] =	stream.linear.gather [hbm4b:s31+s4], $0x80, $0x38;
	[tilespmem:$0x1C200] =	vst v63  }
0x1b9: {  	_ =	swait.ge [sflag:s17], $0x80  }
0x1ba: {  	[sflag:s17] =	ssyncset.done $0x0  }
0x1bb: {  	[sflag:s17] =	ssyncadd.s32 $0xFFFFFF80  }
0x1bc: {  	[tilespmem:s12], [sflag:$0x5] =	stream.indirect.gather [hbm4b:s1+s15], $0x80, s4, s15, $0xb8;
	[tilespmem:$0x1C200] =	vst v63  }
0x1bd: {  	_ =	swait.ge [sflag:s22], $0x4000  }
0x1be: {  	[sflag:s22] =	ssyncset.done $0x0  }
0x1bf: {  	s30 =	sadd.s32 $0x90, s28;
	[sflag:s22] =	ssyncadd.s32 $0xFFFFC000  }
0x1c0: {  	[tilespmem:s15], [sflag:$0x2] =	stream.linear.gather [hbm4b:s30+s4], $0x80, $0x38;
	[tilespmem:$0x1C200] =	vst v63  }
0x1c1: {  	_ =	swait.ge [sflag:s23], $0x80  }
0x1c2: {  	[sflag:s23] =	ssyncset.done $0x0  }
0x1c3: {  	[sflag:s23] =	ssyncadd.s32 $0xFFFFFF80  }
0x1c4: {  	[spmem:s3] =	stream.indirect.scatter.add.f32 [tilespmem:s19], [sflag:$0x7], $0x80, s16, s15, $0xb8;
	[tilespmem:$0x1C200] =	vst v63  }
0x1c5: {  	_ =	swait.ge [sflag:s13], $0x4000  }
0x1c6: {  	[sflag:s13] =	ssyncset.done $0x0  }
0x1c7: {  	s31 =	sadd.s32 $0x90, s26;
	[sflag:s13] =	ssyncadd.s32 $0xFFFFC000  }
0x1c8: {  	[tilespmem:s16], [sflag:$0x4] =	stream.linear.gather [hbm4b:s31+s4], $0x80, $0x38;
	[tilespmem:$0x1C200] =	vst v63  }
0x1c9: {  	_ =	swait.ge [sflag:s18], $0x80  }
0x1ca: {  	[sflag:s18] =	ssyncset.done $0x0  }
0x1cb: {  	[sflag:s18] =	ssyncadd.s32 $0xFFFFFF80  }
0x1cc: {  	[tilespmem:s19], [sflag:$0x6] =	stream.indirect.gather [hbm4b:s1+s15], $0x80, s15, s15, $0xb8;
	[tilespmem:$0x1C200] =	vst v63  }
0x1cd: {  	_ =	swait.ge [sflag:s20], $0x4000  }
0x1ce: {  	[sflag:s20] =	ssyncset.done $0x0  }
0x1cf: {  	s30 =	sadd.s32 $0xA0, s28;
	[sflag:s20] =	ssyncadd.s32 $0xFFFFC000  }
0x1d0: {  	[tilespmem:s4], [sflag:$0x1] =	stream.linear.gather [hbm4b:s30+s4], $0x80, $0x38;
	[tilespmem:$0x1C200] =	vst v63  }
0x1d1: {  	_ =	swait.ge [sflag:s21], $0x80  }
0x1d2: {  	[sflag:s21] =	ssyncset.done $0x0  }
0x1d3: {  	[sflag:s21] =	ssyncadd.s32 $0xFFFFFF80  }
0x1d4: {  	[spmem:s3] =	stream.indirect.scatter.add.f32 [tilespmem:s12], [sflag:$0x7], $0x80, s14, s15, $0xb8;
	[tilespmem:$0x1C200] =	vst v63  }
0x1d5: {  	_ =	swait.ge [sflag:s13], $0x4000  }
0x1d6: {  	[sflag:s13] =	ssyncset.done $0x0  }
0x1d7: {  	s31 =	sadd.s32 $0xA0, s26;
	[sflag:s13] =	ssyncadd.s32 $0xFFFFC000  }
0x1d8: {  	[tilespmem:s14], [sflag:$0x3] =	stream.linear.gather [hbm4b:s31+s4], $0x80, $0x38;
	[tilespmem:$0x1C200] =	vst v63  }
0x1d9: {  	_ =	swait.ge [sflag:s17], $0x80  }
0x1da: {  	[sflag:s17] =	ssyncset.done $0x0  }
0x1db: {  	[sflag:s17] =	ssyncadd.s32 $0xFFFFFF80  }
0x1dc: {  	[tilespmem:s12], [sflag:$0x5] =	stream.indirect.gather [hbm4b:s1+s15], $0x80, s4, s15, $0xb8;
	[tilespmem:$0x1C200] =	vst v63  }
0x1dd: {  	_ =	swait.ge [sflag:s22], $0x4000  }
0x1de: {  	[sflag:s22] =	ssyncset.done $0x0  }
0x1df: {  	s30 =	sadd.s32 $0xB0, s28;
	[sflag:s22] =	ssyncadd.s32 $0xFFFFC000  }
0x1e0: {  	[tilespmem:s15], [sflag:$0x2] =	stream.linear.gather [hbm4b:s30+s4], $0x80, $0x38;
	[tilespmem:$0x1C200] =	vst v63  }
0x1e1: {  	_ =	swait.ge [sflag:s23], $0x80  }
0x1e2: {  	[sflag:s23] =	ssyncset.done $0x0  }
0x1e3: {  	[sflag:s23] =	ssyncadd.s32 $0xFFFFFF80  }
0x1e4: {  	[spmem:s3] =	stream.indirect.scatter.add.f32 [tilespmem:s19], [sflag:$0x7], $0x80, s16, s15, $0xb8;
	[tilespmem:$0x1C200] =	vst v63  }
0x1e5: {  	_ =	swait.ge [sflag:s13], $0x4000  }
0x1e6: {  	[sflag:s13] =	ssyncset.done $0x0  }
0x1e7: {  	s31 =	sadd.s32 $0xB0, s26;
	[sflag:s13] =	ssyncadd.s32 $0xFFFFC000  }
0x1e8: {  	[tilespmem:s16], [sflag:$0x4] =	stream.linear.gather [hbm4b:s31+s4], $0x80, $0x38;
	[tilespmem:$0x1C200] =	vst v63  }
0x1e9: {  	_ =	swait.ge [sflag:s18], $0x80  }
0x1ea: {  	[sflag:s18] =	ssyncset.done $0x0  }
0x1eb: {  	[sflag:s18] =	ssyncadd.s32 $0xFFFFFF80  }
0x1ec: {  	[tilespmem:s19], [sflag:$0x6] =	stream.indirect.gather [hbm4b:s1+s15], $0x80, s15, s15, $0xb8;
	[tilespmem:$0x1C200] =	vst v63  }
0x1ed: {  	_ =	swait.ge [sflag:s20], $0x4000  }
0x1ee: {  	[sflag:s20] =	ssyncset.done $0x0  }
0x1ef: {  	s30 =	sadd.s32 $0xC0, s28;
	[sflag:s20] =	ssyncadd.s32 $0xFFFFC000  }
0x1f0: {  	[tilespmem:s4], [sflag:$0x1] =	stream.linear.gather [hbm4b:s30+s4], $0x80, $0x38;
	[tilespmem:$0x1C200] =	vst v63  }
0x1f1: {  	_ =	swait.ge [sflag:s21], $0x80  }
0x1f2: {  	[sflag:s21] =	ssyncset.done $0x0  }
0x1f3: {  	[sflag:s21] =	ssyncadd.s32 $0xFFFFFF80  }
0x1f4: {  	[spmem:s3] =	stream.indirect.scatter.add.f32 [tilespmem:s12], [sflag:$0x7], $0x80, s14, s15, $0xb8;
	[tilespmem:$0x1C200] =	vst v63  }
0x1f5: {  	_ =	swait.ge [sflag:s13], $0x4000  }
0x1f6: {  	[sflag:s13] =	ssyncset.done $0x0  }
0x1f7: {  	s31 =	sadd.s32 $0xC0, s26;
	[sflag:s13] =	ssyncadd.s32 $0xFFFFC000  }
0x1f8: {  	[tilespmem:s14], [sflag:$0x3] =	stream.linear.gather [hbm4b:s31+s4], $0x80, $0x38;
	[tilespmem:$0x1C200] =	vst v63  }
0x1f9: {  	_ =	swait.ge [sflag:s17], $0x80  }
0x1fa: {  	[sflag:s17] =	ssyncset.done $0x0  }
0x1fb: {  	[sflag:s17] =	ssyncadd.s32 $0xFFFFFF80  }
0x1fc: {  	[tilespmem:s12], [sflag:$0x5] =	stream.indirect.gather [hbm4b:s1+s15], $0x80, s4, s15, $0xb8;
	[tilespmem:$0x1C200] =	vst v63  }
0x1fd: {  	_ =	swait.ge [sflag:s22], $0x4000  }
0x1fe: {  	[sflag:s22] =	ssyncset.done $0x0  }
0x1ff: {  	s30 =	sadd.s32 $0xD0, s28;
	[sflag:s22] =	ssyncadd.s32 $0xFFFFC000  }
0x200: {  	[tilespmem:s15], [sflag:$0x2] =	stream.linear.gather [hbm4b:s30+s4], $0x80, $0x38;
	[tilespmem:$0x1C200] =	vst v63  }
0x201: {  	_ =	swait.ge [sflag:s23], $0x80  }
0x202: {  	[sflag:s23] =	ssyncset.done $0x0  }
0x203: {  	[sflag:s23] =	ssyncadd.s32 $0xFFFFFF80  }
0x204: {  	[spmem:s3] =	stream.indirect.scatter.add.f32 [tilespmem:s19], [sflag:$0x7], $0x80, s16, s15, $0xb8;
	[tilespmem:$0x1C200] =	vst v63  }
0x205: {  	_ =	swait.ge [sflag:s13], $0x4000  }
0x206: {  	[sflag:s13] =	ssyncset.done $0x0  }
0x207: {  	s31 =	sadd.s32 $0xD0, s26;
	[sflag:s13] =	ssyncadd.s32 $0xFFFFC000  }
0x208: {  	[tilespmem:s16], [sflag:$0x4] =	stream.linear.gather [hbm4b:s31+s4], $0x80, $0x38;
	[tilespmem:$0x1C200] =	vst v63  }
0x209: {  	_ =	swait.ge [sflag:s18], $0x80  }
0x20a: {  	[sflag:s18] =	ssyncset.done $0x0  }
0x20b: {  	[sflag:s18] =	ssyncadd.s32 $0xFFFFFF80  }
0x20c: {  	[tilespmem:s19], [sflag:$0x6] =	stream.indirect.gather [hbm4b:s1+s15], $0x80, s15, s15, $0xb8;
	[tilespmem:$0x1C200] =	vst v63  }
0x20d: {  	_ =	swait.ge [sflag:s20], $0x4000  }
0x20e: {  	[sflag:s20] =	ssyncset.done $0x0  }
0x20f: {  	s30 =	sadd.s32 $0xE0, s28;
	[sflag:s20] =	ssyncadd.s32 $0xFFFFC000  }
0x210: {  	[tilespmem:s4], [sflag:$0x1] =	stream.linear.gather [hbm4b:s30+s4], $0x80, $0x38;
	[tilespmem:$0x1C200] =	vst v63  }
0x211: {  	_ =	swait.ge [sflag:s21], $0x80  }
0x212: {  	[sflag:s21] =	ssyncset.done $0x0  }
0x213: {  	[sflag:s21] =	ssyncadd.s32 $0xFFFFFF80  }
0x214: {  	[spmem:s3] =	stream.indirect.scatter.add.f32 [tilespmem:s12], [sflag:$0x7], $0x80, s14, s15, $0xb8;
	[tilespmem:$0x1C200] =	vst v63  }
0x215: {  	_ =	swait.ge [sflag:s13], $0x4000  }
0x216: {  	[sflag:s13] =	ssyncset.done $0x0  }
0x217: {  	s31 =	sadd.s32 $0xE0, s26;
	[sflag:s13] =	ssyncadd.s32 $0xFFFFC000  }
0x218: {  	[tilespmem:s14], [sflag:$0x3] =	stream.linear.gather [hbm4b:s31+s4], $0x80, $0x38;
	[tilespmem:$0x1C200] =	vst v63  }
0x219: {  	_ =	swait.ge [sflag:s17], $0x80  }
0x21a: {  	[sflag:s17] =	ssyncset.done $0x0  }
0x21b: {  	[sflag:s17] =	ssyncadd.s32 $0xFFFFFF80  }
0x21c: {  	[tilespmem:s12], [sflag:$0x5] =	stream.indirect.gather [hbm4b:s1+s15], $0x80, s4, s15, $0xb8;
	[tilespmem:$0x1C200] =	vst v63  }
0x21d: {  	_ =	swait.ge [sflag:s22], $0x4000  }
0x21e: {  	[sflag:s22] =	ssyncset.done $0x0  }
0x21f: {  	s28 =	sadd.s32 $0xF0, s28;
	[sflag:s22] =	ssyncadd.s32 $0xFFFFC000  }
0x220: {  	[tilespmem:s15], [sflag:$0x2] =	stream.linear.gather [hbm4b:s28+s4], $0x80, $0x38;
	[tilespmem:$0x1C200] =	vst v63  }
0x221: {  	_ =	swait.ge [sflag:s23], $0x80  }
0x222: {  	[sflag:s23] =	ssyncset.done $0x0  }
0x223: {  	[sflag:s23] =	ssyncadd.s32 $0xFFFFFF80  }
0x224: {  	[spmem:s3] =	stream.indirect.scatter.add.f32 [tilespmem:s19], [sflag:$0x7], $0x80, s16, s15, $0xb8;
	[tilespmem:$0x1C200] =	vst v63  }
0x225: {  	_ =	swait.ge [sflag:s13], $0x4000  }
0x226: {  	[sflag:s13] =	ssyncset.done $0x0  }
0x227: {  	s26 =	sadd.s32 $0xF0, s26;
	[sflag:s13] =	ssyncadd.s32 $0xFFFFC000  }
0x228: {  	[tilespmem:s16], [sflag:$0x4] =	stream.linear.gather [hbm4b:s26+s4], $0x80, $0x38;
	[tilespmem:$0x1C200] =	vst v63  }
0x229: {  	_ =	swait.ge [sflag:s18], $0x80  }
0x22a: {  	[sflag:s18] =	ssyncset.done $0x0  }
0x22b: {  	[sflag:s18] =	ssyncadd.s32 $0xFFFFFF80  }
0x22c: {  	[tilespmem:s19], [sflag:$0x6] =	stream.indirect.gather [hbm4b:s1+s15], $0x80, s15, s15, $0xb8;
	[tilespmem:$0x1C200] =	vst v63  }
0x22d: {  	_ =	swait.ge [sflag:s20], $0x4000  }
0x22e: {  	[sflag:s20] =	ssyncset.done $0x0  }
0x22f: {  	[sflag:s20] =	ssyncadd.s32 $0xFFFFC000  }
0x230: {  	_ =	swait.ge [sflag:s21], $0x80  }
0x231: {  	[sflag:s21] =	ssyncset.done $0x0  }
0x232: {  	[sflag:s21] =	ssyncadd.s32 $0xFFFFFF80  }
0x233: {  	[spmem:s3] =	stream.indirect.scatter.add.f32 [tilespmem:s12], [sflag:$0x7], $0x80, s14, s15, $0xb8;
	[tilespmem:$0x1C200] =	vst v63  }
0x234: {  	_ =	swait.ge [sflag:s13], $0x4000  }
0x235: {  	[sflag:s13] =	ssyncset.done $0x0  }
0x236: {  	[sflag:s13] =	ssyncadd.s32 $0xFFFFC000  }
0x237: {  	_ =	swait.ge [sflag:s22], $0x4000  }
0x238: {  	[sflag:s22] =	ssyncset.done $0x0  }
0x239: {  	p0 =	sne.s32 s25, $0x400;
	[sflag:s22] =	ssyncadd.s32 $0xFFFFC000  }
.Ltmp1:
0x23a: {  	_ =	swait.ge [sflag:s23], $0x80;
	(pc) =	sbr.rel @p0 .LBB2_4-.Ltmp1, $4  }
0x23b: {  	[sflag:s23] =	ssyncset.done $0x0  }
0x23c: {  	[sflag:s23] =	ssyncadd.s32 $0xFFFFFF80  }
0x23d: {  	[spmem:s3] =	stream.indirect.scatter.add.f32 [tilespmem:s19], [sflag:$0x7], $0x80, s16, s15, $0xb8;
	[tilespmem:$0x1C200] =	vst v63  }
0x23e: {  	s25 =	sadd.s32 $0x100, s25;
	_ =	swait.ge [sflag:s13], $0x4000  }
0x23f: {  	[sflag:s13] =	ssyncset.done $0x0;
	s25 =	sshll.u32 s0, $0x6;
	s24 =	sadd.s32 $0x1, s24  }
0x240: {  	s26 =	sshrl.u32 s5, $0x3;
	[sflag:s13] =	ssyncadd.s32 $0xFFFFC000;
	p0 =	sne.s32 s24, s7  }
.Ltmp2:
0x241: {  	s25 =	sor.u32 $0x1C07, s25;
	[bflag:$0x0] =	sbarrier.arrive $0xFFFF;
	(pc) =	sbr.rel @p0 .LBB2_1-.Ltmp2, $4  }
0x242: {  	[hbm:s6], [sflag:s25] =	dma.local [spmem:s26], $0x2800  }
0x243: {  	_ =	swait.ge [sflag:s13], $0x2800  }
0x244: {  	[sflag:s13] =	ssyncset.done $0x0  }
0x245: {  	[sflag:s13] =	ssyncadd.s32 $0xFFFFD800  }
0x246: {  	_ =	sfence.sel $0x180000  }
0x247: {  	[bflag:$0x0] =	sbarrier.arrive $0xFFFF  }
0x248: {  	p0 =	sne.s32 s0, $0x0;
	_ =	strace $0x90000047  }
0x249: {  	s0 =	sadd.s32 @!p0 $0x100000, s2;
	[bflag:$0x2] =	sbarrier.arrive $0xFFFF  }
0x24a: {  	[sflag:s0] =	ssyncadd.tile.s32 @!p0 $0x1;
	_ =	shalt  }
.Lfunc_end2:
_tile_overlayer_lowered:
.L_overlay_start_2:
0x24b: {  	(tag) =	ssettag $0x2  }
0x24c: {  	s0 =	rddreg [dreg:$0x0];
	s2 =	stileid.u32  }
0x24d: {  	s1 =	rddreg [dreg:$0x1];
	p0 =	sne.s32 s2, $0x0  }
0x24e: {  	s3 =	rddreg [dreg:$0x2];
	[bflag:$0x3] =	sbarrier.arrive $0xFFFF;
	s2 =	simm.s32 @!p0 $0x1C07  }
0x24f: {  	[timem:s3], [sflag:s2] =	dma.local @!p0 [hbm:s0], s1  }
0x250: {  	s0 =	simm.s32 @!p0 $0x7  }
0x251: {  	_ =	swait.ge @!p0 [sflag:s0], s1  }
0x252: {  	s1 =	ssub.s32 @!p0 $0x0, s1;
	[sflag:s0] =	ssyncset.done @!p0 $0x0  }
0x253: {  	[sflag:s0] =	ssyncadd.s32 @!p0 s1  }
0x254: {  	[bflag:$0x3] =	sbarrier.arrive $0xFFFF  }
0x255: {  	_ =	shalt  }

</sc_bundles>
